<compile_context>
chip_gen: v7x
topology: tpu7x:2x2x1
jax: 0.10.2.dev20260603
libtpu: 0.0.44.dev20260713+nightly
codegen_flags: <defaults>
</compile_context>

<pallas_src>
import functools

import jax
import jax.numpy as jnp
from jax import lax
from jax.experimental import pallas as pl
from jax.experimental.pallas import tpu as pltpu
from jax.experimental.pallas import tpu_sc as plsc

N = 10000
E = 320000
D = 128
K = 16
ALPHA = 0.05
COEF = (1.0 - ALPHA) / K

NC = 2
NS = 16
NW = NC * NS

N2 = 10240
RPT = N2 // NS
NCHUNK = 81
EPT = NCHUNK * 128
E2 = NW * EPT

_GATHER_DNUMS = jax.lax.GatherDimensionNumbers(
    offset_dims=(), collapsed_slice_dims=(0,), start_index_map=(0,))


def _lane_bcast(v16, e):
    idx = jnp.full((16, 1), e, dtype=jnp.int32)
    return jax.lax.gather(v16, idx, _GATHER_DNUMS, (1,),
                          mode=jax.lax.GatherScatterMode.PROMISE_IN_BOUNDS)


def _onehot(e):
    lanes = lax.iota(jnp.int32, 16)
    return jnp.where(lanes == e, jnp.float32(1.0), jnp.float32(0.0))


def _norm_body(dinvrep_hbm, eidx_hbm, ew_hbm, nrm_hbm,
               ebuf, wbuf, dr, dc, nout, sem):
    cid = lax.axis_index("c")
    sid = lax.axis_index("s")
    wid = cid * NS + sid

    def chunk_body(j, _):
        pltpu.sync_copy(eidx_hbm.at[wid, j], ebuf)
        pltpu.sync_copy(ew_hbm.at[wid, j], wbuf)
        pltpu.async_copy(dinvrep_hbm.at[ebuf.at[0]], dr, sem).wait()
        pltpu.async_copy(dinvrep_hbm.at[ebuf.at[1]], dc, sem).wait()

        def g_body(q, _):
            sl = pl.ds(q * 16, 16)
            nv = jnp.zeros((16,), jnp.float32)
            for e in range(16):
                k = q * 16 + e
                nv = nv + dr[k, :] * dc[k, :] * _onehot(e)
            nout[sl] = nv * wbuf[sl]
            return 0

        lax.fori_loop(0, 8, g_body, 0)
        pltpu.sync_copy(nout, nrm_hbm.at[wid, j])
        return 0

    lax.fori_loop(0, NCHUNK, chunk_body, 0)


_norm = functools.partial(
    pl.kernel,
    out_type=jax.ShapeDtypeStruct((NW, NCHUNK, 128), jnp.float32),
    mesh=plsc.VectorSubcoreMesh(core_axis_name="c", subcore_axis_name="s"),
    compiler_params=pltpu.CompilerParams(use_tc_tiling_on_sc=False),
    scratch_types=[
        pltpu.VMEM((2, 128), jnp.int32),
        pltpu.VMEM((128,), jnp.float32),
        pltpu.VMEM((128, 16), jnp.float32),
        pltpu.VMEM((128, 16), jnp.float32),
        pltpu.VMEM((128,), jnp.float32),
        pltpu.SemaphoreType.DMA,
    ],
)(_norm_body)


def _step_body(cur_hbm, eidx_hbm, nrm_hbm, zeros_hbm,
               p0_hbm, p1_hbm,
               ebuf, nbuf, rowsv, agg, sem):
    cid = lax.axis_index("c")
    sid = lax.axis_index("s")
    wid = cid * NS + sid

    pltpu.sync_copy(zeros_hbm, agg.at[pl.ds(sid * RPT, RPT)])
    plsc.subcore_barrier()

    def chunk_body(j, _):
        pltpu.sync_copy(eidx_hbm.at[wid, j], ebuf)
        pltpu.sync_copy(nrm_hbm.at[wid, j], nbuf)
        pltpu.async_copy(cur_hbm.at[ebuf.at[0]], rowsv, sem).wait()

        def g_body(g, _):
            nv = nbuf[pl.ds(g * 16, 16)]
            for e in range(16):
                r = g * 16 + e
                s = _lane_bcast(nv, e)
                for f in range(8):
                    sl = pl.ds(f * 16, 16)
                    rowsv[r, sl] = rowsv[r, sl] * s
            return 0

        lax.fori_loop(0, 8, g_body, 0)

        pltpu.sync_copy(rowsv, agg.at[ebuf.at[1]], add=True)
        return 0

    lax.fori_loop(0, NCHUNK, chunk_body, 0)
    plsc.subcore_barrier()

    sl = pl.ds(sid * RPT, RPT)

    @pl.when(cid == 0)
    def _():
        pltpu.sync_copy(agg.at[sl], p0_hbm.at[sl])

    @pl.when(cid == 1)
    def _():
        pltpu.sync_copy(agg.at[sl], p1_hbm.at[sl])


_step = functools.partial(
    pl.kernel,
    out_type=(jax.ShapeDtypeStruct((N2, D), jnp.float32),
              jax.ShapeDtypeStruct((N2, D), jnp.float32)),
    mesh=plsc.VectorSubcoreMesh(core_axis_name="c", subcore_axis_name="s"),
    scratch_types=[
        pltpu.VMEM((2, 128), jnp.int32),
        pltpu.VMEM((128,), jnp.float32),
        pltpu.VMEM((128, D), jnp.float32),
        pltpu.VMEM_SHARED((N2, D), jnp.float32),
        pltpu.SemaphoreType.DMA,
    ],
)(_step_body)


def _combine_body(p0_ref, p1_ref, s_ref, cur_ref, so_ref):
    v = p0_ref[...] + p1_ref[...]
    cur_ref[...] = v
    so_ref[...] = s_ref[...] + v


def _combine(p0, p1, s):
    blk = 1024
    spec = pl.BlockSpec((blk, D), lambda i: (i, 0))
    return pl.pallas_call(
        _combine_body,
        grid=(N2 // blk,),
        in_specs=[spec, spec, spec],
        out_specs=(spec, spec),
        out_shape=(jax.ShapeDtypeStruct((N2, D), jnp.float32),
                   jax.ShapeDtypeStruct((N2, D), jnp.float32)),
    )(p0, p1, s)


def _final_body(x_ref, s_ref, wt_ref, b_ref, o_ref):
    h = ALPHA * x_ref[...] + COEF * s_ref[...]
    o_ref[...] = jnp.dot(h, wt_ref[...],
                         preferred_element_type=jnp.float32) + b_ref[...]


def _final(x, s, wt, b2):
    blk = 2000
    spec = pl.BlockSpec((blk, D), lambda i: (i, 0))
    return pl.pallas_call(
        _final_body,
        grid=(N // blk,),
        in_specs=[spec, spec,
                  pl.BlockSpec((D, D), lambda i: (0, 0)),
                  pl.BlockSpec((1, D), lambda i: (0, 0))],
        out_specs=spec,
        out_shape=jax.ShapeDtypeStruct((N, D), jnp.float32),
    )(x, s, wt, b2)


def kernel(x, edge_index, edge_weight, W, b):
    row, col = edge_index[0], edge_index[1]
    mask = row != col
    ew = jnp.where(mask, edge_weight, 0.0)
    loop_w = jnp.ones((N,), x.dtype).at[
        jnp.where(mask, N, row)].set(edge_weight, mode="drop")
    deg = jnp.zeros((N,), x.dtype).at[col].add(ew) + loop_w
    safe = deg > 0
    dinv = jnp.where(safe, lax.rsqrt(jnp.where(safe, deg, 1.0)), 0.0)

    nodes = jnp.arange(N, dtype=jnp.int32)
    pad = E2 - (E + N)
    rows_all = jnp.concatenate(
        [row, nodes, jnp.zeros((pad,), jnp.int32)]).reshape(NW, NCHUNK, 128)
    cols_all = jnp.concatenate(
        [col, nodes, jnp.zeros((pad,), jnp.int32)]).reshape(NW, NCHUNK, 128)
    ew_all = jnp.concatenate(
        [ew, loop_w, jnp.zeros((pad,), jnp.float32)]).reshape(NW, NCHUNK, 128)
    eidx = jnp.stack([rows_all, cols_all], axis=2)
    dinv_pad = jnp.zeros((N2,), jnp.float32).at[:N].set(dinv)
    dinvrep = jnp.broadcast_to(dinv_pad[:, None], (N2, 16))

    nrm = _norm(dinvrep, eidx, ew_all)

    cur0 = jnp.zeros((N2, D), jnp.float32).at[:N].set(x)
    s0 = jnp.zeros((N2, D), jnp.float32)
    zeros = jnp.zeros((RPT, D), jnp.float32)

    def k_body(_, carry):
        cur, s = carry
        p0, p1 = _step(cur, eidx, nrm, zeros)
        return _combine(p0, p1, s)

    _, s = lax.fori_loop(0, K, k_body, (cur0, s0))

    return _final(x, s[:N], W.T, b[None, :])

# --- scband reference (transcript-rebuilt; emitter-appended) ---
"""Pipeline reference for scband-ssggraph-convolution-70669391888693 (READ-ONLY COPY).

The authoritative reference and input builder live on the scoring server;
editing this copy changes nothing except your own understanding.
"""

import jax, jax.numpy as jnp
import numpy as np

N = 10000
E = 320000
D_IN = 128
D_OUT = 128
K = 16
ALPHA = 0.05


def setup_inputs(seed: int = 0):
    key = jax.random.key(seed)
    k1, k2, k3, k4, k5 = jax.random.split(key, 5)
    x = jax.random.normal(k1, (N, D_IN), dtype=jnp.float32)
    edge_index = jax.random.randint(k2, (2, E), 0, N, dtype=jnp.int32)
    edge_weight = jax.random.uniform(k3, (E,), dtype=jnp.float32)
    lim = 1.0 / float(np.sqrt(D_IN))
    W = jax.random.uniform(k4, (D_OUT, D_IN), minval=-lim, maxval=lim, dtype=jnp.float32)
    b = jax.random.uniform(k5, (D_OUT,), minval=-lim, maxval=lim, dtype=jnp.float32)
    return {"x": x, "edge_index": edge_index, "edge_weight": edge_weight, "W": W, "b": b}


def _ssg_forward(x, edge_weight, W, b, edge_index):
    # SSGConv (PyG): gcn_norm with add_remaining_self_loops, then
    # h = alpha*x + (1-alpha)/K * sum_{k=1..K} A_hat^k x, out = h @ W.T + b
    row, col = edge_index[0], edge_index[1]
    mask = row != col
    # add_remaining_self_loops with fixed shapes: zero-out existing self-loop
    # edges and move their weights into the per-node loop weight (default 1.0)
    ew = jnp.where(mask, edge_weight, 0.0)
    loop_w = jnp.ones((N,), dtype=x.dtype)
    self_rows = jnp.where(mask, N, row)  # out-of-range index for non-self edges -> dropped
    loop_w = loop_w.at[self_rows].set(edge_weight, mode='drop')
    # symmetric GCN normalization: deg over destination (col) + self loops
    deg = jnp.zeros((N,), dtype=x.dtype).at[col].add(ew) + loop_w
    safe = deg > 0
    dinv = jnp.where(safe, jax.lax.rsqrt(jnp.where(safe, deg, 1.0)), 0.0)
    norm_e = dinv[row] * ew * dinv[col]
    norm_loop = dinv * loop_w * dinv
    h = ALPHA * x
    cur = x
    for _ in range(K):
        # propagate: message x_j * norm from source row -> target col (scatter-add)
        agg = jnp.zeros_like(cur).at[col].add(norm_e[:, None] * cur[row])
        cur = agg + norm_loop[:, None] * cur
        h = h + (1.0 - ALPHA) / K * cur
    return h @ W.T + b


def reference(x, edge_index, edge_weight, W, b):
    return _ssg_forward(x, edge_weight, W, b, edge_index)

if __name__ == "__main__":
    import jax
    _d = setup_inputs()
    print(jax.jit(kernel)(*tuple(_d.values())))

</pallas_src>

<mosaic_0001>
#map = affine_map<(d0, d1) -> (0, 0)>
#map1 = affine_map<(d0, d1) -> (0, 0, 0, 0)>
#map2 = affine_map<(d0, d1) -> (0, 0, 0)>
module attributes {stable_mosaic.version = 14 : i64} {
  func.func @_step_body(%arg0: i32, %arg1: i32, %arg2: memref<10240x128xf32, #tpu.memory_space<hbm>>, %arg3: memref<32x81x2x128xi32, #tpu.memory_space<hbm>>, %arg4: memref<32x81x128xf32, #tpu.memory_space<hbm>>, %arg5: memref<640x128xf32, #tpu.memory_space<hbm>>, %arg6: memref<10240x128xf32, #tpu.memory_space<hbm>>, %arg7: memref<10240x128xf32, #tpu.memory_space<hbm>>, %arg8: memref<2x128xi32, #tpu.memory_space<vmem>>, %arg9: memref<128xf32, #tpu.memory_space<vmem>>, %arg10: memref<128x128xf32, #tpu.memory_space<vmem>>, %arg11: memref<10240x128xf32, #tpu.memory_space<vmem_shared>>, %arg12: memref<!tpu.dma_semaphore, #tpu.memory_space<semaphore_mem>>) attributes {dimension_semantics = [#tpu.dimension_semantics<core_parallel>, #tpu.dimension_semantics<subcore_parallel>], iteration_bounds = array<i64: 2, 16>, scalar_prefetch = 0 : i64, scratch_operands = 5 : i64, tpu.core_type = #tpu.core_type<sc_vector_subcore>, window_params = [{transform_indices = #map}, {transform_indices = #map1}, {transform_indices = #map2}, {transform_indices = #map}, {transform_indices = #map}, {transform_indices = #map}]} {
    %mul3A = arith.constant 16 : i32
    %mul3A_0 = arith.muli %arg0, %mul3A : i32
    %add3A = arith.addi %mul3A_0, %arg1 : i32
    %mul3A_1 = arith.constant 640 : i32
    %mul3A_2 = arith.muli %arg1, %mul3A_1 : i32
    "tpu.region"() ({
      %run_scoped3A = tpu.sem_alloc : memref<!tpu.dma_semaphore, #tpu.memory_space<semaphore_mem>>
      %dma_start3A = arith.constant 0 : i32
      %dma_start3A_19 = tpu.memref_slice %arg11[%mul3A_2, %dma_start3A] : memref<10240x128xf32, #tpu.memory_space<vmem_shared>> -> memref<640x128xf32, #tpu.memory_space<vmem_shared>>
      tpu.enqueue_dma source(%arg5 : memref<640x128xf32, #tpu.memory_space<hbm>>) target(%dma_start3A_19 : memref<640x128xf32, #tpu.memory_space<vmem_shared>>) target_semaphore(%run_scoped3A : memref<!tpu.dma_semaphore, #tpu.memory_space<semaphore_mem>>)
      %dma_wait3A = arith.constant 0 : i32
      %dma_wait3A_20 = tpu.memref_slice %arg11[%mul3A_2, %dma_wait3A] : memref<10240x128xf32, #tpu.memory_space<vmem_shared>> -> memref<640x128xf32, #tpu.memory_space<vmem_shared>>
      tpu.wait_dma2 semaphore(%run_scoped3A : memref<!tpu.dma_semaphore, #tpu.memory_space<semaphore_mem>>) src(%arg5 : memref<640x128xf32, #tpu.memory_space<hbm>>) dst(%dma_wait3A_20 : memref<640x128xf32, #tpu.memory_space<vmem_shared>>)
      tpu.yield
    }) : () -> ()
    %barrier3A = arith.constant 0 : index
    tpu.barrier barrier_id(%barrier3A)
    %scan3A = arith.constant 0 : i32
    %scan3A_3 = arith.constant 0 : i32
    %scan3A_4 = arith.constant 81 : i32
    %scan3A_5 = arith.addi %scan3A_3, %scan3A_4 : i32
    %scan3A_6 = arith.constant 1 : i32
    %scan3A_7 = scf.for %scan3A_19 = %scan3A_3 to %scan3A_5 step %scan3A_6 iter_args(%scan3A_20 = %scan3A) -> (i32)  : i32 {
      "tpu.region"() ({
        %run_scoped3A_41 = tpu.sem_alloc : memref<!tpu.dma_semaphore, #tpu.memory_space<semaphore_mem>>
        %dma_start3A_42 = arith.constant 0 : i32
        %dma_start3A_43 = arith.constant 0 : i32
        %dma_start3A_44 = tpu.memref_slice %arg3[%add3A, %scan3A_19, %dma_start3A_42, %dma_start3A_43] : memref<32x81x2x128xi32, #tpu.memory_space<hbm>> -> memref<1x1x2x128xi32, #tpu.memory_space<hbm>>
        %dma_start3A_45 = tpu.memref_squeeze %dma_start3A_44 : memref<1x1x2x128xi32, #tpu.memory_space<hbm>> -> memref<2x128xi32, #tpu.memory_space<hbm>>
        %dma_start3A_46 = arith.constant 0 : i32
        %dma_start3A_47 = arith.constant 0 : i32
        %dma_start3A_48 = tpu.memref_slice %arg3[%add3A, %scan3A_19, %dma_start3A_46, %dma_start3A_47] : memref<32x81x2x128xi32, #tpu.memory_space<hbm>> -> memref<1x1x2x128xi32, #tpu.memory_space<hbm>>
        %dma_start3A_49 = tpu.memref_squeeze %dma_start3A_48 : memref<1x1x2x128xi32, #tpu.memory_space<hbm>> -> memref<2x128xi32, #tpu.memory_space<hbm>>
        tpu.enqueue_dma source(%dma_start3A_49 : memref<2x128xi32, #tpu.memory_space<hbm>>) target(%arg8 : memref<2x128xi32, #tpu.memory_space<vmem>>) target_semaphore(%run_scoped3A_41 : memref<!tpu.dma_semaphore, #tpu.memory_space<semaphore_mem>>)
        %dma_wait3A_50 = arith.constant 0 : i32
        %dma_wait3A_51 = arith.constant 0 : i32
        %dma_wait3A_52 = tpu.memref_slice %arg3[%add3A, %scan3A_19, %dma_wait3A_50, %dma_wait3A_51] : memref<32x81x2x128xi32, #tpu.memory_space<hbm>> -> memref<1x1x2x128xi32, #tpu.memory_space<hbm>>
        %dma_wait3A_53 = tpu.memref_squeeze %dma_wait3A_52 : memref<1x1x2x128xi32, #tpu.memory_space<hbm>> -> memref<2x128xi32, #tpu.memory_space<hbm>>
        %dma_wait3A_54 = arith.constant 0 : i32
        %dma_wait3A_55 = arith.constant 0 : i32
        %dma_wait3A_56 = tpu.memref_slice %arg3[%add3A, %scan3A_19, %dma_wait3A_54, %dma_wait3A_55] : memref<32x81x2x128xi32, #tpu.memory_space<hbm>> -> memref<1x1x2x128xi32, #tpu.memory_space<hbm>>
        %dma_wait3A_57 = tpu.memref_squeeze %dma_wait3A_56 : memref<1x1x2x128xi32, #tpu.memory_space<hbm>> -> memref<2x128xi32, #tpu.memory_space<hbm>>
        tpu.wait_dma2 semaphore(%run_scoped3A_41 : memref<!tpu.dma_semaphore, #tpu.memory_space<semaphore_mem>>) src(%dma_wait3A_57 : memref<2x128xi32, #tpu.memory_space<hbm>>) dst(%arg8 : memref<2x128xi32, #tpu.memory_space<vmem>>)
        tpu.yield
      }) : () -> ()
      "tpu.region"() ({
        %run_scoped3A_41 = tpu.sem_alloc : memref<!tpu.dma_semaphore, #tpu.memory_space<semaphore_mem>>
        %dma_start3A_42 = arith.constant 0 : i32
        %dma_start3A_43 = tpu.memref_slice %arg4[%add3A, %scan3A_19, %dma_start3A_42] : memref<32x81x128xf32, #tpu.memory_space<hbm>> -> memref<1x1x128xf32, #tpu.memory_space<hbm>>
        %dma_start3A_44 = tpu.memref_squeeze %dma_start3A_43 : memref<1x1x128xf32, #tpu.memory_space<hbm>> -> memref<128xf32, #tpu.memory_space<hbm>>
        %dma_start3A_45 = arith.constant 0 : i32
        %dma_start3A_46 = tpu.memref_slice %arg4[%add3A, %scan3A_19, %dma_start3A_45] : memref<32x81x128xf32, #tpu.memory_space<hbm>> -> memref<1x1x128xf32, #tpu.memory_space<hbm>>
        %dma_start3A_47 = tpu.memref_squeeze %dma_start3A_46 : memref<1x1x128xf32, #tpu.memory_space<hbm>> -> memref<128xf32, #tpu.memory_space<hbm>>
        tpu.enqueue_dma source(%dma_start3A_47 : memref<128xf32, #tpu.memory_space<hbm>>) target(%arg9 : memref<128xf32, #tpu.memory_space<vmem>>) target_semaphore(%run_scoped3A_41 : memref<!tpu.dma_semaphore, #tpu.memory_space<semaphore_mem>>)
        %dma_wait3A_48 = arith.constant 0 : i32
        %dma_wait3A_49 = tpu.memref_slice %arg4[%add3A, %scan3A_19, %dma_wait3A_48] : memref<32x81x128xf32, #tpu.memory_space<hbm>> -> memref<1x1x128xf32, #tpu.memory_space<hbm>>
        %dma_wait3A_50 = tpu.memref_squeeze %dma_wait3A_49 : memref<1x1x128xf32, #tpu.memory_space<hbm>> -> memref<128xf32, #tpu.memory_space<hbm>>
        %dma_wait3A_51 = arith.constant 0 : i32
        %dma_wait3A_52 = tpu.memref_slice %arg4[%add3A, %scan3A_19, %dma_wait3A_51] : memref<32x81x128xf32, #tpu.memory_space<hbm>> -> memref<1x1x128xf32, #tpu.memory_space<hbm>>
        %dma_wait3A_53 = tpu.memref_squeeze %dma_wait3A_52 : memref<1x1x128xf32, #tpu.memory_space<hbm>> -> memref<128xf32, #tpu.memory_space<hbm>>
        tpu.wait_dma2 semaphore(%run_scoped3A_41 : memref<!tpu.dma_semaphore, #tpu.memory_space<semaphore_mem>>) src(%dma_wait3A_53 : memref<128xf32, #tpu.memory_space<hbm>>) dst(%arg9 : memref<128xf32, #tpu.memory_space<vmem>>)
        tpu.yield
      }) : () -> ()
      %dma_start3A = arith.constant 0 : i32
      %dma_start3A_21 = arith.constant 0 : i32
      %dma_start3A_22 = tpu.memref_slice %arg8[%dma_start3A, %dma_start3A_21] : memref<2x128xi32, #tpu.memory_space<vmem>> -> memref<1x128xi32, #tpu.memory_space<vmem>>
      %dma_start3A_23 = tpu.memref_squeeze %dma_start3A_22 : memref<1x128xi32, #tpu.memory_space<vmem>> -> memref<128xi32, #tpu.memory_space<vmem>>
      %dma_start3A_24 = arith.constant 0 : i32
      %dma_start3A_25 = arith.constant 0 : i32
      %dma_start3A_26 = tpu.memref_slice %arg2[%dma_start3A_24, %dma_start3A_25] : memref<10240x128xf32, #tpu.memory_space<hbm>> -> memref<10240x128xf32, #tpu.memory_space<hbm>>
      tpu.enqueue_indirect_dma source(%dma_start3A_26 : memref<10240x128xf32, #tpu.memory_space<hbm>>) target(%arg10 : memref<128x128xf32, #tpu.memory_space<vmem>>) offsets(%dma_start3A_23 : memref<128xi32, #tpu.memory_space<vmem>>) semaphore(%arg12 : memref<!tpu.dma_semaphore, #tpu.memory_space<semaphore_mem>>)
      %dma_wait3A = arith.constant 0 : i32
      %dma_wait3A_27 = arith.constant 0 : i32
      %dma_wait3A_28 = tpu.memref_slice %arg8[%dma_wait3A, %dma_wait3A_27] : memref<2x128xi32, #tpu.memory_space<vmem>> -> memref<1x128xi32, #tpu.memory_space<vmem>>
      %dma_wait3A_29 = tpu.memref_squeeze %dma_wait3A_28 : memref<1x128xi32, #tpu.memory_space<vmem>> -> memref<128xi32, #tpu.memory_space<vmem>>
      %dma_wait3A_30 = arith.constant 0 : i32
      %dma_wait3A_31 = arith.constant 0 : i32
      %dma_wait3A_32 = tpu.memref_slice %arg2[%dma_wait3A_30, %dma_wait3A_31] : memref<10240x128xf32, #tpu.memory_space<hbm>> -> memref<10240x128xf32, #tpu.memory_space<hbm>>
      tpu.wait_indirect_dma semaphore(%arg12 : memref<!tpu.dma_semaphore, #tpu.memory_space<semaphore_mem>>) src(%dma_wait3A_32 : memref<10240x128xf32, #tpu.memory_space<hbm>>) dst(%arg10 : memref<128x128xf32, #tpu.memory_space<vmem>>)
      %scan3A_33 = arith.constant 0 : i32
      %scan3A_34 = arith.constant 0 : i32
      %scan3A_35 = arith.constant 8 : i32
      %scan3A_36 = arith.addi %scan3A_34, %scan3A_35 : i32
      %scan3A_37 = arith.constant 1 : i32
      %scan3A_38 = scf.for %scan3A_41 = %scan3A_34 to %scan3A_36 step %scan3A_37 iter_args(%scan3A_42 = %scan3A_33) -> (i32)  : i32 {
        %mul3A_43 = arith.constant 16 : i32
        %mul3A_44 = arith.muli %scan3A_41, %mul3A_43 : i32
        %get3A = arith.index_cast %mul3A_44 : i32 to index
        %get3A_45 = tpu.vector_load %arg9[%get3A] {strides = array<i32>} : memref<128xf32, #tpu.memory_space<vmem>>, vector<16xf32>,
        %get3A_46 = vector.shape_cast %get3A_45 : vector<16xf32> to vector<16xf32>
        %mul3A_47 = arith.constant 16 : i32
        %mul3A_48 = arith.muli %scan3A_41, %mul3A_47 : i32
        %add3A_49 = arith.constant 0 : i32
        %add3A_50 = arith.addi %mul3A_48, %add3A_49 : i32
        %broadcast_in_dim3A = arith.constant 0 : i32
        %broadcast_in_dim3A_51 = vector.broadcast %broadcast_in_dim3A : i32 to vector<16x1xi32>
        %gather3A = vector.shape_cast %broadcast_in_dim3A_51 : vector<16x1xi32> to vector<16xi32>
        %gather3A_52 = tpu.dynamic_gather %get3A_46[%gather3A] in [0] : vector<16xf32>, vector<16xi32> -> vector<16xf32>
        %get3A_53 = arith.index_cast %add3A_50 : i32 to index
        %get3A_54 = arith.constant 0 : index
        %get3A_55 = tpu.vector_load %arg10[%get3A_53, %get3A_54] {strides = array<i32>} : memref<128x128xf32, #tpu.memory_space<vmem>>, vector<1x16xf32>,
        %get3A_56 = vector.shape_cast %get3A_55 : vector<1x16xf32> to vector<16xf32>
        %mul3A_57 = arith.mulf %get3A_56, %gather3A_52 : vector<16xf32>
        %swap3A = arith.index_cast %add3A_50 : i32 to index
        %swap3A_58 = arith.constant 0 : index
        %swap3A_59 = tpu.vector_load %arg10[%swap3A, %swap3A_58] {strides = array<i32>} : memref<128x128xf32, #tpu.memory_space<vmem>>, vector<1x16xf32>,
        %swap3A_60 = vector.shape_cast %swap3A_59 : vector<1x16xf32> to vector<16xf32>
        %swap3A_61 = vector.shape_cast %mul3A_57 : vector<16xf32> to vector<1x16xf32>
        tpu.vector_store %arg10[%swap3A, %swap3A_58], %swap3A_61 {strides = array<i32>} : memref<128x128xf32, #tpu.memory_space<vmem>>, vector<1x16xf32>,
        %get3A_62 = arith.index_cast %add3A_50 : i32 to index
        %get3A_63 = arith.constant 16 : index
        %get3A_64 = tpu.vector_load %arg10[%get3A_62, %get3A_63] {strides = array<i32>} : memref<128x128xf32, #tpu.memory_space<vmem>>, vector<1x16xf32>,
        %get3A_65 = vector.shape_cast %get3A_64 : vector<1x16xf32> to vector<16xf32>
        %mul3A_66 = arith.mulf %get3A_65, %gather3A_52 : vector<16xf32>
        %swap3A_67 = arith.index_cast %add3A_50 : i32 to index
        %swap3A_68 = arith.constant 16 : index
        %swap3A_69 = tpu.vector_load %arg10[%swap3A_67, %swap3A_68] {strides = array<i32>} : memref<128x128xf32, #tpu.memory_space<vmem>>, vector<1x16xf32>,
        %swap3A_70 = vector.shape_cast %swap3A_69 : vector<1x16xf32> to vector<16xf32>
        %swap3A_71 = vector.shape_cast %mul3A_66 : vector<16xf32> to vector<1x16xf32>
        tpu.vector_store %arg10[%swap3A_67, %swap3A_68], %swap3A_71 {strides = array<i32>} : memref<128x128xf32, #tpu.memory_space<vmem>>, vector<1x16xf32>,
        %get3A_72 = arith.index_cast %add3A_50 : i32 to index
        %get3A_73 = arith.constant 32 : index
        %get3A_74 = tpu.vector_load %arg10[%get3A_72, %get3A_73] {strides = array<i32>} : memref<128x128xf32, #tpu.memory_space<vmem>>, vector<1x16xf32>,
        %get3A_75 = vector.shape_cast %get3A_74 : vector<1x16xf32> to vector<16xf32>
        %mul3A_76 = arith.mulf %get3A_75, %gather3A_52 : vector<16xf32>
        %swap3A_77 = arith.index_cast %add3A_50 : i32 to index
        %swap3A_78 = arith.constant 32 : index
        %swap3A_79 = tpu.vector_load %arg10[%swap3A_77, %swap3A_78] {strides = array<i32>} : memref<128x128xf32, #tpu.memory_space<vmem>>, vector<1x16xf32>,
        %swap3A_80 = vector.shape_cast %swap3A_79 : vector<1x16xf32> to vector<16xf32>
        %swap3A_81 = vector.shape_cast %mul3A_76 : vector<16xf32> to vector<1x16xf32>
        tpu.vector_store %arg10[%swap3A_77, %swap3A_78], %swap3A_81 {strides = array<i32>} : memref<128x128xf32, #tpu.memory_space<vmem>>, vector<1x16xf32>,
        %get3A_82 = arith.index_cast %add3A_50 : i32 to index
        %get3A_83 = arith.constant 48 : index
        %get3A_84 = tpu.vector_load %arg10[%get3A_82, %get3A_83] {strides = array<i32>} : memref<128x128xf32, #tpu.memory_space<vmem>>, vector<1x16xf32>,
        %get3A_85 = vector.shape_cast %get3A_84 : vector<1x16xf32> to vector<16xf32>
        %mul3A_86 = arith.mulf %get3A_85, %gather3A_52 : vector<16xf32>
        %swap3A_87 = arith.index_cast %add3A_50 : i32 to index
        %swap3A_88 = arith.constant 48 : index
        %swap3A_89 = tpu.vector_load %arg10[%swap3A_87, %swap3A_88] {strides = array<i32>} : memref<128x128xf32, #tpu.memory_space<vmem>>, vector<1x16xf32>,
        %swap3A_90 = vector.shape_cast %swap3A_89 : vector<1x16xf32> to vector<16xf32>
        %swap3A_91 = vector.shape_cast %mul3A_86 : vector<16xf32> to vector<1x16xf32>
        tpu.vector_store %arg10[%swap3A_87, %swap3A_88], %swap3A_91 {strides = array<i32>} : memref<128x128xf32, #tpu.memory_space<vmem>>, vector<1x16xf32>,
        %get3A_92 = arith.index_cast %add3A_50 : i32 to index
        %get3A_93 = arith.constant 64 : index
        %get3A_94 = tpu.vector_load %arg10[%get3A_92, %get3A_93] {strides = array<i32>} : memref<128x128xf32, #tpu.memory_space<vmem>>, vector<1x16xf32>,
        %get3A_95 = vector.shape_cast %get3A_94 : vector<1x16xf32> to vector<16xf32>
        %mul3A_96 = arith.mulf %get3A_95, %gather3A_52 : vector<16xf32>
        %swap3A_97 = arith.index_cast %add3A_50 : i32 to index
        %swap3A_98 = arith.constant 64 : index
        %swap3A_99 = tpu.vector_load %arg10[%swap3A_97, %swap3A_98] {strides = array<i32>} : memref<128x128xf32, #tpu.memory_space<vmem>>, vector<1x16xf32>,
        %swap3A_100 = vector.shape_cast %swap3A_99 : vector<1x16xf32> to vector<16xf32>
        %swap3A_101 = vector.shape_cast %mul3A_96 : vector<16xf32> to vector<1x16xf32>
        tpu.vector_store %arg10[%swap3A_97, %swap3A_98], %swap3A_101 {strides = array<i32>} : memref<128x128xf32, #tpu.memory_space<vmem>>, vector<1x16xf32>,
        %get3A_102 = arith.index_cast %add3A_50 : i32 to index
        %get3A_103 = arith.constant 80 : index
        %get3A_104 = tpu.vector_load %arg10[%get3A_102, %get3A_103] {strides = array<i32>} : memref<128x128xf32, #tpu.memory_space<vmem>>, vector<1x16xf32>,
        %get3A_105 = vector.shape_cast %get3A_104 : vector<1x16xf32> to vector<16xf32>
        %mul3A_106 = arith.mulf %get3A_105, %gather3A_52 : vector<16xf32>
        %swap3A_107 = arith.index_cast %add3A_50 : i32 to index
        %swap3A_108 = arith.constant 80 : index
        %swap3A_109 = tpu.vector_load %arg10[%swap3A_107, %swap3A_108] {strides = array<i32>} : memref<128x128xf32, #tpu.memory_space<vmem>>, vector<1x16xf32>,
        %swap3A_110 = vector.shape_cast %swap3A_109 : vector<1x16xf32> to vector<16xf32>
        %swap3A_111 = vector.shape_cast %mul3A_106 : vector<16xf32> to vector<1x16xf32>
        tpu.vector_store %arg10[%swap3A_107, %swap3A_108], %swap3A_111 {strides = array<i32>} : memref<128x128xf32, #tpu.memory_space<vmem>>, vector<1x16xf32>,
        %get3A_112 = arith.index_cast %add3A_50 : i32 to index
        %get3A_113 = arith.constant 96 : index
        %get3A_114 = tpu.vector_load %arg10[%get3A_112, %get3A_113] {strides = array<i32>} : memref<128x128xf32, #tpu.memory_space<vmem>>, vector<1x16xf32>,
        %get3A_115 = vector.shape_cast %get3A_114 : vector<1x16xf32> to vector<16xf32>
        %mul3A_116 = arith.mulf %get3A_115, %gather3A_52 : vector<16xf32>
        %swap3A_117 = arith.index_cast %add3A_50 : i32 to index
        %swap3A_118 = arith.constant 96 : index
        %swap3A_119 = tpu.vector_load %arg10[%swap3A_117, %swap3A_118] {strides = array<i32>} : memref<128x128xf32, #tpu.memory_space<vmem>>, vector<1x16xf32>,
        %swap3A_120 = vector.shape_cast %swap3A_119 : vector<1x16xf32> to vector<16xf32>
        %swap3A_121 = vector.shape_cast %mul3A_116 : vector<16xf32> to vector<1x16xf32>
        tpu.vector_store %arg10[%swap3A_117, %swap3A_118], %swap3A_121 {strides = array<i32>} : memref<128x128xf32, #tpu.memory_space<vmem>>, vector<1x16xf32>,
        %get3A_122 = arith.index_cast %add3A_50 : i32 to index
        %get3A_123 = arith.constant 112 : index
        %get3A_124 = tpu.vector_load %arg10[%get3A_122, %get3A_123] {strides = array<i32>} : memref<128x128xf32, #tpu.memory_space<vmem>>, vector<1x16xf32>,
        %get3A_125 = vector.shape_cast %get3A_124 : vector<1x16xf32> to vector<16xf32>
        %mul3A_126 = arith.mulf %get3A_125, %gather3A_52 : vector<16xf32>
        %swap3A_127 = arith.index_cast %add3A_50 : i32 to index
        %swap3A_128 = arith.constant 112 : index
        %swap3A_129 = tpu.vector_load %arg10[%swap3A_127, %swap3A_128] {strides = array<i32>} : memref<128x128xf32, #tpu.memory_space<vmem>>, vector<1x16xf32>,
        %swap3A_130 = vector.shape_cast %swap3A_129 : vector<1x16xf32> to vector<16xf32>
        %swap3A_131 = vector.shape_cast %mul3A_126 : vector<16xf32> to vector<1x16xf32>
        tpu.vector_store %arg10[%swap3A_127, %swap3A_128], %swap3A_131 {strides = array<i32>} : memref<128x128xf32, #tpu.memory_space<vmem>>, vector<1x16xf32>,
        %mul3A_132 = arith.constant 16 : i32
        %mul3A_133 = arith.muli %scan3A_41, %mul3A_132 : i32
        %add3A_134 = arith.constant 1 : i32
        %add3A_135 = arith.addi %mul3A_133, %add3A_134 : i32
        %broadcast_in_dim3A_136 = arith.constant 1 : i32
        %broadcast_in_dim3A_137 = vector.broadcast %broadcast_in_dim3A_136 : i32 to vector<16x1xi32>
        %gather3A_138 = vector.shape_cast %broadcast_in_dim3A_137 : vector<16x1xi32> to vector<16xi32>
        %gather3A_139 = tpu.dynamic_gather %get3A_46[%gather3A_138] in [0] : vector<16xf32>, vector<16xi32> -> vector<16xf32>
        %get3A_140 = arith.index_cast %add3A_135 : i32 to index
        %get3A_141 = arith.constant 0 : index
        %get3A_142 = tpu.vector_load %arg10[%get3A_140, %get3A_141] {strides = array<i32>} : memref<128x128xf32, #tpu.memory_space<vmem>>, vector<1x16xf32>,
        %get3A_143 = vector.shape_cast %get3A_142 : vector<1x16xf32> to vector<16xf32>
        %mul3A_144 = arith.mulf %get3A_143, %gather3A_139 : vector<16xf32>
        %swap3A_145 = arith.index_cast %add3A_135 : i32 to index
        %swap3A_146 = arith.constant 0 : index
        %swap3A_147 = tpu.vector_load %arg10[%swap3A_145, %swap3A_146] {strides = array<i32>} : memref<128x128xf32, #tpu.memory_space<vmem>>, vector<1x16xf32>,
        %swap3A_148 = vector.shape_cast %swap3A_147 : vector<1x16xf32> to vector<16xf32>
        %swap3A_149 = vector.shape_cast %mul3A_144 : vector<16xf32> to vector<1x16xf32>
        tpu.vector_store %arg10[%swap3A_145, %swap3A_146], %swap3A_149 {strides = array<i32>} : memref<128x128xf32, #tpu.memory_space<vmem>>, vector<1x16xf32>,
        %get3A_150 = arith.index_cast %add3A_135 : i32 to index
        %get3A_151 = arith.constant 16 : index
        %get3A_152 = tpu.vector_load %arg10[%get3A_150, %get3A_151] {strides = array<i32>} : memref<128x128xf32, #tpu.memory_space<vmem>>, vector<1x16xf32>,
        %get3A_153 = vector.shape_cast %get3A_152 : vector<1x16xf32> to vector<16xf32>
        %mul3A_154 = arith.mulf %get3A_153, %gather3A_139 : vector<16xf32>
        %swap3A_155 = arith.index_cast %add3A_135 : i32 to index
        %swap3A_156 = arith.constant 16 : index
        %swap3A_157 = tpu.vector_load %arg10[%swap3A_155, %swap3A_156] {strides = array<i32>} : memref<128x128xf32, #tpu.memory_space<vmem>>, vector<1x16xf32>,
        %swap3A_158 = vector.shape_cast %swap3A_157 : vector<1x16xf32> to vector<16xf32>
        %swap3A_159 = vector.shape_cast %mul3A_154 : vector<16xf32> to vector<1x16xf32>
        tpu.vector_store %arg10[%swap3A_155, %swap3A_156], %swap3A_159 {strides = array<i32>} : memref<128x128xf32, #tpu.memory_space<vmem>>, vector<1x16xf32>,
        %get3A_160 = arith.index_cast %add3A_135 : i32 to index
        %get3A_161 = arith.constant 32 : index
        %get3A_162 = tpu.vector_load %arg10[%get3A_160, %get3A_161] {strides = array<i32>} : memref<128x128xf32, #tpu.memory_space<vmem>>, vector<1x16xf32>,
        %get3A_163 = vector.shape_cast %get3A_162 : vector<1x16xf32> to vector<16xf32>
        %mul3A_164 = arith.mulf %get3A_163, %gather3A_139 : vector<16xf32>
        %swap3A_165 = arith.index_cast %add3A_135 : i32 to index
        %swap3A_166 = arith.constant 32 : index
        %swap3A_167 = tpu.vector_load %arg10[%swap3A_165, %swap3A_166] {strides = array<i32>} : memref<128x128xf32, #tpu.memory_space<vmem>>, vector<1x16xf32>,
        %swap3A_168 = vector.shape_cast %swap3A_167 : vector<1x16xf32> to vector<16xf32>
        %swap3A_169 = vector.shape_cast %mul3A_164 : vector<16xf32> to vector<1x16xf32>
        tpu.vector_store %arg10[%swap3A_165, %swap3A_166], %swap3A_169 {strides = array<i32>} : memref<128x128xf32, #tpu.memory_space<vmem>>, vector<1x16xf32>,
        %get3A_170 = arith.index_cast %add3A_135 : i32 to index
        %get3A_171 = arith.constant 48 : index
        %get3A_172 = tpu.vector_load %arg10[%get3A_170, %get3A_171] {strides = array<i32>} : memref<128x128xf32, #tpu.memory_space<vmem>>, vector<1x16xf32>,
        %get3A_173 = vector.shape_cast %get3A_172 : vector<1x16xf32> to vector<16xf32>
        %mul3A_174 = arith.mulf %get3A_173, %gather3A_139 : vector<16xf32>
        %swap3A_175 = arith.index_cast %add3A_135 : i32 to index
        %swap3A_176 = arith.constant 48 : index
        %swap3A_177 = tpu.vector_load %arg10[%swap3A_175, %swap3A_176] {strides = array<i32>} : memref<128x128xf32, #tpu.memory_space<vmem>>, vector<1x16xf32>,
        %swap3A_178 = vector.shape_cast %swap3A_177 : vector<1x16xf32> to vector<16xf32>
        %swap3A_179 = vector.shape_cast %mul3A_174 : vector<16xf32> to vector<1x16xf32>
        tpu.vector_store %arg10[%swap3A_175, %swap3A_176], %swap3A_179 {strides = array<i32>} : memref<128x128xf32, #tpu.memory_space<vmem>>, vector<1x16xf32>,
        %get3A_180 = arith.index_cast %add3A_135 : i32 to index
        %get3A_181 = arith.constant 64 : index
        %get3A_182 = tpu.vector_load %arg10[%get3A_180, %get3A_181] {strides = array<i32>} : memref<128x128xf32, #tpu.memory_space<vmem>>, vector<1x16xf32>,
        %get3A_183 = vector.shape_cast %get3A_182 : vector<1x16xf32> to vector<16xf32>
        %mul3A_184 = arith.mulf %get3A_183, %gather3A_139 : vector<16xf32>
        %swap3A_185 = arith.index_cast %add3A_135 : i32 to index
        %swap3A_186 = arith.constant 64 : index
        %swap3A_187 = tpu.vector_load %arg10[%swap3A_185, %swap3A_186] {strides = array<i32>} : memref<128x128xf32, #tpu.memory_space<vmem>>, vector<1x16xf32>,
        %swap3A_188 = vector.shape_cast %swap3A_187 : vector<1x16xf32> to vector<16xf32>
        %swap3A_189 = vector.shape_cast %mul3A_184 : vector<16xf32> to vector<1x16xf32>
        tpu.vector_store %arg10[%swap3A_185, %swap3A_186], %swap3A_189 {strides = array<i32>} : memref<128x128xf32, #tpu.memory_space<vmem>>, vector<1x16xf32>,
        %get3A_190 = arith.index_cast %add3A_135 : i32 to index
        %get3A_191 = arith.constant 80 : index
        %get3A_192 = tpu.vector_load %arg10[%get3A_190, %get3A_191] {strides = array<i32>} : memref<128x128xf32, #tpu.memory_space<vmem>>, vector<1x16xf32>,
        %get3A_193 = vector.shape_cast %get3A_192 : vector<1x16xf32> to vector<16xf32>
        %mul3A_194 = arith.mulf %get3A_193, %gather3A_139 : vector<16xf32>
        %swap3A_195 = arith.index_cast %add3A_135 : i32 to index
        %swap3A_196 = arith.constant 80 : index
        %swap3A_197 = tpu.vector_load %arg10[%swap3A_195, %swap3A_196] {strides = array<i32>} : memref<128x128xf32, #tpu.memory_space<vmem>>, vector<1x16xf32>,
        %swap3A_198 = vector.shape_cast %swap3A_197 : vector<1x16xf32> to vector<16xf32>
        %swap3A_199 = vector.shape_cast %mul3A_194 : vector<16xf32> to vector<1x16xf32>
        tpu.vector_store %arg10[%swap3A_195, %swap3A_196], %swap3A_199 {strides = array<i32>} : memref<128x128xf32, #tpu.memory_space<vmem>>, vector<1x16xf32>,
        %get3A_200 = arith.index_cast %add3A_135 : i32 to index
        %get3A_201 = arith.constant 96 : index
        %get3A_202 = tpu.vector_load %arg10[%get3A_200, %get3A_201] {strides = array<i32>} : memref<128x128xf32, #tpu.memory_space<vmem>>, vector<1x16xf32>,
        %get3A_203 = vector.shape_cast %get3A_202 : vector<1x16xf32> to vector<16xf32>
        %mul3A_204 = arith.mulf %get3A_203, %gather3A_139 : vector<16xf32>
        %swap3A_205 = arith.index_cast %add3A_135 : i32 to index
        %swap3A_206 = arith.constant 96 : index
        %swap3A_207 = tpu.vector_load %arg10[%swap3A_205, %swap3A_206] {strides = array<i32>} : memref<128x128xf32, #tpu.memory_space<vmem>>, vector<1x16xf32>,
        %swap3A_208 = vector.shape_cast %swap3A_207 : vector<1x16xf32> to vector<16xf32>
        %swap3A_209 = vector.shape_cast %mul3A_204 : vector<16xf32> to vector<1x16xf32>
        tpu.vector_store %arg10[%swap3A_205, %swap3A_206], %swap3A_209 {strides = array<i32>} : memref<128x128xf32, #tpu.memory_space<vmem>>, vector<1x16xf32>,
        %get3A_210 = arith.index_cast %add3A_135 : i32 to index
        %get3A_211 = arith.constant 112 : index
        %get3A_212 = tpu.vector_load %arg10[%get3A_210, %get3A_211] {strides = array<i32>} : memref<128x128xf32, #tpu.memory_space<vmem>>, vector<1x16xf32>,
        %get3A_213 = vector.shape_cast %get3A_212 : vector<1x16xf32> to vector<16xf32>
        %mul3A_214 = arith.mulf %get3A_213, %gather3A_139 : vector<16xf32>
        %swap3A_215 = arith.index_cast %add3A_135 : i32 to index
        %swap3A_216 = arith.constant 112 : index
        %swap3A_217 = tpu.vector_load %arg10[%swap3A_215, %swap3A_216] {strides = array<i32>} : memref<128x128xf32, #tpu.memory_space<vmem>>, vector<1x16xf32>,
        %swap3A_218 = vector.shape_cast %swap3A_217 : vector<1x16xf32> to vector<16xf32>
        %swap3A_219 = vector.shape_cast %mul3A_214 : vector<16xf32> to vector<1x16xf32>
        tpu.vector_store %arg10[%swap3A_215, %swap3A_216], %swap3A_219 {strides = array<i32>} : memref<128x128xf32, #tpu.memory_space<vmem>>, vector<1x16xf32>,
        %mul3A_220 = arith.constant 16 : i32
        %mul3A_221 = arith.muli %scan3A_41, %mul3A_220 : i32
        %add3A_222 = arith.constant 2 : i32
        %add3A_223 = arith.addi %mul3A_221, %add3A_222 : i32
        %broadcast_in_dim3A_224 = arith.constant 2 : i32
        %broadcast_in_dim3A_225 = vector.broadcast %broadcast_in_dim3A_224 : i32 to vector<16x1xi32>
        %gather3A_226 = vector.shape_cast %broadcast_in_dim3A_225 : vector<16x1xi32> to vector<16xi32>
        %gather3A_227 = tpu.dynamic_gather %get3A_46[%gather3A_226] in [0] : vector<16xf32>, vector<16xi32> -> vector<16xf32>
        %get3A_228 = arith.index_cast %add3A_223 : i32 to index
        %get3A_229 = arith.constant 0 : index
        %get3A_230 = tpu.vector_load %arg10[%get3A_228, %get3A_229] {strides = array<i32>} : memref<128x128xf32, #tpu.memory_space<vmem>>, vector<1x16xf32>,
        %get3A_231 = vector.shape_cast %get3A_230 : vector<1x16xf32> to vector<16xf32>
        %mul3A_232 = arith.mulf %get3A_231, %gather3A_227 : vector<16xf32>
        %swap3A_233 = arith.index_cast %add3A_223 : i32 to index
        %swap3A_234 = arith.constant 0 : index
        %swap3A_235 = tpu.vector_load %arg10[%swap3A_233, %swap3A_234] {strides = array<i32>} : memref<128x128xf32, #tpu.memory_space<vmem>>, vector<1x16xf32>,
        %swap3A_236 = vector.shape_cast %swap3A_235 : vector<1x16xf32> to vector<16xf32>
        %swap3A_237 = vector.shape_cast %mul3A_232 : vector<16xf32> to vector<1x16xf32>
        tpu.vector_store %arg10[%swap3A_233, %swap3A_234], %swap3A_237 {strides = array<i32>} : memref<128x128xf32, #tpu.memory_space<vmem>>, vector<1x16xf32>,
        %get3A_238 = arith.index_cast %add3A_223 : i32 to index
        %get3A_239 = arith.constant 16 : index
        %get3A_240 = tpu.vector_load %arg10[%get3A_238, %get3A_239] {strides = array<i32>} : memref<128x128xf32, #tpu.memory_space<vmem>>, vector<1x16xf32>,
        %get3A_241 = vector.shape_cast %get3A_240 : vector<1x16xf32> to vector<16xf32>
        %mul3A_242 = arith.mulf %get3A_241, %gather3A_227 : vector<16xf32>
        %swap3A_243 = arith.index_cast %add3A_223 : i32 to index
        %swap3A_244 = arith.constant 16 : index
        %swap3A_245 = tpu.vector_load %arg10[%swap3A_243, %swap3A_244] {strides = array<i32>} : memref<128x128xf32, #tpu.memory_space<vmem>>, vector<1x16xf32>,
        %swap3A_246 = vector.shape_cast %swap3A_245 : vector<1x16xf32> to vector<16xf32>
        %swap3A_247 = vector.shape_cast %mul3A_242 : vector<16xf32> to vector<1x16xf32>
        tpu.vector_store %arg10[%swap3A_243, %swap3A_244], %swap3A_247 {strides = array<i32>} : memref<128x128xf32, #tpu.memory_space<vmem>>, vector<1x16xf32>,
        %get3A_248 = arith.index_cast %add3A_223 : i32 to index
        %get3A_249 = arith.constant 32 : index
        %get3A_250 = tpu.vector_load %arg10[%get3A_248, %get3A_249] {strides = array<i32>} : memref<128x128xf32, #tpu.memory_space<vmem>>, vector<1x16xf32>,
        %get3A_251 = vector.shape_cast %get3A_250 : vector<1x16xf32> to vector<16xf32>
        %mul3A_252 = arith.mulf %get3A_251, %gather3A_227 : vector<16xf32>
        %swap3A_253 = arith.index_cast %add3A_223 : i32 to index
        %swap3A_254 = arith.constant 32 : index
        %swap3A_255 = tpu.vector_load %arg10[%swap3A_253, %swap3A_254] {strides = array<i32>} : memref<128x128xf32, #tpu.memory_space<vmem>>, vector<1x16xf32>,
        %swap3A_256 = vector.shape_cast %swap3A_255 : vector<1x16xf32> to vector<16xf32>
        %swap3A_257 = vector.shape_cast %mul3A_252 : vector<16xf32> to vector<1x16xf32>
        tpu.vector_store %arg10[%swap3A_253, %swap3A_254], %swap3A_257 {strides = array<i32>} : memref<128x128xf32, #tpu.memory_space<vmem>>, vector<1x16xf32>,
        %get3A_258 = arith.index_cast %add3A_223 : i32 to index
        %get3A_259 = arith.constant 48 : index
        %get3A_260 = tpu.vector_load %arg10[%get3A_258, %get3A_259] {strides = array<i32>} : memref<128x128xf32, #tpu.memory_space<vmem>>, vector<1x16xf32>,
        %get3A_261 = vector.shape_cast %get3A_260 : vector<1x16xf32> to vector<16xf32>
        %mul3A_262 = arith.mulf %get3A_261, %gather3A_227 : vector<16xf32>
        %swap3A_263 = arith.index_cast %add3A_223 : i32 to index
        %swap3A_264 = arith.constant 48 : index
        %swap3A_265 = tpu.vector_load %arg10[%swap3A_263, %swap3A_264] {strides = array<i32>} : memref<128x128xf32, #tpu.memory_space<vmem>>, vector<1x16xf32>,
        %swap3A_266 = vector.shape_cast %swap3A_265 : vector<1x16xf32> to vector<16xf32>
        %swap3A_267 = vector.shape_cast %mul3A_262 : vector<16xf32> to vector<1x16xf32>
        tpu.vector_store %arg10[%swap3A_263, %swap3A_264], %swap3A_267 {strides = array<i32>} : memref<128x128xf32, #tpu.memory_space<vmem>>, vector<1x16xf32>,
        %get3A_268 = arith.index_cast %add3A_223 : i32 to index
        %get3A_269 = arith.constant 64 : index
        %get3A_270 = tpu.vector_load %arg10[%get3A_268, %get3A_269] {strides = array<i32>} : memref<128x128xf32, #tpu.memory_space<vmem>>, vector<1x16xf32>,
        %get3A_271 = vector.shape_cast %get3A_270 : vector<1x16xf32> to vector<16xf32>
        %mul3A_272 = arith.mulf %get3A_271, %gather3A_227 : vector<16xf32>
        %swap3A_273 = arith.index_cast %add3A_223 : i32 to index
        %swap3A_274 = arith.constant 64 : index
        %swap3A_275 = tpu.vector_load %arg10[%swap3A_273, %swap3A_274] {strides = array<i32>} : memref<128x128xf32, #tpu.memory_space<vmem>>, vector<1x16xf32>,
        %swap3A_276 = vector.shape_cast %swap3A_275 : vector<1x16xf32> to vector<16xf32>
        %swap3A_277 = vector.shape_cast %mul3A_272 : vector<16xf32> to vector<1x16xf32>
        tpu.vector_store %arg10[%swap3A_273, %swap3A_274], %swap3A_277 {strides = array<i32>} : memref<128x128xf32, #tpu.memory_space<vmem>>, vector<1x16xf32>,
        %get3A_278 = arith.index_cast %add3A_223 : i32 to index
        %get3A_279 = arith.constant 80 : index
        %get3A_280 = tpu.vector_load %arg10[%get3A_278, %get3A_279] {strides = array<i32>} : memref<128x128xf32, #tpu.memory_space<vmem>>, vector<1x16xf32>,
        %get3A_281 = vector.shape_cast %get3A_280 : vector<1x16xf32> to vector<16xf32>
        %mul3A_282 = arith.mulf %get3A_281, %gather3A_227 : vector<16xf32>
        %swap3A_283 = arith.index_cast %add3A_223 : i32 to index
        %swap3A_284 = arith.constant 80 : index
        %swap3A_285 = tpu.vector_load %arg10[%swap3A_283, %swap3A_284] {strides = array<i32>} : memref<128x128xf32, #tpu.memory_space<vmem>>, vector<1x16xf32>,
        %swap3A_286 = vector.shape_cast %swap3A_285 : vector<1x16xf32> to vector<16xf32>
        %swap3A_287 = vector.shape_cast %mul3A_282 : vector<16xf32> to vector<1x16xf32>
        tpu.vector_store %arg10[%swap3A_283, %swap3A_284], %swap3A_287 {strides = array<i32>} : memref<128x128xf32, #tpu.memory_space<vmem>>, vector<1x16xf32>,
        %get3A_288 = arith.index_cast %add3A_223 : i32 to index
        %get3A_289 = arith.constant 96 : index
        %get3A_290 = tpu.vector_load %arg10[%get3A_288, %get3A_289] {strides = array<i32>} : memref<128x128xf32, #tpu.memory_space<vmem>>, vector<1x16xf32>,
        %get3A_291 = vector.shape_cast %get3A_290 : vector<1x16xf32> to vector<16xf32>
        %mul3A_292 = arith.mulf %get3A_291, %gather3A_227 : vector<16xf32>
        %swap3A_293 = arith.index_cast %add3A_223 : i32 to index
        %swap3A_294 = arith.constant 96 : index
        %swap3A_295 = tpu.vector_load %arg10[%swap3A_293, %swap3A_294] {strides = array<i32>} : memref<128x128xf32, #tpu.memory_space<vmem>>, vector<1x16xf32>,
        %swap3A_296 = vector.shape_cast %swap3A_295 : vector<1x16xf32> to vector<16xf32>
        %swap3A_297 = vector.shape_cast %mul3A_292 : vector<16xf32> to vector<1x16xf32>
        tpu.vector_store %arg10[%swap3A_293, %swap3A_294], %swap3A_297 {strides = array<i32>} : memref<128x128xf32, #tpu.memory_space<vmem>>, vector<1x16xf32>,
        %get3A_298 = arith.index_cast %add3A_223 : i32 to index
        %get3A_299 = arith.constant 112 : index
        %get3A_300 = tpu.vector_load %arg10[%get3A_298, %get3A_299] {strides = array<i32>} : memref<128x128xf32, #tpu.memory_space<vmem>>, vector<1x16xf32>,
        %get3A_301 = vector.shape_cast %get3A_300 : vector<1x16xf32> to vector<16xf32>
        %mul3A_302 = arith.mulf %get3A_301, %gather3A_227 : vector<16xf32>
        %swap3A_303 = arith.index_cast %add3A_223 : i32 to index
        %swap3A_304 = arith.constant 112 : index
        %swap3A_305 = tpu.vector_load %arg10[%swap3A_303, %swap3A_304] {strides = array<i32>} : memref<128x128xf32, #tpu.memory_space<vmem>>, vector<1x16xf32>,
        %swap3A_306 = vector.shape_cast %swap3A_305 : vector<1x16xf32> to vector<16xf32>
        %swap3A_307 = vector.shape_cast %mul3A_302 : vector<16xf32> to vector<1x16xf32>
        tpu.vector_store %arg10[%swap3A_303, %swap3A_304], %swap3A_307 {strides = array<i32>} : memref<128x128xf32, #tpu.memory_space<vmem>>, vector<1x16xf32>,
        %mul3A_308 = arith.constant 16 : i32
        %mul3A_309 = arith.muli %scan3A_41, %mul3A_308 : i32
        %add3A_310 = arith.constant 3 : i32
        %add3A_311 = arith.addi %mul3A_309, %add3A_310 : i32
        %broadcast_in_dim3A_312 = arith.constant 3 : i32
        %broadcast_in_dim3A_313 = vector.broadcast %broadcast_in_dim3A_312 : i32 to vector<16x1xi32>
        %gather3A_314 = vector.shape_cast %broadcast_in_dim3A_313 : vector<16x1xi32> to vector<16xi32>
        %gather3A_315 = tpu.dynamic_gather %get3A_46[%gather3A_314] in [0] : vector<16xf32>, vector<16xi32> -> vector<16xf32>
        %get3A_316 = arith.index_cast %add3A_311 : i32 to index
        %get3A_317 = arith.constant 0 : index
        %get3A_318 = tpu.vector_load %arg10[%get3A_316, %get3A_317] {strides = array<i32>} : memref<128x128xf32, #tpu.memory_space<vmem>>, vector<1x16xf32>,
        %get3A_319 = vector.shape_cast %get3A_318 : vector<1x16xf32> to vector<16xf32>
        %mul3A_320 = arith.mulf %get3A_319, %gather3A_315 : vector<16xf32>
        %swap3A_321 = arith.index_cast %add3A_311 : i32 to index
        %swap3A_322 = arith.constant 0 : index
        %swap3A_323 = tpu.vector_load %arg10[%swap3A_321, %swap3A_322] {strides = array<i32>} : memref<128x128xf32, #tpu.memory_space<vmem>>, vector<1x16xf32>,
        %swap3A_324 = vector.shape_cast %swap3A_323 : vector<1x16xf32> to vector<16xf32>
        %swap3A_325 = vector.shape_cast %mul3A_320 : vector<16xf32> to vector<1x16xf32>
        tpu.vector_store %arg10[%swap3A_321, %swap3A_322], %swap3A_325 {strides = array<i32>} : memref<128x128xf32, #tpu.memory_space<vmem>>, vector<1x16xf32>,
        %get3A_326 = arith.index_cast %add3A_311 : i32 to index
        %get3A_327 = arith.constant 16 : index
        %get3A_328 = tpu.vector_load %arg10[%get3A_326, %get3A_327] {strides = array<i32>} : memref<128x128xf32, #tpu.memory_space<vmem>>, vector<1x16xf32>,
        %get3A_329 = vector.shape_cast %get3A_328 : vector<1x16xf32> to vector<16xf32>
        %mul3A_330 = arith.mulf %get3A_329, %gather3A_315 : vector<16xf32>
        %swap3A_331 = arith.index_cast %add3A_311 : i32 to index
        %swap3A_332 = arith.constant 16 : index
        %swap3A_333 = tpu.vector_load %arg10[%swap3A_331, %swap3A_332] {strides = array<i32>} : memref<128x128xf32, #tpu.memory_space<vmem>>, vector<1x16xf32>,
        %swap3A_334 = vector.shape_cast %swap3A_333 : vector<1x16xf32> to vector<16xf32>
        %swap3A_335 = vector.shape_cast %mul3A_330 : vector<16xf32> to vector<1x16xf32>
        tpu.vector_store %arg10[%swap3A_331, %swap3A_332], %swap3A_335 {strides = array<i32>} : memref<128x128xf32, #tpu.memory_space<vmem>>, vector<1x16xf32>,
        %get3A_336 = arith.index_cast %add3A_311 : i32 to index
        %get3A_337 = arith.constant 32 : index
        %get3A_338 = tpu.vector_load %arg10[%get3A_336, %get3A_337] {strides = array<i32>} : memref<128x128xf32, #tpu.memory_space<vmem>>, vector<1x16xf32>,
        %get3A_339 = vector.shape_cast %get3A_338 : vector<1x16xf32> to vector<16xf32>
        %mul3A_340 = arith.mulf %get3A_339, %gather3A_315 : vector<16xf32>
        %swap3A_341 = arith.index_cast %add3A_311 : i32 to index
        %swap3A_342 = arith.constant 32 : index
        %swap3A_343 = tpu.vector_load %arg10[%swap3A_341, %swap3A_342] {strides = array<i32>} : memref<128x128xf32, #tpu.memory_space<vmem>>, vector<1x16xf32>,
        %swap3A_344 = vector.shape_cast %swap3A_343 : vector<1x16xf32> to vector<16xf32>
        %swap3A_345 = vector.shape_cast %mul3A_340 : vector<16xf32> to vector<1x16xf32>
        tpu.vector_store %arg10[%swap3A_341, %swap3A_342], %swap3A_345 {strides = array<i32>} : memref<128x128xf32, #tpu.memory_space<vmem>>, vector<1x16xf32>,
        %get3A_346 = arith.index_cast %add3A_311 : i32 to index
        %get3A_347 = arith.constant 48 : index
        %get3A_348 = tpu.vector_load %arg10[%get3A_346, %get3A_347] {strides = array<i32>} : memref<128x128xf32, #tpu.memory_space<vmem>>, vector<1x16xf32>,
        %get3A_349 = vector.shape_cast %get3A_348 : vector<1x16xf32> to vector<16xf32>
        %mul3A_350 = arith.mulf %get3A_349, %gather3A_315 : vector<16xf32>
        %swap3A_351 = arith.index_cast %add3A_311 : i32 to index
        %swap3A_352 = arith.constant 48 : index
        %swap3A_353 = tpu.vector_load %arg10[%swap3A_351, %swap3A_352] {strides = array<i32>} : memref<128x128xf32, #tpu.memory_space<vmem>>, vector<1x16xf32>,
        %swap3A_354 = vector.shape_cast %swap3A_353 : vector<1x16xf32> to vector<16xf32>
        %swap3A_355 = vector.shape_cast %mul3A_350 : vector<16xf32> to vector<1x16xf32>
        tpu.vector_store %arg10[%swap3A_351, %swap3A_352], %swap3A_355 {strides = array<i32>} : memref<128x128xf32, #tpu.memory_space<vmem>>, vector<1x16xf32>,
        %get3A_356 = arith.index_cast %add3A_311 : i32 to index
        %get3A_357 = arith.constant 64 : index
        %get3A_358 = tpu.vector_load %arg10[%get3A_356, %get3A_357] {strides = array<i32>} : memref<128x128xf32, #tpu.memory_space<vmem>>, vector<1x16xf32>,
        %get3A_359 = vector.shape_cast %get3A_358 : vector<1x16xf32> to vector<16xf32>
        %mul3A_360 = arith.mulf %get3A_359, %gather3A_315 : vector<16xf32>
        %swap3A_361 = arith.index_cast %add3A_311 : i32 to index
        %swap3A_362 = arith.constant 64 : index
        %swap3A_363 = tpu.vector_load %arg10[%swap3A_361, %swap3A_362] {strides = array<i32>} : memref<128x128xf32, #tpu.memory_space<vmem>>, vector<1x16xf32>,
        %swap3A_364 = vector.shape_cast %swap3A_363 : vector<1x16xf32> to vector<16xf32>
        %swap3A_365 = vector.shape_cast %mul3A_360 : vector<16xf32> to vector<1x16xf32>
        tpu.vector_store %arg10[%swap3A_361, %swap3A_362], %swap3A_365 {strides = array<i32>} : memref<128x128xf32, #tpu.memory_space<vmem>>, vector<1x16xf32>,
        %get3A_366 = arith.index_cast %add3A_311 : i32 to index
        %get3A_367 = arith.constant 80 : index
        %get3A_368 = tpu.vector_load %arg10[%get3A_366, %get3A_367] {strides = array<i32>} : memref<128x128xf32, #tpu.memory_space<vmem>>, vector<1x16xf32>,
        %get3A_369 = vector.shape_cast %get3A_368 : vector<1x16xf32> to vector<16xf32>
        %mul3A_370 = arith.mulf %get3A_369, %gather3A_315 : vector<16xf32>
        %swap3A_371 = arith.index_cast %add3A_311 : i32 to index
        %swap3A_372 = arith.constant 80 : index
        %swap3A_373 = tpu.vector_load %arg10[%swap3A_371, %swap3A_372] {strides = array<i32>} : memref<128x128xf32, #tpu.memory_space<vmem>>, vector<1x16xf32>,
        %swap3A_374 = vector.shape_cast %swap3A_373 : vector<1x16xf32> to vector<16xf32>
        %swap3A_375 = vector.shape_cast %mul3A_370 : vector<16xf32> to vector<1x16xf32>
        tpu.vector_store %arg10[%swap3A_371, %swap3A_372], %swap3A_375 {strides = array<i32>} : memref<128x128xf32, #tpu.memory_space<vmem>>, vector<1x16xf32>,
        %get3A_376 = arith.index_cast %add3A_311 : i32 to index
        %get3A_377 = arith.constant 96 : index
        %get3A_378 = tpu.vector_load %arg10[%get3A_376, %get3A_377] {strides = array<i32>} : memref<128x128xf32, #tpu.memory_space<vmem>>, vector<1x16xf32>,
        %get3A_379 = vector.shape_cast %get3A_378 : vector<1x16xf32> to vector<16xf32>
        %mul3A_380 = arith.mulf %get3A_379, %gather3A_315 : vector<16xf32>
        %swap3A_381 = arith.index_cast %add3A_311 : i32 to index
        %swap3A_382 = arith.constant 96 : index
        %swap3A_383 = tpu.vector_load %arg10[%swap3A_381, %swap3A_382] {strides = array<i32>} : memref<128x128xf32, #tpu.memory_space<vmem>>, vector<1x16xf32>,
        %swap3A_384 = vector.shape_cast %swap3A_383 : vector<1x16xf32> to vector<16xf32>
        %swap3A_385 = vector.shape_cast %mul3A_380 : vector<16xf32> to vector<1x16xf32>
        tpu.vector_store %arg10[%swap3A_381, %swap3A_382], %swap3A_385 {strides = array<i32>} : memref<128x128xf32, #tpu.memory_space<vmem>>, vector<1x16xf32>,
        %get3A_386 = arith.index_cast %add3A_311 : i32 to index
        %get3A_387 = arith.constant 112 : index
        %get3A_388 = tpu.vector_load %arg10[%get3A_386, %get3A_387] {strides = array<i32>} : memref<128x128xf32, #tpu.memory_space<vmem>>, vector<1x16xf32>,
        %get3A_389 = vector.shape_cast %get3A_388 : vector<1x16xf32> to vector<16xf32>
        %mul3A_390 = arith.mulf %get3A_389, %gather3A_315 : vector<16xf32>
        %swap3A_391 = arith.index_cast %add3A_311 : i32 to index
        %swap3A_392 = arith.constant 112 : index
        %swap3A_393 = tpu.vector_load %arg10[%swap3A_391, %swap3A_392] {strides = array<i32>} : memref<128x128xf32, #tpu.memory_space<vmem>>, vector<1x16xf32>,
        %swap3A_394 = vector.shape_cast %swap3A_393 : vector<1x16xf32> to vector<16xf32>
        %swap3A_395 = vector.shape_cast %mul3A_390 : vector<16xf32> to vector<1x16xf32>
        tpu.vector_store %arg10[%swap3A_391, %swap3A_392], %swap3A_395 {strides = array<i32>} : memref<128x128xf32, #tpu.memory_space<vmem>>, vector<1x16xf32>,
        %mul3A_396 = arith.constant 16 : i32
        %mul3A_397 = arith.muli %scan3A_41, %mul3A_396 : i32
        %add3A_398 = arith.constant 4 : i32
        %add3A_399 = arith.addi %mul3A_397, %add3A_398 : i32
        %broadcast_in_dim3A_400 = arith.constant 4 : i32
        %broadcast_in_dim3A_401 = vector.broadcast %broadcast_in_dim3A_400 : i32 to vector<16x1xi32>
        %gather3A_402 = vector.shape_cast %broadcast_in_dim3A_401 : vector<16x1xi32> to vector<16xi32>
        %gather3A_403 = tpu.dynamic_gather %get3A_46[%gather3A_402] in [0] : vector<16xf32>, vector<16xi32> -> vector<16xf32>
        %get3A_404 = arith.index_cast %add3A_399 : i32 to index
        %get3A_405 = arith.constant 0 : index
        %get3A_406 = tpu.vector_load %arg10[%get3A_404, %get3A_405] {strides = array<i32>} : memref<128x128xf32, #tpu.memory_space<vmem>>, vector<1x16xf32>,
        %get3A_407 = vector.shape_cast %get3A_406 : vector<1x16xf32> to vector<16xf32>
        %mul3A_408 = arith.mulf %get3A_407, %gather3A_403 : vector<16xf32>
        %swap3A_409 = arith.index_cast %add3A_399 : i32 to index
        %swap3A_410 = arith.constant 0 : index
        %swap3A_411 = tpu.vector_load %arg10[%swap3A_409, %swap3A_410] {strides = array<i32>} : memref<128x128xf32, #tpu.memory_space<vmem>>, vector<1x16xf32>,
        %swap3A_412 = vector.shape_cast %swap3A_411 : vector<1x16xf32> to vector<16xf32>
        %swap3A_413 = vector.shape_cast %mul3A_408 : vector<16xf32> to vector<1x16xf32>
        tpu.vector_store %arg10[%swap3A_409, %swap3A_410], %swap3A_413 {strides = array<i32>} : memref<128x128xf32, #tpu.memory_space<vmem>>, vector<1x16xf32>,
        %get3A_414 = arith.index_cast %add3A_399 : i32 to index
        %get3A_415 = arith.constant 16 : index
        %get3A_416 = tpu.vector_load %arg10[%get3A_414, %get3A_415] {strides = array<i32>} : memref<128x128xf32, #tpu.memory_space<vmem>>, vector<1x16xf32>,
        %get3A_417 = vector.shape_cast %get3A_416 : vector<1x16xf32> to vector<16xf32>
        %mul3A_418 = arith.mulf %get3A_417, %gather3A_403 : vector<16xf32>
        %swap3A_419 = arith.index_cast %add3A_399 : i32 to index
        %swap3A_420 = arith.constant 16 : index
        %swap3A_421 = tpu.vector_load %arg10[%swap3A_419, %swap3A_420] {strides = array<i32>} : memref<128x128xf32, #tpu.memory_space<vmem>>, vector<1x16xf32>,
        %swap3A_422 = vector.shape_cast %swap3A_421 : vector<1x16xf32> to vector<16xf32>
        %swap3A_423 = vector.shape_cast %mul3A_418 : vector<16xf32> to vector<1x16xf32>
        tpu.vector_store %arg10[%swap3A_419, %swap3A_420], %swap3A_423 {strides = array<i32>} : memref<128x128xf32, #tpu.memory_space<vmem>>, vector<1x16xf32>,
        %get3A_424 = arith.index_cast %add3A_399 : i32 to index
        %get3A_425 = arith.constant 32 : index
        %get3A_426 = tpu.vector_load %arg10[%get3A_424, %get3A_425] {strides = array<i32>} : memref<128x128xf32, #tpu.memory_space<vmem>>, vector<1x16xf32>,
        %get3A_427 = vector.shape_cast %get3A_426 : vector<1x16xf32> to vector<16xf32>
        %mul3A_428 = arith.mulf %get3A_427, %gather3A_403 : vector<16xf32>
        %swap3A_429 = arith.index_cast %add3A_399 : i32 to index
        %swap3A_430 = arith.constant 32 : index
        %swap3A_431 = tpu.vector_load %arg10[%swap3A_429, %swap3A_430] {strides = array<i32>} : memref<128x128xf32, #tpu.memory_space<vmem>>, vector<1x16xf32>,
        %swap3A_432 = vector.shape_cast %swap3A_431 : vector<1x16xf32> to vector<16xf32>
        %swap3A_433 = vector.shape_cast %mul3A_428 : vector<16xf32> to vector<1x16xf32>
        tpu.vector_store %arg10[%swap3A_429, %swap3A_430], %swap3A_433 {strides = array<i32>} : memref<128x128xf32, #tpu.memory_space<vmem>>, vector<1x16xf32>,
        %get3A_434 = arith.index_cast %add3A_399 : i32 to index
        %get3A_435 = arith.constant 48 : index
        %get3A_436 = tpu.vector_load %arg10[%get3A_434, %get3A_435] {strides = array<i32>} : memref<128x128xf32, #tpu.memory_space<vmem>>, vector<1x16xf32>,
        %get3A_437 = vector.shape_cast %get3A_436 : vector<1x16xf32> to vector<16xf32>
        %mul3A_438 = arith.mulf %get3A_437, %gather3A_403 : vector<16xf32>
        %swap3A_439 = arith.index_cast %add3A_399 : i32 to index
        %swap3A_440 = arith.constant 48 : index
        %swap3A_441 = tpu.vector_load %arg10[%swap3A_439, %swap3A_440] {strides = array<i32>} : memref<128x128xf32, #tpu.memory_space<vmem>>, vector<1x16xf32>,
        %swap3A_442 = vector.shape_cast %swap3A_441 : vector<1x16xf32> to vector<16xf32>
        %swap3A_443 = vector.shape_cast %mul3A_438 : vector<16xf32> to vector<1x16xf32>
        tpu.vector_store %arg10[%swap3A_439, %swap3A_440], %swap3A_443 {strides = array<i32>} : memref<128x128xf32, #tpu.memory_space<vmem>>, vector<1x16xf32>,
        %get3A_444 = arith.index_cast %add3A_399 : i32 to index
        %get3A_445 = arith.constant 64 : index
        %get3A_446 = tpu.vector_load %arg10[%get3A_444, %get3A_445] {strides = array<i32>} : memref<128x128xf32, #tpu.memory_space<vmem>>, vector<1x16xf32>,
        %get3A_447 = vector.shape_cast %get3A_446 : vector<1x16xf32> to vector<16xf32>
        %mul3A_448 = arith.mulf %get3A_447, %gather3A_403 : vector<16xf32>
        %swap3A_449 = arith.index_cast %add3A_399 : i32 to index
        %swap3A_450 = arith.constant 64 : index
        %swap3A_451 = tpu.vector_load %arg10[%swap3A_449, %swap3A_450] {strides = array<i32>} : memref<128x128xf32, #tpu.memory_space<vmem>>, vector<1x16xf32>,
        %swap3A_452 = vector.shape_cast %swap3A_451 : vector<1x16xf32> to vector<16xf32>
        %swap3A_453 = vector.shape_cast %mul3A_448 : vector<16xf32> to vector<1x16xf32>
        tpu.vector_store %arg10[%swap3A_449, %swap3A_450], %swap3A_453 {strides = array<i32>} : memref<128x128xf32, #tpu.memory_space<vmem>>, vector<1x16xf32>,
        %get3A_454 = arith.index_cast %add3A_399 : i32 to index
        %get3A_455 = arith.constant 80 : index
        %get3A_456 = tpu.vector_load %arg10[%get3A_454, %get3A_455] {strides = array<i32>} : memref<128x128xf32, #tpu.memory_space<vmem>>, vector<1x16xf32>,
        %get3A_457 = vector.shape_cast %get3A_456 : vector<1x16xf32> to vector<16xf32>
        %mul3A_458 = arith.mulf %get3A_457, %gather3A_403 : vector<16xf32>
        %swap3A_459 = arith.index_cast %add3A_399 : i32 to index
        %swap3A_460 = arith.constant 80 : index
        %swap3A_461 = tpu.vector_load %arg10[%swap3A_459, %swap3A_460] {strides = array<i32>} : memref<128x128xf32, #tpu.memory_space<vmem>>, vector<1x16xf32>,
        %swap3A_462 = vector.shape_cast %swap3A_461 : vector<1x16xf32> to vector<16xf32>
        %swap3A_463 = vector.shape_cast %mul3A_458 : vector<16xf32> to vector<1x16xf32>
        tpu.vector_store %arg10[%swap3A_459, %swap3A_460], %swap3A_463 {strides = array<i32>} : memref<128x128xf32, #tpu.memory_space<vmem>>, vector<1x16xf32>,
        %get3A_464 = arith.index_cast %add3A_399 : i32 to index
        %get3A_465 = arith.constant 96 : index
        %get3A_466 = tpu.vector_load %arg10[%get3A_464, %get3A_465] {strides = array<i32>} : memref<128x128xf32, #tpu.memory_space<vmem>>, vector<1x16xf32>,
        %get3A_467 = vector.shape_cast %get3A_466 : vector<1x16xf32> to vector<16xf32>
        %mul3A_468 = arith.mulf %get3A_467, %gather3A_403 : vector<16xf32>
        %swap3A_469 = arith.index_cast %add3A_399 : i32 to index
        %swap3A_470 = arith.constant 96 : index
        %swap3A_471 = tpu.vector_load %arg10[%swap3A_469, %swap3A_470] {strides = array<i32>} : memref<128x128xf32, #tpu.memory_space<vmem>>, vector<1x16xf32>,
        %swap3A_472 = vector.shape_cast %swap3A_471 : vector<1x16xf32> to vector<16xf32>
        %swap3A_473 = vector.shape_cast %mul3A_468 : vector<16xf32> to vector<1x16xf32>
        tpu.vector_store %arg10[%swap3A_469, %swap3A_470], %swap3A_473 {strides = array<i32>} : memref<128x128xf32, #tpu.memory_space<vmem>>, vector<1x16xf32>,
        %get3A_474 = arith.index_cast %add3A_399 : i32 to index
        %get3A_475 = arith.constant 112 : index
        %get3A_476 = tpu.vector_load %arg10[%get3A_474, %get3A_475] {strides = array<i32>} : memref<128x128xf32, #tpu.memory_space<vmem>>, vector<1x16xf32>,
        %get3A_477 = vector.shape_cast %get3A_476 : vector<1x16xf32> to vector<16xf32>
        %mul3A_478 = arith.mulf %get3A_477, %gather3A_403 : vector<16xf32>
        %swap3A_479 = arith.index_cast %add3A_399 : i32 to index
        %swap3A_480 = arith.constant 112 : index
        %swap3A_481 = tpu.vector_load %arg10[%swap3A_479, %swap3A_480] {strides = array<i32>} : memref<128x128xf32, #tpu.memory_space<vmem>>, vector<1x16xf32>,
        %swap3A_482 = vector.shape_cast %swap3A_481 : vector<1x16xf32> to vector<16xf32>
        %swap3A_483 = vector.shape_cast %mul3A_478 : vector<16xf32> to vector<1x16xf32>
        tpu.vector_store %arg10[%swap3A_479, %swap3A_480], %swap3A_483 {strides = array<i32>} : memref<128x128xf32, #tpu.memory_space<vmem>>, vector<1x16xf32>,
        %mul3A_484 = arith.constant 16 : i32
        %mul3A_485 = arith.muli %scan3A_41, %mul3A_484 : i32
        %add3A_486 = arith.constant 5 : i32
        %add3A_487 = arith.addi %mul3A_485, %add3A_486 : i32
        %broadcast_in_dim3A_488 = arith.constant 5 : i32
        %broadcast_in_dim3A_489 = vector.broadcast %broadcast_in_dim3A_488 : i32 to vector<16x1xi32>
        %gather3A_490 = vector.shape_cast %broadcast_in_dim3A_489 : vector<16x1xi32> to vector<16xi32>
        %gather3A_491 = tpu.dynamic_gather %get3A_46[%gather3A_490] in [0] : vector<16xf32>, vector<16xi32> -> vector<16xf32>
        %get3A_492 = arith.index_cast %add3A_487 : i32 to index
        %get3A_493 = arith.constant 0 : index
        %get3A_494 = tpu.vector_load %arg10[%get3A_492, %get3A_493] {strides = array<i32>} : memref<128x128xf32, #tpu.memory_space<vmem>>, vector<1x16xf32>,
        %get3A_495 = vector.shape_cast %get3A_494 : vector<1x16xf32> to vector<16xf32>
        %mul3A_496 = arith.mulf %get3A_495, %gather3A_491 : vector<16xf32>
        %swap3A_497 = arith.index_cast %add3A_487 : i32 to index
        %swap3A_498 = arith.constant 0 : index
        %swap3A_499 = tpu.vector_load %arg10[%swap3A_497, %swap3A_498] {strides = array<i32>} : memref<128x128xf32, #tpu.memory_space<vmem>>, vector<1x16xf32>,
        %swap3A_500 = vector.shape_cast %swap3A_499 : vector<1x16xf32> to vector<16xf32>
        %swap3A_501 = vector.shape_cast %mul3A_496 : vector<16xf32> to vector<1x16xf32>
        tpu.vector_store %arg10[%swap3A_497, %swap3A_498], %swap3A_501 {strides = array<i32>} : memref<128x128xf32, #tpu.memory_space<vmem>>, vector<1x16xf32>,
        %get3A_502 = arith.index_cast %add3A_487 : i32 to index
        %get3A_503 = arith.constant 16 : index
        %get3A_504 = tpu.vector_load %arg10[%get3A_502, %get3A_503] {strides = array<i32>} : memref<128x128xf32, #tpu.memory_space<vmem>>, vector<1x16xf32>,
        %get3A_505 = vector.shape_cast %get3A_504 : vector<1x16xf32> to vector<16xf32>
        %mul3A_506 = arith.mulf %get3A_505, %gather3A_491 : vector<16xf32>
        %swap3A_507 = arith.index_cast %add3A_487 : i32 to index
        %swap3A_508 = arith.constant 16 : index
        %swap3A_509 = tpu.vector_load %arg10[%swap3A_507, %swap3A_508] {strides = array<i32>} : memref<128x128xf32, #tpu.memory_space<vmem>>, vector<1x16xf32>,
        %swap3A_510 = vector.shape_cast %swap3A_509 : vector<1x16xf32> to vector<16xf32>
        %swap3A_511 = vector.shape_cast %mul3A_506 : vector<16xf32> to vector<1x16xf32>
        tpu.vector_store %arg10[%swap3A_507, %swap3A_508], %swap3A_511 {strides = array<i32>} : memref<128x128xf32, #tpu.memory_space<vmem>>, vector<1x16xf32>,
        %get3A_512 = arith.index_cast %add3A_487 : i32 to index
        %get3A_513 = arith.constant 32 : index
        %get3A_514 = tpu.vector_load %arg10[%get3A_512, %get3A_513] {strides = array<i32>} : memref<128x128xf32, #tpu.memory_space<vmem>>, vector<1x16xf32>,
        %get3A_515 = vector.shape_cast %get3A_514 : vector<1x16xf32> to vector<16xf32>
        %mul3A_516 = arith.mulf %get3A_515, %gather3A_491 : vector<16xf32>
        %swap3A_517 = arith.index_cast %add3A_487 : i32 to index
        %swap3A_518 = arith.constant 32 : index
        %swap3A_519 = tpu.vector_load %arg10[%swap3A_517, %swap3A_518] {strides = array<i32>} : memref<128x128xf32, #tpu.memory_space<vmem>>, vector<1x16xf32>,
        %swap3A_520 = vector.shape_cast %swap3A_519 : vector<1x16xf32> to vector<16xf32>
        %swap3A_521 = vector.shape_cast %mul3A_516 : vector<16xf32> to vector<1x16xf32>
        tpu.vector_store %arg10[%swap3A_517, %swap3A_518], %swap3A_521 {strides = array<i32>} : memref<128x128xf32, #tpu.memory_space<vmem>>, vector<1x16xf32>,
        %get3A_522 = arith.index_cast %add3A_487 : i32 to index
        %get3A_523 = arith.constant 48 : index
        %get3A_524 = tpu.vector_load %arg10[%get3A_522, %get3A_523] {strides = array<i32>} : memref<128x128xf32, #tpu.memory_space<vmem>>, vector<1x16xf32>,
        %get3A_525 = vector.shape_cast %get3A_524 : vector<1x16xf32> to vector<16xf32>
        %mul3A_526 = arith.mulf %get3A_525, %gather3A_491 : vector<16xf32>
        %swap3A_527 = arith.index_cast %add3A_487 : i32 to index
        %swap3A_528 = arith.constant 48 : index
        %swap3A_529 = tpu.vector_load %arg10[%swap3A_527, %swap3A_528] {strides = array<i32>} : memref<128x128xf32, #tpu.memory_space<vmem>>, vector<1x16xf32>,
        %swap3A_530 = vector.shape_cast %swap3A_529 : vector<1x16xf32> to vector<16xf32>
        %swap3A_531 = vector.shape_cast %mul3A_526 : vector<16xf32> to vector<1x16xf32>
        tpu.vector_store %arg10[%swap3A_527, %swap3A_528], %swap3A_531 {strides = array<i32>} : memref<128x128xf32, #tpu.memory_space<vmem>>, vector<1x16xf32>,
        %get3A_532 = arith.index_cast %add3A_487 : i32 to index
        %get3A_533 = arith.constant 64 : index
        %get3A_534 = tpu.vector_load %arg10[%get3A_532, %get3A_533] {strides = array<i32>} : memref<128x128xf32, #tpu.memory_space<vmem>>, vector<1x16xf32>,
        %get3A_535 = vector.shape_cast %get3A_534 : vector<1x16xf32> to vector<16xf32>
        %mul3A_536 = arith.mulf %get3A_535, %gather3A_491 : vector<16xf32>
        %swap3A_537 = arith.index_cast %add3A_487 : i32 to index
        %swap3A_538 = arith.constant 64 : index
        %swap3A_539 = tpu.vector_load %arg10[%swap3A_537, %swap3A_538] {strides = array<i32>} : memref<128x128xf32, #tpu.memory_space<vmem>>, vector<1x16xf32>,
        %swap3A_540 = vector.shape_cast %swap3A_539 : vector<1x16xf32> to vector<16xf32>
        %swap3A_541 = vector.shape_cast %mul3A_536 : vector<16xf32> to vector<1x16xf32>
        tpu.vector_store %arg10[%swap3A_537, %swap3A_538], %swap3A_541 {strides = array<i32>} : memref<128x128xf32, #tpu.memory_space<vmem>>, vector<1x16xf32>,
        %get3A_542 = arith.index_cast %add3A_487 : i32 to index
        %get3A_543 = arith.constant 80 : index
        %get3A_544 = tpu.vector_load %arg10[%get3A_542, %get3A_543] {strides = array<i32>} : memref<128x128xf32, #tpu.memory_space<vmem>>, vector<1x16xf32>,
        %get3A_545 = vector.shape_cast %get3A_544 : vector<1x16xf32> to vector<16xf32>
        %mul3A_546 = arith.mulf %get3A_545, %gather3A_491 : vector<16xf32>
        %swap3A_547 = arith.index_cast %add3A_487 : i32 to index
        %swap3A_548 = arith.constant 80 : index
        %swap3A_549 = tpu.vector_load %arg10[%swap3A_547, %swap3A_548] {strides = array<i32>} : memref<128x128xf32, #tpu.memory_space<vmem>>, vector<1x16xf32>,
        %swap3A_550 = vector.shape_cast %swap3A_549 : vector<1x16xf32> to vector<16xf32>
        %swap3A_551 = vector.shape_cast %mul3A_546 : vector<16xf32> to vector<1x16xf32>
        tpu.vector_store %arg10[%swap3A_547, %swap3A_548], %swap3A_551 {strides = array<i32>} : memref<128x128xf32, #tpu.memory_space<vmem>>, vector<1x16xf32>,
        %get3A_552 = arith.index_cast %add3A_487 : i32 to index
        %get3A_553 = arith.constant 96 : index
        %get3A_554 = tpu.vector_load %arg10[%get3A_552, %get3A_553] {strides = array<i32>} : memref<128x128xf32, #tpu.memory_space<vmem>>, vector<1x16xf32>,
        %get3A_555 = vector.shape_cast %get3A_554 : vector<1x16xf32> to vector<16xf32>
        %mul3A_556 = arith.mulf %get3A_555, %gather3A_491 : vector<16xf32>
        %swap3A_557 = arith.index_cast %add3A_487 : i32 to index
        %swap3A_558 = arith.constant 96 : index
        %swap3A_559 = tpu.vector_load %arg10[%swap3A_557, %swap3A_558] {strides = array<i32>} : memref<128x128xf32, #tpu.memory_space<vmem>>, vector<1x16xf32>,
        %swap3A_560 = vector.shape_cast %swap3A_559 : vector<1x16xf32> to vector<16xf32>
        %swap3A_561 = vector.shape_cast %mul3A_556 : vector<16xf32> to vector<1x16xf32>
        tpu.vector_store %arg10[%swap3A_557, %swap3A_558], %swap3A_561 {strides = array<i32>} : memref<128x128xf32, #tpu.memory_space<vmem>>, vector<1x16xf32>,
        %get3A_562 = arith.index_cast %add3A_487 : i32 to index
        %get3A_563 = arith.constant 112 : index
        %get3A_564 = tpu.vector_load %arg10[%get3A_562, %get3A_563] {strides = array<i32>} : memref<128x128xf32, #tpu.memory_space<vmem>>, vector<1x16xf32>,
        %get3A_565 = vector.shape_cast %get3A_564 : vector<1x16xf32> to vector<16xf32>
        %mul3A_566 = arith.mulf %get3A_565, %gather3A_491 : vector<16xf32>
        %swap3A_567 = arith.index_cast %add3A_487 : i32 to index
        %swap3A_568 = arith.constant 112 : index
        %swap3A_569 = tpu.vector_load %arg10[%swap3A_567, %swap3A_568] {strides = array<i32>} : memref<128x128xf32, #tpu.memory_space<vmem>>, vector<1x16xf32>,
        %swap3A_570 = vector.shape_cast %swap3A_569 : vector<1x16xf32> to vector<16xf32>
        %swap3A_571 = vector.shape_cast %mul3A_566 : vector<16xf32> to vector<1x16xf32>
        tpu.vector_store %arg10[%swap3A_567, %swap3A_568], %swap3A_571 {strides = array<i32>} : memref<128x128xf32, #tpu.memory_space<vmem>>, vector<1x16xf32>,
        %mul3A_572 = arith.constant 16 : i32
        %mul3A_573 = arith.muli %scan3A_41, %mul3A_572 : i32
        %add3A_574 = arith.constant 6 : i32
        %add3A_575 = arith.addi %mul3A_573, %add3A_574 : i32
        %broadcast_in_dim3A_576 = arith.constant 6 : i32
        %broadcast_in_dim3A_577 = vector.broadcast %broadcast_in_dim3A_576 : i32 to vector<16x1xi32>
        %gather3A_578 = vector.shape_cast %broadcast_in_dim3A_577 : vector<16x1xi32> to vector<16xi32>
        %gather3A_579 = tpu.dynamic_gather %get3A_46[%gather3A_578] in [0] : vector<16xf32>, vector<16xi32> -> vector<16xf32>
        %get3A_580 = arith.index_cast %add3A_575 : i32 to index
        %get3A_581 = arith.constant 0 : index
        %get3A_582 = tpu.vector_load %arg10[%get3A_580, %get3A_581] {strides = array<i32>} : memref<128x128xf32, #tpu.memory_space<vmem>>, vector<1x16xf32>,
        %get3A_583 = vector.shape_cast %get3A_582 : vector<1x16xf32> to vector<16xf32>
        %mul3A_584 = arith.mulf %get3A_583, %gather3A_579 : vector<16xf32>
        %swap3A_585 = arith.index_cast %add3A_575 : i32 to index
        %swap3A_586 = arith.constant 0 : index
        %swap3A_587 = tpu.vector_load %arg10[%swap3A_585, %swap3A_586] {strides = array<i32>} : memref<128x128xf32, #tpu.memory_space<vmem>>, vector<1x16xf32>,
        %swap3A_588 = vector.shape_cast %swap3A_587 : vector<1x16xf32> to vector<16xf32>
        %swap3A_589 = vector.shape_cast %mul3A_584 : vector<16xf32> to vector<1x16xf32>
        tpu.vector_store %arg10[%swap3A_585, %swap3A_586], %swap3A_589 {strides = array<i32>} : memref<128x128xf32, #tpu.memory_space<vmem>>, vector<1x16xf32>,
        %get3A_590 = arith.index_cast %add3A_575 : i32 to index
        %get3A_591 = arith.constant 16 : index
        %get3A_592 = tpu.vector_load %arg10[%get3A_590, %get3A_591] {strides = array<i32>} : memref<128x128xf32, #tpu.memory_space<vmem>>, vector<1x16xf32>,
        %get3A_593 = vector.shape_cast %get3A_592 : vector<1x16xf32> to vector<16xf32>
        %mul3A_594 = arith.mulf %get3A_593, %gather3A_579 : vector<16xf32>
        %swap3A_595 = arith.index_cast %add3A_575 : i32 to index
        %swap3A_596 = arith.constant 16 : index
        %swap3A_597 = tpu.vector_load %arg10[%swap3A_595, %swap3A_596] {strides = array<i32>} : memref<128x128xf32, #tpu.memory_space<vmem>>, vector<1x16xf32>,
        %swap3A_598 = vector.shape_cast %swap3A_597 : vector<1x16xf32> to vector<16xf32>
        %swap3A_599 = vector.shape_cast %mul3A_594 : vector<16xf32> to vector<1x16xf32>
        tpu.vector_store %arg10[%swap3A_595, %swap3A_596], %swap3A_599 {strides = array<i32>} : memref<128x128xf32, #tpu.memory_space<vmem>>, vector<1x16xf32>,
        %get3A_600 = arith.index_cast %add3A_575 : i32 to index
        %get3A_601 = arith.constant 32 : index
        %get3A_602 = tpu.vector_load %arg10[%get3A_600, %get3A_601] {strides = array<i32>} : memref<128x128xf32, #tpu.memory_space<vmem>>, vector<1x16xf32>,
        %get3A_603 = vector.shape_cast %get3A_602 : vector<1x16xf32> to vector<16xf32>
        %mul3A_604 = arith.mulf %get3A_603, %gather3A_579 : vector<16xf32>
        %swap3A_605 = arith.index_cast %add3A_575 : i32 to index
        %swap3A_606 = arith.constant 32 : index
        %swap3A_607 = tpu.vector_load %arg10[%swap3A_605, %swap3A_606] {strides = array<i32>} : memref<128x128xf32, #tpu.memory_space<vmem>>, vector<1x16xf32>,
        %swap3A_608 = vector.shape_cast %swap3A_607 : vector<1x16xf32> to vector<16xf32>
        %swap3A_609 = vector.shape_cast %mul3A_604 : vector<16xf32> to vector<1x16xf32>
        tpu.vector_store %arg10[%swap3A_605, %swap3A_606], %swap3A_609 {strides = array<i32>} : memref<128x128xf32, #tpu.memory_space<vmem>>, vector<1x16xf32>,
        %get3A_610 = arith.index_cast %add3A_575 : i32 to index
        %get3A_611 = arith.constant 48 : index
        %get3A_612 = tpu.vector_load %arg10[%get3A_610, %get3A_611] {strides = array<i32>} : memref<128x128xf32, #tpu.memory_space<vmem>>, vector<1x16xf32>,
        %get3A_613 = vector.shape_cast %get3A_612 : vector<1x16xf32> to vector<16xf32>
        %mul3A_614 = arith.mulf %get3A_613, %gather3A_579 : vector<16xf32>
        %swap3A_615 = arith.index_cast %add3A_575 : i32 to index
        %swap3A_616 = arith.constant 48 : index
        %swap3A_617 = tpu.vector_load %arg10[%swap3A_615, %swap3A_616] {strides = array<i32>} : memref<128x128xf32, #tpu.memory_space<vmem>>, vector<1x16xf32>,
        %swap3A_618 = vector.shape_cast %swap3A_617 : vector<1x16xf32> to vector<16xf32>
        %swap3A_619 = vector.shape_cast %mul3A_614 : vector<16xf32> to vector<1x16xf32>
        tpu.vector_store %arg10[%swap3A_615, %swap3A_616], %swap3A_619 {strides = array<i32>} : memref<128x128xf32, #tpu.memory_space<vmem>>, vector<1x16xf32>,
        %get3A_620 = arith.index_cast %add3A_575 : i32 to index
        %get3A_621 = arith.constant 64 : index
        %get3A_622 = tpu.vector_load %arg10[%get3A_620, %get3A_621] {strides = array<i32>} : memref<128x128xf32, #tpu.memory_space<vmem>>, vector<1x16xf32>,
        %get3A_623 = vector.shape_cast %get3A_622 : vector<1x16xf32> to vector<16xf32>
        %mul3A_624 = arith.mulf %get3A_623, %gather3A_579 : vector<16xf32>
        %swap3A_625 = arith.index_cast %add3A_575 : i32 to index
        %swap3A_626 = arith.constant 64 : index
        %swap3A_627 = tpu.vector_load %arg10[%swap3A_625, %swap3A_626] {strides = array<i32>} : memref<128x128xf32, #tpu.memory_space<vmem>>, vector<1x16xf32>,
        %swap3A_628 = vector.shape_cast %swap3A_627 : vector<1x16xf32> to vector<16xf32>
        %swap3A_629 = vector.shape_cast %mul3A_624 : vector<16xf32> to vector<1x16xf32>
        tpu.vector_store %arg10[%swap3A_625, %swap3A_626], %swap3A_629 {strides = array<i32>} : memref<128x128xf32, #tpu.memory_space<vmem>>, vector<1x16xf32>,
        %get3A_630 = arith.index_cast %add3A_575 : i32 to index
        %get3A_631 = arith.constant 80 : index
        %get3A_632 = tpu.vector_load %arg10[%get3A_630, %get3A_631] {strides = array<i32>} : memref<128x128xf32, #tpu.memory_space<vmem>>, vector<1x16xf32>,
        %get3A_633 = vector.shape_cast %get3A_632 : vector<1x16xf32> to vector<16xf32>
        %mul3A_634 = arith.mulf %get3A_633, %gather3A_579 : vector<16xf32>
        %swap3A_635 = arith.index_cast %add3A_575 : i32 to index
        %swap3A_636 = arith.constant 80 : index
        %swap3A_637 = tpu.vector_load %arg10[%swap3A_635, %swap3A_636] {strides = array<i32>} : memref<128x128xf32, #tpu.memory_space<vmem>>, vector<1x16xf32>,
        %swap3A_638 = vector.shape_cast %swap3A_637 : vector<1x16xf32> to vector<16xf32>
        %swap3A_639 = vector.shape_cast %mul3A_634 : vector<16xf32> to vector<1x16xf32>
        tpu.vector_store %arg10[%swap3A_635, %swap3A_636], %swap3A_639 {strides = array<i32>} : memref<128x128xf32, #tpu.memory_space<vmem>>, vector<1x16xf32>,
        %get3A_640 = arith.index_cast %add3A_575 : i32 to index
        %get3A_641 = arith.constant 96 : index
        %get3A_642 = tpu.vector_load %arg10[%get3A_640, %get3A_641] {strides = array<i32>} : memref<128x128xf32, #tpu.memory_space<vmem>>, vector<1x16xf32>,
        %get3A_643 = vector.shape_cast %get3A_642 : vector<1x16xf32> to vector<16xf32>
        %mul3A_644 = arith.mulf %get3A_643, %gather3A_579 : vector<16xf32>
        %swap3A_645 = arith.index_cast %add3A_575 : i32 to index
        %swap3A_646 = arith.constant 96 : index
        %swap3A_647 = tpu.vector_load %arg10[%swap3A_645, %swap3A_646] {strides = array<i32>} : memref<128x128xf32, #tpu.memory_space<vmem>>, vector<1x16xf32>,
        %swap3A_648 = vector.shape_cast %swap3A_647 : vector<1x16xf32> to vector<16xf32>
        %swap3A_649 = vector.shape_cast %mul3A_644 : vector<16xf32> to vector<1x16xf32>
        tpu.vector_store %arg10[%swap3A_645, %swap3A_646], %swap3A_649 {strides = array<i32>} : memref<128x128xf32, #tpu.memory_space<vmem>>, vector<1x16xf32>,
        %get3A_650 = arith.index_cast %add3A_575 : i32 to index
        %get3A_651 = arith.constant 112 : index
        %get3A_652 = tpu.vector_load %arg10[%get3A_650, %get3A_651] {strides = array<i32>} : memref<128x128xf32, #tpu.memory_space<vmem>>, vector<1x16xf32>,
        %get3A_653 = vector.shape_cast %get3A_652 : vector<1x16xf32> to vector<16xf32>
        %mul3A_654 = arith.mulf %get3A_653, %gather3A_579 : vector<16xf32>
        %swap3A_655 = arith.index_cast %add3A_575 : i32 to index
        %swap3A_656 = arith.constant 112 : index
        %swap3A_657 = tpu.vector_load %arg10[%swap3A_655, %swap3A_656] {strides = array<i32>} : memref<128x128xf32, #tpu.memory_space<vmem>>, vector<1x16xf32>,
        %swap3A_658 = vector.shape_cast %swap3A_657 : vector<1x16xf32> to vector<16xf32>
        %swap3A_659 = vector.shape_cast %mul3A_654 : vector<16xf32> to vector<1x16xf32>
        tpu.vector_store %arg10[%swap3A_655, %swap3A_656], %swap3A_659 {strides = array<i32>} : memref<128x128xf32, #tpu.memory_space<vmem>>, vector<1x16xf32>,
        %mul3A_660 = arith.constant 16 : i32
        %mul3A_661 = arith.muli %scan3A_41, %mul3A_660 : i32
        %add3A_662 = arith.constant 7 : i32
        %add3A_663 = arith.addi %mul3A_661, %add3A_662 : i32
        %broadcast_in_dim3A_664 = arith.constant 7 : i32
        %broadcast_in_dim3A_665 = vector.broadcast %broadcast_in_dim3A_664 : i32 to vector<16x1xi32>
        %gather3A_666 = vector.shape_cast %broadcast_in_dim3A_665 : vector<16x1xi32> to vector<16xi32>
        %gather3A_667 = tpu.dynamic_gather %get3A_46[%gather3A_666] in [0] : vector<16xf32>, vector<16xi32> -> vector<16xf32>
        %get3A_668 = arith.index_cast %add3A_663 : i32 to index
        %get3A_669 = arith.constant 0 : index
        %get3A_670 = tpu.vector_load %arg10[%get3A_668, %get3A_669] {strides = array<i32>} : memref<128x128xf32, #tpu.memory_space<vmem>>, vector<1x16xf32>,
        %get3A_671 = vector.shape_cast %get3A_670 : vector<1x16xf32> to vector<16xf32>
        %mul3A_672 = arith.mulf %get3A_671, %gather3A_667 : vector<16xf32>
        %swap3A_673 = arith.index_cast %add3A_663 : i32 to index
        %swap3A_674 = arith.constant 0 : index
        %swap3A_675 = tpu.vector_load %arg10[%swap3A_673, %swap3A_674] {strides = array<i32>} : memref<128x128xf32, #tpu.memory_space<vmem>>, vector<1x16xf32>,
        %swap3A_676 = vector.shape_cast %swap3A_675 : vector<1x16xf32> to vector<16xf32>
        %swap3A_677 = vector.shape_cast %mul3A_672 : vector<16xf32> to vector<1x16xf32>
        tpu.vector_store %arg10[%swap3A_673, %swap3A_674], %swap3A_677 {strides = array<i32>} : memref<128x128xf32, #tpu.memory_space<vmem>>, vector<1x16xf32>,
        %get3A_678 = arith.index_cast %add3A_663 : i32 to index
        %get3A_679 = arith.constant 16 : index
        %get3A_680 = tpu.vector_load %arg10[%get3A_678, %get3A_679] {strides = array<i32>} : memref<128x128xf32, #tpu.memory_space<vmem>>, vector<1x16xf32>,
        %get3A_681 = vector.shape_cast %get3A_680 : vector<1x16xf32> to vector<16xf32>
        %mul3A_682 = arith.mulf %get3A_681, %gather3A_667 : vector<16xf32>
        %swap3A_683 = arith.index_cast %add3A_663 : i32 to index
        %swap3A_684 = arith.constant 16 : index
        %swap3A_685 = tpu.vector_load %arg10[%swap3A_683, %swap3A_684] {strides = array<i32>} : memref<128x128xf32, #tpu.memory_space<vmem>>, vector<1x16xf32>,
        %swap3A_686 = vector.shape_cast %swap3A_685 : vector<1x16xf32> to vector<16xf32>
        %swap3A_687 = vector.shape_cast %mul3A_682 : vector<16xf32> to vector<1x16xf32>
        tpu.vector_store %arg10[%swap3A_683, %swap3A_684], %swap3A_687 {strides = array<i32>} : memref<128x128xf32, #tpu.memory_space<vmem>>, vector<1x16xf32>,
        %get3A_688 = arith.index_cast %add3A_663 : i32 to index
        %get3A_689 = arith.constant 32 : index
        %get3A_690 = tpu.vector_load %arg10[%get3A_688, %get3A_689] {strides = array<i32>} : memref<128x128xf32, #tpu.memory_space<vmem>>, vector<1x16xf32>,
        %get3A_691 = vector.shape_cast %get3A_690 : vector<1x16xf32> to vector<16xf32>
        %mul3A_692 = arith.mulf %get3A_691, %gather3A_667 : vector<16xf32>
        %swap3A_693 = arith.index_cast %add3A_663 : i32 to index
        %swap3A_694 = arith.constant 32 : index
        %swap3A_695 = tpu.vector_load %arg10[%swap3A_693, %swap3A_694] {strides = array<i32>} : memref<128x128xf32, #tpu.memory_space<vmem>>, vector<1x16xf32>,
        %swap3A_696 = vector.shape_cast %swap3A_695 : vector<1x16xf32> to vector<16xf32>
        %swap3A_697 = vector.shape_cast %mul3A_692 : vector<16xf32> to vector<1x16xf32>
        tpu.vector_store %arg10[%swap3A_693, %swap3A_694], %swap3A_697 {strides = array<i32>} : memref<128x128xf32, #tpu.memory_space<vmem>>, vector<1x16xf32>,
        %get3A_698 = arith.index_cast %add3A_663 : i32 to index
        %get3A_699 = arith.constant 48 : index
        %get3A_700 = tpu.vector_load %arg10[%get3A_698, %get3A_699] {strides = array<i32>} : memref<128x128xf32, #tpu.memory_space<vmem>>, vector<1x16xf32>,
        %get3A_701 = vector.shape_cast %get3A_700 : vector<1x16xf32> to vector<16xf32>
        %mul3A_702 = arith.mulf %get3A_701, %gather3A_667 : vector<16xf32>
        %swap3A_703 = arith.index_cast %add3A_663 : i32 to index
        %swap3A_704 = arith.constant 48 : index
        %swap3A_705 = tpu.vector_load %arg10[%swap3A_703, %swap3A_704] {strides = array<i32>} : memref<128x128xf32, #tpu.memory_space<vmem>>, vector<1x16xf32>,
        %swap3A_706 = vector.shape_cast %swap3A_705 : vector<1x16xf32> to vector<16xf32>
        %swap3A_707 = vector.shape_cast %mul3A_702 : vector<16xf32> to vector<1x16xf32>
        tpu.vector_store %arg10[%swap3A_703, %swap3A_704], %swap3A_707 {strides = array<i32>} : memref<128x128xf32, #tpu.memory_space<vmem>>, vector<1x16xf32>,
        %get3A_708 = arith.index_cast %add3A_663 : i32 to index
        %get3A_709 = arith.constant 64 : index
        %get3A_710 = tpu.vector_load %arg10[%get3A_708, %get3A_709] {strides = array<i32>} : memref<128x128xf32, #tpu.memory_space<vmem>>, vector<1x16xf32>,
        %get3A_711 = vector.shape_cast %get3A_710 : vector<1x16xf32> to vector<16xf32>
        %mul3A_712 = arith.mulf %get3A_711, %gather3A_667 : vector<16xf32>
        %swap3A_713 = arith.index_cast %add3A_663 : i32 to index
        %swap3A_714 = arith.constant 64 : index
        %swap3A_715 = tpu.vector_load %arg10[%swap3A_713, %swap3A_714] {strides = array<i32>} : memref<128x128xf32, #tpu.memory_space<vmem>>, vector<1x16xf32>,
        %swap3A_716 = vector.shape_cast %swap3A_715 : vector<1x16xf32> to vector<16xf32>
        %swap3A_717 = vector.shape_cast %mul3A_712 : vector<16xf32> to vector<1x16xf32>
        tpu.vector_store %arg10[%swap3A_713, %swap3A_714], %swap3A_717 {strides = array<i32>} : memref<128x128xf32, #tpu.memory_space<vmem>>, vector<1x16xf32>,
        %get3A_718 = arith.index_cast %add3A_663 : i32 to index
        %get3A_719 = arith.constant 80 : index
        %get3A_720 = tpu.vector_load %arg10[%get3A_718, %get3A_719] {strides = array<i32>} : memref<128x128xf32, #tpu.memory_space<vmem>>, vector<1x16xf32>,
        %get3A_721 = vector.shape_cast %get3A_720 : vector<1x16xf32> to vector<16xf32>
        %mul3A_722 = arith.mulf %get3A_721, %gather3A_667 : vector<16xf32>
        %swap3A_723 = arith.index_cast %add3A_663 : i32 to index
        %swap3A_724 = arith.constant 80 : index
        %swap3A_725 = tpu.vector_load %arg10[%swap3A_723, %swap3A_724] {strides = array<i32>} : memref<128x128xf32, #tpu.memory_space<vmem>>, vector<1x16xf32>,
        %swap3A_726 = vector.shape_cast %swap3A_725 : vector<1x16xf32> to vector<16xf32>
        %swap3A_727 = vector.shape_cast %mul3A_722 : vector<16xf32> to vector<1x16xf32>
        tpu.vector_store %arg10[%swap3A_723, %swap3A_724], %swap3A_727 {strides = array<i32>} : memref<128x128xf32, #tpu.memory_space<vmem>>, vector<1x16xf32>,
        %get3A_728 = arith.index_cast %add3A_663 : i32 to index
        %get3A_729 = arith.constant 96 : index
        %get3A_730 = tpu.vector_load %arg10[%get3A_728, %get3A_729] {strides = array<i32>} : memref<128x128xf32, #tpu.memory_space<vmem>>, vector<1x16xf32>,
        %get3A_731 = vector.shape_cast %get3A_730 : vector<1x16xf32> to vector<16xf32>
        %mul3A_732 = arith.mulf %get3A_731, %gather3A_667 : vector<16xf32>
        %swap3A_733 = arith.index_cast %add3A_663 : i32 to index
        %swap3A_734 = arith.constant 96 : index
        %swap3A_735 = tpu.vector_load %arg10[%swap3A_733, %swap3A_734] {strides = array<i32>} : memref<128x128xf32, #tpu.memory_space<vmem>>, vector<1x16xf32>,
        %swap3A_736 = vector.shape_cast %swap3A_735 : vector<1x16xf32> to vector<16xf32>
        %swap3A_737 = vector.shape_cast %mul3A_732 : vector<16xf32> to vector<1x16xf32>
        tpu.vector_store %arg10[%swap3A_733, %swap3A_734], %swap3A_737 {strides = array<i32>} : memref<128x128xf32, #tpu.memory_space<vmem>>, vector<1x16xf32>,
        %get3A_738 = arith.index_cast %add3A_663 : i32 to index
        %get3A_739 = arith.constant 112 : index
        %get3A_740 = tpu.vector_load %arg10[%get3A_738, %get3A_739] {strides = array<i32>} : memref<128x128xf32, #tpu.memory_space<vmem>>, vector<1x16xf32>,
        %get3A_741 = vector.shape_cast %get3A_740 : vector<1x16xf32> to vector<16xf32>
        %mul3A_742 = arith.mulf %get3A_741, %gather3A_667 : vector<16xf32>
        %swap3A_743 = arith.index_cast %add3A_663 : i32 to index
        %swap3A_744 = arith.constant 112 : index
        %swap3A_745 = tpu.vector_load %arg10[%swap3A_743, %swap3A_744] {strides = array<i32>} : memref<128x128xf32, #tpu.memory_space<vmem>>, vector<1x16xf32>,
        %swap3A_746 = vector.shape_cast %swap3A_745 : vector<1x16xf32> to vector<16xf32>
        %swap3A_747 = vector.shape_cast %mul3A_742 : vector<16xf32> to vector<1x16xf32>
        tpu.vector_store %arg10[%swap3A_743, %swap3A_744], %swap3A_747 {strides = array<i32>} : memref<128x128xf32, #tpu.memory_space<vmem>>, vector<1x16xf32>,
        %mul3A_748 = arith.constant 16 : i32
        %mul3A_749 = arith.muli %scan3A_41, %mul3A_748 : i32
        %add3A_750 = arith.constant 8 : i32
        %add3A_751 = arith.addi %mul3A_749, %add3A_750 : i32
        %broadcast_in_dim3A_752 = arith.constant 8 : i32
        %broadcast_in_dim3A_753 = vector.broadcast %broadcast_in_dim3A_752 : i32 to vector<16x1xi32>
        %gather3A_754 = vector.shape_cast %broadcast_in_dim3A_753 : vector<16x1xi32> to vector<16xi32>
        %gather3A_755 = tpu.dynamic_gather %get3A_46[%gather3A_754] in [0] : vector<16xf32>, vector<16xi32> -> vector<16xf32>
        %get3A_756 = arith.index_cast %add3A_751 : i32 to index
        %get3A_757 = arith.constant 0 : index
        %get3A_758 = tpu.vector_load %arg10[%get3A_756, %get3A_757] {strides = array<i32>} : memref<128x128xf32, #tpu.memory_space<vmem>>, vector<1x16xf32>,
        %get3A_759 = vector.shape_cast %get3A_758 : vector<1x16xf32> to vector<16xf32>
        %mul3A_760 = arith.mulf %get3A_759, %gather3A_755 : vector<16xf32>
        %swap3A_761 = arith.index_cast %add3A_751 : i32 to index
        %swap3A_762 = arith.constant 0 : index
        %swap3A_763 = tpu.vector_load %arg10[%swap3A_761, %swap3A_762] {strides = array<i32>} : memref<128x128xf32, #tpu.memory_space<vmem>>, vector<1x16xf32>,
        %swap3A_764 = vector.shape_cast %swap3A_763 : vector<1x16xf32> to vector<16xf32>
        %swap3A_765 = vector.shape_cast %mul3A_760 : vector<16xf32> to vector<1x16xf32>
        tpu.vector_store %arg10[%swap3A_761, %swap3A_762], %swap3A_765 {strides = array<i32>} : memref<128x128xf32, #tpu.memory_space<vmem>>, vector<1x16xf32>,
        %get3A_766 = arith.index_cast %add3A_751 : i32 to index
        %get3A_767 = arith.constant 16 : index
        %get3A_768 = tpu.vector_load %arg10[%get3A_766, %get3A_767] {strides = array<i32>} : memref<128x128xf32, #tpu.memory_space<vmem>>, vector<1x16xf32>,
        %get3A_769 = vector.shape_cast %get3A_768 : vector<1x16xf32> to vector<16xf32>
        %mul3A_770 = arith.mulf %get3A_769, %gather3A_755 : vector<16xf32>
        %swap3A_771 = arith.index_cast %add3A_751 : i32 to index
        %swap3A_772 = arith.constant 16 : index
        %swap3A_773 = tpu.vector_load %arg10[%swap3A_771, %swap3A_772] {strides = array<i32>} : memref<128x128xf32, #tpu.memory_space<vmem>>, vector<1x16xf32>,
        %swap3A_774 = vector.shape_cast %swap3A_773 : vector<1x16xf32> to vector<16xf32>
        %swap3A_775 = vector.shape_cast %mul3A_770 : vector<16xf32> to vector<1x16xf32>
        tpu.vector_store %arg10[%swap3A_771, %swap3A_772], %swap3A_775 {strides = array<i32>} : memref<128x128xf32, #tpu.memory_space<vmem>>, vector<1x16xf32>,
        %get3A_776 = arith.index_cast %add3A_751 : i32 to index
        %get3A_777 = arith.constant 32 : index
        %get3A_778 = tpu.vector_load %arg10[%get3A_776, %get3A_777] {strides = array<i32>} : memref<128x128xf32, #tpu.memory_space<vmem>>, vector<1x16xf32>,
        %get3A_779 = vector.shape_cast %get3A_778 : vector<1x16xf32> to vector<16xf32>
        %mul3A_780 = arith.mulf %get3A_779, %gather3A_755 : vector<16xf32>
        %swap3A_781 = arith.index_cast %add3A_751 : i32 to index
        %swap3A_782 = arith.constant 32 : index
        %swap3A_783 = tpu.vector_load %arg10[%swap3A_781, %swap3A_782] {strides = array<i32>} : memref<128x128xf32, #tpu.memory_space<vmem>>, vector<1x16xf32>,
        %swap3A_784 = vector.shape_cast %swap3A_783 : vector<1x16xf32> to vector<16xf32>
        %swap3A_785 = vector.shape_cast %mul3A_780 : vector<16xf32> to vector<1x16xf32>
        tpu.vector_store %arg10[%swap3A_781, %swap3A_782], %swap3A_785 {strides = array<i32>} : memref<128x128xf32, #tpu.memory_space<vmem>>, vector<1x16xf32>,
        %get3A_786 = arith.index_cast %add3A_751 : i32 to index
        %get3A_787 = arith.constant 48 : index
        %get3A_788 = tpu.vector_load %arg10[%get3A_786, %get3A_787] {strides = array<i32>} : memref<128x128xf32, #tpu.memory_space<vmem>>, vector<1x16xf32>,
        %get3A_789 = vector.shape_cast %get3A_788 : vector<1x16xf32> to vector<16xf32>
        %mul3A_790 = arith.mulf %get3A_789, %gather3A_755 : vector<16xf32>
        %swap3A_791 = arith.index_cast %add3A_751 : i32 to index
        %swap3A_792 = arith.constant 48 : index
        %swap3A_793 = tpu.vector_load %arg10[%swap3A_791, %swap3A_792] {strides = array<i32>} : memref<128x128xf32, #tpu.memory_space<vmem>>, vector<1x16xf32>,
        %swap3A_794 = vector.shape_cast %swap3A_793 : vector<1x16xf32> to vector<16xf32>
        %swap3A_795 = vector.shape_cast %mul3A_790 : vector<16xf32> to vector<1x16xf32>
        tpu.vector_store %arg10[%swap3A_791, %swap3A_792], %swap3A_795 {strides = array<i32>} : memref<128x128xf32, #tpu.memory_space<vmem>>, vector<1x16xf32>,
        %get3A_796 = arith.index_cast %add3A_751 : i32 to index
        %get3A_797 = arith.constant 64 : index
        %get3A_798 = tpu.vector_load %arg10[%get3A_796, %get3A_797] {strides = array<i32>} : memref<128x128xf32, #tpu.memory_space<vmem>>, vector<1x16xf32>,
        %get3A_799 = vector.shape_cast %get3A_798 : vector<1x16xf32> to vector<16xf32>
        %mul3A_800 = arith.mulf %get3A_799, %gather3A_755 : vector<16xf32>
        %swap3A_801 = arith.index_cast %add3A_751 : i32 to index
        %swap3A_802 = arith.constant 64 : index
        %swap3A_803 = tpu.vector_load %arg10[%swap3A_801, %swap3A_802] {strides = array<i32>} : memref<128x128xf32, #tpu.memory_space<vmem>>, vector<1x16xf32>,
        %swap3A_804 = vector.shape_cast %swap3A_803 : vector<1x16xf32> to vector<16xf32>
        %swap3A_805 = vector.shape_cast %mul3A_800 : vector<16xf32> to vector<1x16xf32>
        tpu.vector_store %arg10[%swap3A_801, %swap3A_802], %swap3A_805 {strides = array<i32>} : memref<128x128xf32, #tpu.memory_space<vmem>>, vector<1x16xf32>,
        %get3A_806 = arith.index_cast %add3A_751 : i32 to index
        %get3A_807 = arith.constant 80 : index
        %get3A_808 = tpu.vector_load %arg10[%get3A_806, %get3A_807] {strides = array<i32>} : memref<128x128xf32, #tpu.memory_space<vmem>>, vector<1x16xf32>,
        %get3A_809 = vector.shape_cast %get3A_808 : vector<1x16xf32> to vector<16xf32>
        %mul3A_810 = arith.mulf %get3A_809, %gather3A_755 : vector<16xf32>
        %swap3A_811 = arith.index_cast %add3A_751 : i32 to index
        %swap3A_812 = arith.constant 80 : index
        %swap3A_813 = tpu.vector_load %arg10[%swap3A_811, %swap3A_812] {strides = array<i32>} : memref<128x128xf32, #tpu.memory_space<vmem>>, vector<1x16xf32>,
        %swap3A_814 = vector.shape_cast %swap3A_813 : vector<1x16xf32> to vector<16xf32>
        %swap3A_815 = vector.shape_cast %mul3A_810 : vector<16xf32> to vector<1x16xf32>
        tpu.vector_store %arg10[%swap3A_811, %swap3A_812], %swap3A_815 {strides = array<i32>} : memref<128x128xf32, #tpu.memory_space<vmem>>, vector<1x16xf32>,
        %get3A_816 = arith.index_cast %add3A_751 : i32 to index
        %get3A_817 = arith.constant 96 : index
        %get3A_818 = tpu.vector_load %arg10[%get3A_816, %get3A_817] {strides = array<i32>} : memref<128x128xf32, #tpu.memory_space<vmem>>, vector<1x16xf32>,
        %get3A_819 = vector.shape_cast %get3A_818 : vector<1x16xf32> to vector<16xf32>
        %mul3A_820 = arith.mulf %get3A_819, %gather3A_755 : vector<16xf32>
        %swap3A_821 = arith.index_cast %add3A_751 : i32 to index
        %swap3A_822 = arith.constant 96 : index
        %swap3A_823 = tpu.vector_load %arg10[%swap3A_821, %swap3A_822] {strides = array<i32>} : memref<128x128xf32, #tpu.memory_space<vmem>>, vector<1x16xf32>,
        %swap3A_824 = vector.shape_cast %swap3A_823 : vector<1x16xf32> to vector<16xf32>
        %swap3A_825 = vector.shape_cast %mul3A_820 : vector<16xf32> to vector<1x16xf32>
        tpu.vector_store %arg10[%swap3A_821, %swap3A_822], %swap3A_825 {strides = array<i32>} : memref<128x128xf32, #tpu.memory_space<vmem>>, vector<1x16xf32>,
        %get3A_826 = arith.index_cast %add3A_751 : i32 to index
        %get3A_827 = arith.constant 112 : index
        %get3A_828 = tpu.vector_load %arg10[%get3A_826, %get3A_827] {strides = array<i32>} : memref<128x128xf32, #tpu.memory_space<vmem>>, vector<1x16xf32>,
        %get3A_829 = vector.shape_cast %get3A_828 : vector<1x16xf32> to vector<16xf32>
        %mul3A_830 = arith.mulf %get3A_829, %gather3A_755 : vector<16xf32>
        %swap3A_831 = arith.index_cast %add3A_751 : i32 to index
        %swap3A_832 = arith.constant 112 : index
        %swap3A_833 = tpu.vector_load %arg10[%swap3A_831, %swap3A_832] {strides = array<i32>} : memref<128x128xf32, #tpu.memory_space<vmem>>, vector<1x16xf32>,
        %swap3A_834 = vector.shape_cast %swap3A_833 : vector<1x16xf32> to vector<16xf32>
        %swap3A_835 = vector.shape_cast %mul3A_830 : vector<16xf32> to vector<1x16xf32>
        tpu.vector_store %arg10[%swap3A_831, %swap3A_832], %swap3A_835 {strides = array<i32>} : memref<128x128xf32, #tpu.memory_space<vmem>>, vector<1x16xf32>,
        %mul3A_836 = arith.constant 16 : i32
        %mul3A_837 = arith.muli %scan3A_41, %mul3A_836 : i32
        %add3A_838 = arith.constant 9 : i32
        %add3A_839 = arith.addi %mul3A_837, %add3A_838 : i32
        %broadcast_in_dim3A_840 = arith.constant 9 : i32
        %broadcast_in_dim3A_841 = vector.broadcast %broadcast_in_dim3A_840 : i32 to vector<16x1xi32>
        %gather3A_842 = vector.shape_cast %broadcast_in_dim3A_841 : vector<16x1xi32> to vector<16xi32>
        %gather3A_843 = tpu.dynamic_gather %get3A_46[%gather3A_842] in [0] : vector<16xf32>, vector<16xi32> -> vector<16xf32>
        %get3A_844 = arith.index_cast %add3A_839 : i32 to index
        %get3A_845 = arith.constant 0 : index
        %get3A_846 = tpu.vector_load %arg10[%get3A_844, %get3A_845] {strides = array<i32>} : memref<128x128xf32, #tpu.memory_space<vmem>>, vector<1x16xf32>,
        %get3A_847 = vector.shape_cast %get3A_846 : vector<1x16xf32> to vector<16xf32>
        %mul3A_848 = arith.mulf %get3A_847, %gather3A_843 : vector<16xf32>
        %swap3A_849 = arith.index_cast %add3A_839 : i32 to index
        %swap3A_850 = arith.constant 0 : index
        %swap3A_851 = tpu.vector_load %arg10[%swap3A_849, %swap3A_850] {strides = array<i32>} : memref<128x128xf32, #tpu.memory_space<vmem>>, vector<1x16xf32>,
        %swap3A_852 = vector.shape_cast %swap3A_851 : vector<1x16xf32> to vector<16xf32>
        %swap3A_853 = vector.shape_cast %mul3A_848 : vector<16xf32> to vector<1x16xf32>
        tpu.vector_store %arg10[%swap3A_849, %swap3A_850], %swap3A_853 {strides = array<i32>} : memref<128x128xf32, #tpu.memory_space<vmem>>, vector<1x16xf32>,
        %get3A_854 = arith.index_cast %add3A_839 : i32 to index
        %get3A_855 = arith.constant 16 : index
        %get3A_856 = tpu.vector_load %arg10[%get3A_854, %get3A_855] {strides = array<i32>} : memref<128x128xf32, #tpu.memory_space<vmem>>, vector<1x16xf32>,
        %get3A_857 = vector.shape_cast %get3A_856 : vector<1x16xf32> to vector<16xf32>
        %mul3A_858 = arith.mulf %get3A_857, %gather3A_843 : vector<16xf32>
        %swap3A_859 = arith.index_cast %add3A_839 : i32 to index
        %swap3A_860 = arith.constant 16 : index
        %swap3A_861 = tpu.vector_load %arg10[%swap3A_859, %swap3A_860] {strides = array<i32>} : memref<128x128xf32, #tpu.memory_space<vmem>>, vector<1x16xf32>,
        %swap3A_862 = vector.shape_cast %swap3A_861 : vector<1x16xf32> to vector<16xf32>
        %swap3A_863 = vector.shape_cast %mul3A_858 : vector<16xf32> to vector<1x16xf32>
        tpu.vector_store %arg10[%swap3A_859, %swap3A_860], %swap3A_863 {strides = array<i32>} : memref<128x128xf32, #tpu.memory_space<vmem>>, vector<1x16xf32>,
        %get3A_864 = arith.index_cast %add3A_839 : i32 to index
        %get3A_865 = arith.constant 32 : index
        %get3A_866 = tpu.vector_load %arg10[%get3A_864, %get3A_865] {strides = array<i32>} : memref<128x128xf32, #tpu.memory_space<vmem>>, vector<1x16xf32>,
        %get3A_867 = vector.shape_cast %get3A_866 : vector<1x16xf32> to vector<16xf32>
        %mul3A_868 = arith.mulf %get3A_867, %gather3A_843 : vector<16xf32>
        %swap3A_869 = arith.index_cast %add3A_839 : i32 to index
        %swap3A_870 = arith.constant 32 : index
        %swap3A_871 = tpu.vector_load %arg10[%swap3A_869, %swap3A_870] {strides = array<i32>} : memref<128x128xf32, #tpu.memory_space<vmem>>, vector<1x16xf32>,
        %swap3A_872 = vector.shape_cast %swap3A_871 : vector<1x16xf32> to vector<16xf32>
        %swap3A_873 = vector.shape_cast %mul3A_868 : vector<16xf32> to vector<1x16xf32>
        tpu.vector_store %arg10[%swap3A_869, %swap3A_870], %swap3A_873 {strides = array<i32>} : memref<128x128xf32, #tpu.memory_space<vmem>>, vector<1x16xf32>,
        %get3A_874 = arith.index_cast %add3A_839 : i32 to index
        %get3A_875 = arith.constant 48 : index
        %get3A_876 = tpu.vector_load %arg10[%get3A_874, %get3A_875] {strides = array<i32>} : memref<128x128xf32, #tpu.memory_space<vmem>>, vector<1x16xf32>,
        %get3A_877 = vector.shape_cast %get3A_876 : vector<1x16xf32> to vector<16xf32>
        %mul3A_878 = arith.mulf %get3A_877, %gather3A_843 : vector<16xf32>
        %swap3A_879 = arith.index_cast %add3A_839 : i32 to index
        %swap3A_880 = arith.constant 48 : index
        %swap3A_881 = tpu.vector_load %arg10[%swap3A_879, %swap3A_880] {strides = array<i32>} : memref<128x128xf32, #tpu.memory_space<vmem>>, vector<1x16xf32>,
        %swap3A_882 = vector.shape_cast %swap3A_881 : vector<1x16xf32> to vector<16xf32>
        %swap3A_883 = vector.shape_cast %mul3A_878 : vector<16xf32> to vector<1x16xf32>
        tpu.vector_store %arg10[%swap3A_879, %swap3A_880], %swap3A_883 {strides = array<i32>} : memref<128x128xf32, #tpu.memory_space<vmem>>, vector<1x16xf32>,
        %get3A_884 = arith.index_cast %add3A_839 : i32 to index
        %get3A_885 = arith.constant 64 : index
        %get3A_886 = tpu.vector_load %arg10[%get3A_884, %get3A_885] {strides = array<i32>} : memref<128x128xf32, #tpu.memory_space<vmem>>, vector<1x16xf32>,
        %get3A_887 = vector.shape_cast %get3A_886 : vector<1x16xf32> to vector<16xf32>
        %mul3A_888 = arith.mulf %get3A_887, %gather3A_843 : vector<16xf32>
        %swap3A_889 = arith.index_cast %add3A_839 : i32 to index
        %swap3A_890 = arith.constant 64 : index
        %swap3A_891 = tpu.vector_load %arg10[%swap3A_889, %swap3A_890] {strides = array<i32>} : memref<128x128xf32, #tpu.memory_space<vmem>>, vector<1x16xf32>,
        %swap3A_892 = vector.shape_cast %swap3A_891 : vector<1x16xf32> to vector<16xf32>
        %swap3A_893 = vector.shape_cast %mul3A_888 : vector<16xf32> to vector<1x16xf32>
        tpu.vector_store %arg10[%swap3A_889, %swap3A_890], %swap3A_893 {strides = array<i32>} : memref<128x128xf32, #tpu.memory_space<vmem>>, vector<1x16xf32>,
        %get3A_894 = arith.index_cast %add3A_839 : i32 to index
        %get3A_895 = arith.constant 80 : index
        %get3A_896 = tpu.vector_load %arg10[%get3A_894, %get3A_895] {strides = array<i32>} : memref<128x128xf32, #tpu.memory_space<vmem>>, vector<1x16xf32>,
        %get3A_897 = vector.shape_cast %get3A_896 : vector<1x16xf32> to vector<16xf32>
        %mul3A_898 = arith.mulf %get3A_897, %gather3A_843 : vector<16xf32>
        %swap3A_899 = arith.index_cast %add3A_839 : i32 to index
        %swap3A_900 = arith.constant 80 : index
        %swap3A_901 = tpu.vector_load %arg10[%swap3A_899, %swap3A_900] {strides = array<i32>} : memref<128x128xf32, #tpu.memory_space<vmem>>, vector<1x16xf32>,
        %swap3A_902 = vector.shape_cast %swap3A_901 : vector<1x16xf32> to vector<16xf32>
        %swap3A_903 = vector.shape_cast %mul3A_898 : vector<16xf32> to vector<1x16xf32>
        tpu.vector_store %arg10[%swap3A_899, %swap3A_900], %swap3A_903 {strides = array<i32>} : memref<128x128xf32, #tpu.memory_space<vmem>>, vector<1x16xf32>,
        %get3A_904 = arith.index_cast %add3A_839 : i32 to index
        %get3A_905 = arith.constant 96 : index
        %get3A_906 = tpu.vector_load %arg10[%get3A_904, %get3A_905] {strides = array<i32>} : memref<128x128xf32, #tpu.memory_space<vmem>>, vector<1x16xf32>,
        %get3A_907 = vector.shape_cast %get3A_906 : vector<1x16xf32> to vector<16xf32>
        %mul3A_908 = arith.mulf %get3A_907, %gather3A_843 : vector<16xf32>
        %swap3A_909 = arith.index_cast %add3A_839 : i32 to index
        %swap3A_910 = arith.constant 96 : index
        %swap3A_911 = tpu.vector_load %arg10[%swap3A_909, %swap3A_910] {strides = array<i32>} : memref<128x128xf32, #tpu.memory_space<vmem>>, vector<1x16xf32>,
        %swap3A_912 = vector.shape_cast %swap3A_911 : vector<1x16xf32> to vector<16xf32>
        %swap3A_913 = vector.shape_cast %mul3A_908 : vector<16xf32> to vector<1x16xf32>
        tpu.vector_store %arg10[%swap3A_909, %swap3A_910], %swap3A_913 {strides = array<i32>} : memref<128x128xf32, #tpu.memory_space<vmem>>, vector<1x16xf32>,
        %get3A_914 = arith.index_cast %add3A_839 : i32 to index
        %get3A_915 = arith.constant 112 : index
        %get3A_916 = tpu.vector_load %arg10[%get3A_914, %get3A_915] {strides = array<i32>} : memref<128x128xf32, #tpu.memory_space<vmem>>, vector<1x16xf32>,
        %get3A_917 = vector.shape_cast %get3A_916 : vector<1x16xf32> to vector<16xf32>
        %mul3A_918 = arith.mulf %get3A_917, %gather3A_843 : vector<16xf32>
        %swap3A_919 = arith.index_cast %add3A_839 : i32 to index
        %swap3A_920 = arith.constant 112 : index
        %swap3A_921 = tpu.vector_load %arg10[%swap3A_919, %swap3A_920] {strides = array<i32>} : memref<128x128xf32, #tpu.memory_space<vmem>>, vector<1x16xf32>,
        %swap3A_922 = vector.shape_cast %swap3A_921 : vector<1x16xf32> to vector<16xf32>
        %swap3A_923 = vector.shape_cast %mul3A_918 : vector<16xf32> to vector<1x16xf32>
        tpu.vector_store %arg10[%swap3A_919, %swap3A_920], %swap3A_923 {strides = array<i32>} : memref<128x128xf32, #tpu.memory_space<vmem>>, vector<1x16xf32>,
        %mul3A_924 = arith.constant 16 : i32
        %mul3A_925 = arith.muli %scan3A_41, %mul3A_924 : i32
        %add3A_926 = arith.constant 10 : i32
        %add3A_927 = arith.addi %mul3A_925, %add3A_926 : i32
        %broadcast_in_dim3A_928 = arith.constant 10 : i32
        %broadcast_in_dim3A_929 = vector.broadcast %broadcast_in_dim3A_928 : i32 to vector<16x1xi32>
        %gather3A_930 = vector.shape_cast %broadcast_in_dim3A_929 : vector<16x1xi32> to vector<16xi32>
        %gather3A_931 = tpu.dynamic_gather %get3A_46[%gather3A_930] in [0] : vector<16xf32>, vector<16xi32> -> vector<16xf32>
        %get3A_932 = arith.index_cast %add3A_927 : i32 to index
        %get3A_933 = arith.constant 0 : index
        %get3A_934 = tpu.vector_load %arg10[%get3A_932, %get3A_933] {strides = array<i32>} : memref<128x128xf32, #tpu.memory_space<vmem>>, vector<1x16xf32>,
        %get3A_935 = vector.shape_cast %get3A_934 : vector<1x16xf32> to vector<16xf32>
        %mul3A_936 = arith.mulf %get3A_935, %gather3A_931 : vector<16xf32>
        %swap3A_937 = arith.index_cast %add3A_927 : i32 to index
        %swap3A_938 = arith.constant 0 : index
        %swap3A_939 = tpu.vector_load %arg10[%swap3A_937, %swap3A_938] {strides = array<i32>} : memref<128x128xf32, #tpu.memory_space<vmem>>, vector<1x16xf32>,
        %swap3A_940 = vector.shape_cast %swap3A_939 : vector<1x16xf32> to vector<16xf32>
        %swap3A_941 = vector.shape_cast %mul3A_936 : vector<16xf32> to vector<1x16xf32>
        tpu.vector_store %arg10[%swap3A_937, %swap3A_938], %swap3A_941 {strides = array<i32>} : memref<128x128xf32, #tpu.memory_space<vmem>>, vector<1x16xf32>,
        %get3A_942 = arith.index_cast %add3A_927 : i32 to index
        %get3A_943 = arith.constant 16 : index
        %get3A_944 = tpu.vector_load %arg10[%get3A_942, %get3A_943] {strides = array<i32>} : memref<128x128xf32, #tpu.memory_space<vmem>>, vector<1x16xf32>,
        %get3A_945 = vector.shape_cast %get3A_944 : vector<1x16xf32> to vector<16xf32>
        %mul3A_946 = arith.mulf %get3A_945, %gather3A_931 : vector<16xf32>
        %swap3A_947 = arith.index_cast %add3A_927 : i32 to index
        %swap3A_948 = arith.constant 16 : index
        %swap3A_949 = tpu.vector_load %arg10[%swap3A_947, %swap3A_948] {strides = array<i32>} : memref<128x128xf32, #tpu.memory_space<vmem>>, vector<1x16xf32>,
        %swap3A_950 = vector.shape_cast %swap3A_949 : vector<1x16xf32> to vector<16xf32>
        %swap3A_951 = vector.shape_cast %mul3A_946 : vector<16xf32> to vector<1x16xf32>
        tpu.vector_store %arg10[%swap3A_947, %swap3A_948], %swap3A_951 {strides = array<i32>} : memref<128x128xf32, #tpu.memory_space<vmem>>, vector<1x16xf32>,
        %get3A_952 = arith.index_cast %add3A_927 : i32 to index
        %get3A_953 = arith.constant 32 : index
        %get3A_954 = tpu.vector_load %arg10[%get3A_952, %get3A_953] {strides = array<i32>} : memref<128x128xf32, #tpu.memory_space<vmem>>, vector<1x16xf32>,
        %get3A_955 = vector.shape_cast %get3A_954 : vector<1x16xf32> to vector<16xf32>
        %mul3A_956 = arith.mulf %get3A_955, %gather3A_931 : vector<16xf32>
        %swap3A_957 = arith.index_cast %add3A_927 : i32 to index
        %swap3A_958 = arith.constant 32 : index
        %swap3A_959 = tpu.vector_load %arg10[%swap3A_957, %swap3A_958] {strides = array<i32>} : memref<128x128xf32, #tpu.memory_space<vmem>>, vector<1x16xf32>,
        %swap3A_960 = vector.shape_cast %swap3A_959 : vector<1x16xf32> to vector<16xf32>
        %swap3A_961 = vector.shape_cast %mul3A_956 : vector<16xf32> to vector<1x16xf32>
        tpu.vector_store %arg10[%swap3A_957, %swap3A_958], %swap3A_961 {strides = array<i32>} : memref<128x128xf32, #tpu.memory_space<vmem>>, vector<1x16xf32>,
        %get3A_962 = arith.index_cast %add3A_927 : i32 to index
        %get3A_963 = arith.constant 48 : index
        %get3A_964 = tpu.vector_load %arg10[%get3A_962, %get3A_963] {strides = array<i32>} : memref<128x128xf32, #tpu.memory_space<vmem>>, vector<1x16xf32>,
        %get3A_965 = vector.shape_cast %get3A_964 : vector<1x16xf32> to vector<16xf32>
        %mul3A_966 = arith.mulf %get3A_965, %gather3A_931 : vector<16xf32>
        %swap3A_967 = arith.index_cast %add3A_927 : i32 to index
        %swap3A_968 = arith.constant 48 : index
        %swap3A_969 = tpu.vector_load %arg10[%swap3A_967, %swap3A_968] {strides = array<i32>} : memref<128x128xf32, #tpu.memory_space<vmem>>, vector<1x16xf32>,
        %swap3A_970 = vector.shape_cast %swap3A_969 : vector<1x16xf32> to vector<16xf32>
        %swap3A_971 = vector.shape_cast %mul3A_966 : vector<16xf32> to vector<1x16xf32>
        tpu.vector_store %arg10[%swap3A_967, %swap3A_968], %swap3A_971 {strides = array<i32>} : memref<128x128xf32, #tpu.memory_space<vmem>>, vector<1x16xf32>,
        %get3A_972 = arith.index_cast %add3A_927 : i32 to index
        %get3A_973 = arith.constant 64 : index
        %get3A_974 = tpu.vector_load %arg10[%get3A_972, %get3A_973] {strides = array<i32>} : memref<128x128xf32, #tpu.memory_space<vmem>>, vector<1x16xf32>,
        %get3A_975 = vector.shape_cast %get3A_974 : vector<1x16xf32> to vector<16xf32>
        %mul3A_976 = arith.mulf %get3A_975, %gather3A_931 : vector<16xf32>
        %swap3A_977 = arith.index_cast %add3A_927 : i32 to index
        %swap3A_978 = arith.constant 64 : index
        %swap3A_979 = tpu.vector_load %arg10[%swap3A_977, %swap3A_978] {strides = array<i32>} : memref<128x128xf32, #tpu.memory_space<vmem>>, vector<1x16xf32>,
        %swap3A_980 = vector.shape_cast %swap3A_979 : vector<1x16xf32> to vector<16xf32>
        %swap3A_981 = vector.shape_cast %mul3A_976 : vector<16xf32> to vector<1x16xf32>
        tpu.vector_store %arg10[%swap3A_977, %swap3A_978], %swap3A_981 {strides = array<i32>} : memref<128x128xf32, #tpu.memory_space<vmem>>, vector<1x16xf32>,
        %get3A_982 = arith.index_cast %add3A_927 : i32 to index
        %get3A_983 = arith.constant 80 : index
        %get3A_984 = tpu.vector_load %arg10[%get3A_982, %get3A_983] {strides = array<i32>} : memref<128x128xf32, #tpu.memory_space<vmem>>, vector<1x16xf32>,
        %get3A_985 = vector.shape_cast %get3A_984 : vector<1x16xf32> to vector<16xf32>
        %mul3A_986 = arith.mulf %get3A_985, %gather3A_931 : vector<16xf32>
        %swap3A_987 = arith.index_cast %add3A_927 : i32 to index
        %swap3A_988 = arith.constant 80 : index
        %swap3A_989 = tpu.vector_load %arg10[%swap3A_987, %swap3A_988] {strides = array<i32>} : memref<128x128xf32, #tpu.memory_space<vmem>>, vector<1x16xf32>,
        %swap3A_990 = vector.shape_cast %swap3A_989 : vector<1x16xf32> to vector<16xf32>
        %swap3A_991 = vector.shape_cast %mul3A_986 : vector<16xf32> to vector<1x16xf32>
        tpu.vector_store %arg10[%swap3A_987, %swap3A_988], %swap3A_991 {strides = array<i32>} : memref<128x128xf32, #tpu.memory_space<vmem>>, vector<1x16xf32>,
        %get3A_992 = arith.index_cast %add3A_927 : i32 to index
        %get3A_993 = arith.constant 96 : index
        %get3A_994 = tpu.vector_load %arg10[%get3A_992, %get3A_993] {strides = array<i32>} : memref<128x128xf32, #tpu.memory_space<vmem>>, vector<1x16xf32>,
        %get3A_995 = vector.shape_cast %get3A_994 : vector<1x16xf32> to vector<16xf32>
        %mul3A_996 = arith.mulf %get3A_995, %gather3A_931 : vector<16xf32>
        %swap3A_997 = arith.index_cast %add3A_927 : i32 to index
        %swap3A_998 = arith.constant 96 : index
        %swap3A_999 = tpu.vector_load %arg10[%swap3A_997, %swap3A_998] {strides = array<i32>} : memref<128x128xf32, #tpu.memory_space<vmem>>, vector<1x16xf32>,
        %swap3A_1000 = vector.shape_cast %swap3A_999 : vector<1x16xf32> to vector<16xf32>
        %swap3A_1001 = vector.shape_cast %mul3A_996 : vector<16xf32> to vector<1x16xf32>
        tpu.vector_store %arg10[%swap3A_997, %swap3A_998], %swap3A_1001 {strides = array<i32>} : memref<128x128xf32, #tpu.memory_space<vmem>>, vector<1x16xf32>,
        %get3A_1002 = arith.index_cast %add3A_927 : i32 to index
        %get3A_1003 = arith.constant 112 : index
        %get3A_1004 = tpu.vector_load %arg10[%get3A_1002, %get3A_1003] {strides = array<i32>} : memref<128x128xf32, #tpu.memory_space<vmem>>, vector<1x16xf32>,
        %get3A_1005 = vector.shape_cast %get3A_1004 : vector<1x16xf32> to vector<16xf32>
        %mul3A_1006 = arith.mulf %get3A_1005, %gather3A_931 : vector<16xf32>
        %swap3A_1007 = arith.index_cast %add3A_927 : i32 to index
        %swap3A_1008 = arith.constant 112 : index
        %swap3A_1009 = tpu.vector_load %arg10[%swap3A_1007, %swap3A_1008] {strides = array<i32>} : memref<128x128xf32, #tpu.memory_space<vmem>>, vector<1x16xf32>,
        %swap3A_1010 = vector.shape_cast %swap3A_1009 : vector<1x16xf32> to vector<16xf32>
        %swap3A_1011 = vector.shape_cast %mul3A_1006 : vector<16xf32> to vector<1x16xf32>
        tpu.vector_store %arg10[%swap3A_1007, %swap3A_1008], %swap3A_1011 {strides = array<i32>} : memref<128x128xf32, #tpu.memory_space<vmem>>, vector<1x16xf32>,
        %mul3A_1012 = arith.constant 16 : i32
        %mul3A_1013 = arith.muli %scan3A_41, %mul3A_1012 : i32
        %add3A_1014 = arith.constant 11 : i32
        %add3A_1015 = arith.addi %mul3A_1013, %add3A_1014 : i32
        %broadcast_in_dim3A_1016 = arith.constant 11 : i32
        %broadcast_in_dim3A_1017 = vector.broadcast %broadcast_in_dim3A_1016 : i32 to vector<16x1xi32>
        %gather3A_1018 = vector.shape_cast %broadcast_in_dim3A_1017 : vector<16x1xi32> to vector<16xi32>
        %gather3A_1019 = tpu.dynamic_gather %get3A_46[%gather3A_1018] in [0] : vector<16xf32>, vector<16xi32> -> vector<16xf32>
        %get3A_1020 = arith.index_cast %add3A_1015 : i32 to index
        %get3A_1021 = arith.constant 0 : index
        %get3A_1022 = tpu.vector_load %arg10[%get3A_1020, %get3A_1021] {strides = array<i32>} : memref<128x128xf32, #tpu.memory_space<vmem>>, vector<1x16xf32>,
        %get3A_1023 = vector.shape_cast %get3A_1022 : vector<1x16xf32> to vector<16xf32>
        %mul3A_1024 = arith.mulf %get3A_1023, %gather3A_1019 : vector<16xf32>
        %swap3A_1025 = arith.index_cast %add3A_1015 : i32 to index
        %swap3A_1026 = arith.constant 0 : index
        %swap3A_1027 = tpu.vector_load %arg10[%swap3A_1025, %swap3A_1026] {strides = array<i32>} : memref<128x128xf32, #tpu.memory_space<vmem>>, vector<1x16xf32>,
        %swap3A_1028 = vector.shape_cast %swap3A_1027 : vector<1x16xf32> to vector<16xf32>
        %swap3A_1029 = vector.shape_cast %mul3A_1024 : vector<16xf32> to vector<1x16xf32>
        tpu.vector_store %arg10[%swap3A_1025, %swap3A_1026], %swap3A_1029 {strides = array<i32>} : memref<128x128xf32, #tpu.memory_space<vmem>>, vector<1x16xf32>,
        %get3A_1030 = arith.index_cast %add3A_1015 : i32 to index
        %get3A_1031 = arith.constant 16 : index
        %get3A_1032 = tpu.vector_load %arg10[%get3A_1030, %get3A_1031] {strides = array<i32>} : memref<128x128xf32, #tpu.memory_space<vmem>>, vector<1x16xf32>,
        %get3A_1033 = vector.shape_cast %get3A_1032 : vector<1x16xf32> to vector<16xf32>
        %mul3A_1034 = arith.mulf %get3A_1033, %gather3A_1019 : vector<16xf32>
        %swap3A_1035 = arith.index_cast %add3A_1015 : i32 to index
        %swap3A_1036 = arith.constant 16 : index
        %swap3A_1037 = tpu.vector_load %arg10[%swap3A_1035, %swap3A_1036] {strides = array<i32>} : memref<128x128xf32, #tpu.memory_space<vmem>>, vector<1x16xf32>,
        %swap3A_1038 = vector.shape_cast %swap3A_1037 : vector<1x16xf32> to vector<16xf32>
        %swap3A_1039 = vector.shape_cast %mul3A_1034 : vector<16xf32> to vector<1x16xf32>
        tpu.vector_store %arg10[%swap3A_1035, %swap3A_1036], %swap3A_1039 {strides = array<i32>} : memref<128x128xf32, #tpu.memory_space<vmem>>, vector<1x16xf32>,
        %get3A_1040 = arith.index_cast %add3A_1015 : i32 to index
        %get3A_1041 = arith.constant 32 : index
        %get3A_1042 = tpu.vector_load %arg10[%get3A_1040, %get3A_1041] {strides = array<i32>} : memref<128x128xf32, #tpu.memory_space<vmem>>, vector<1x16xf32>,
        %get3A_1043 = vector.shape_cast %get3A_1042 : vector<1x16xf32> to vector<16xf32>
        %mul3A_1044 = arith.mulf %get3A_1043, %gather3A_1019 : vector<16xf32>
        %swap3A_1045 = arith.index_cast %add3A_1015 : i32 to index
        %swap3A_1046 = arith.constant 32 : index
        %swap3A_1047 = tpu.vector_load %arg10[%swap3A_1045, %swap3A_1046] {strides = array<i32>} : memref<128x128xf32, #tpu.memory_space<vmem>>, vector<1x16xf32>,
        %swap3A_1048 = vector.shape_cast %swap3A_1047 : vector<1x16xf32> to vector<16xf32>
        %swap3A_1049 = vector.shape_cast %mul3A_1044 : vector<16xf32> to vector<1x16xf32>
        tpu.vector_store %arg10[%swap3A_1045, %swap3A_1046], %swap3A_1049 {strides = array<i32>} : memref<128x128xf32, #tpu.memory_space<vmem>>, vector<1x16xf32>,
        %get3A_1050 = arith.index_cast %add3A_1015 : i32 to index
        %get3A_1051 = arith.constant 48 : index
        %get3A_1052 = tpu.vector_load %arg10[%get3A_1050, %get3A_1051] {strides = array<i32>} : memref<128x128xf32, #tpu.memory_space<vmem>>, vector<1x16xf32>,
        %get3A_1053 = vector.shape_cast %get3A_1052 : vector<1x16xf32> to vector<16xf32>
        %mul3A_1054 = arith.mulf %get3A_1053, %gather3A_1019 : vector<16xf32>
        %swap3A_1055 = arith.index_cast %add3A_1015 : i32 to index
        %swap3A_1056 = arith.constant 48 : index
        %swap3A_1057 = tpu.vector_load %arg10[%swap3A_1055, %swap3A_1056] {strides = array<i32>} : memref<128x128xf32, #tpu.memory_space<vmem>>, vector<1x16xf32>,
        %swap3A_1058 = vector.shape_cast %swap3A_1057 : vector<1x16xf32> to vector<16xf32>
        %swap3A_1059 = vector.shape_cast %mul3A_1054 : vector<16xf32> to vector<1x16xf32>
        tpu.vector_store %arg10[%swap3A_1055, %swap3A_1056], %swap3A_1059 {strides = array<i32>} : memref<128x128xf32, #tpu.memory_space<vmem>>, vector<1x16xf32>,
        %get3A_1060 = arith.index_cast %add3A_1015 : i32 to index
        %get3A_1061 = arith.constant 64 : index
        %get3A_1062 = tpu.vector_load %arg10[%get3A_1060, %get3A_1061] {strides = array<i32>} : memref<128x128xf32, #tpu.memory_space<vmem>>, vector<1x16xf32>,
        %get3A_1063 = vector.shape_cast %get3A_1062 : vector<1x16xf32> to vector<16xf32>
        %mul3A_1064 = arith.mulf %get3A_1063, %gather3A_1019 : vector<16xf32>
        %swap3A_1065 = arith.index_cast %add3A_1015 : i32 to index
        %swap3A_1066 = arith.constant 64 : index
        %swap3A_1067 = tpu.vector_load %arg10[%swap3A_1065, %swap3A_1066] {strides = array<i32>} : memref<128x128xf32, #tpu.memory_space<vmem>>, vector<1x16xf32>,
        %swap3A_1068 = vector.shape_cast %swap3A_1067 : vector<1x16xf32> to vector<16xf32>
        %swap3A_1069 = vector.shape_cast %mul3A_1064 : vector<16xf32> to vector<1x16xf32>
        tpu.vector_store %arg10[%swap3A_1065, %swap3A_1066], %swap3A_1069 {strides = array<i32>} : memref<128x128xf32, #tpu.memory_space<vmem>>, vector<1x16xf32>,
        %get3A_1070 = arith.index_cast %add3A_1015 : i32 to index
        %get3A_1071 = arith.constant 80 : index
        %get3A_1072 = tpu.vector_load %arg10[%get3A_1070, %get3A_1071] {strides = array<i32>} : memref<128x128xf32, #tpu.memory_space<vmem>>, vector<1x16xf32>,
        %get3A_1073 = vector.shape_cast %get3A_1072 : vector<1x16xf32> to vector<16xf32>
        %mul3A_1074 = arith.mulf %get3A_1073, %gather3A_1019 : vector<16xf32>
        %swap3A_1075 = arith.index_cast %add3A_1015 : i32 to index
        %swap3A_1076 = arith.constant 80 : index
        %swap3A_1077 = tpu.vector_load %arg10[%swap3A_1075, %swap3A_1076] {strides = array<i32>} : memref<128x128xf32, #tpu.memory_space<vmem>>, vector<1x16xf32>,
        %swap3A_1078 = vector.shape_cast %swap3A_1077 : vector<1x16xf32> to vector<16xf32>
        %swap3A_1079 = vector.shape_cast %mul3A_1074 : vector<16xf32> to vector<1x16xf32>
        tpu.vector_store %arg10[%swap3A_1075, %swap3A_1076], %swap3A_1079 {strides = array<i32>} : memref<128x128xf32, #tpu.memory_space<vmem>>, vector<1x16xf32>,
        %get3A_1080 = arith.index_cast %add3A_1015 : i32 to index
        %get3A_1081 = arith.constant 96 : index
        %get3A_1082 = tpu.vector_load %arg10[%get3A_1080, %get3A_1081] {strides = array<i32>} : memref<128x128xf32, #tpu.memory_space<vmem>>, vector<1x16xf32>,
        %get3A_1083 = vector.shape_cast %get3A_1082 : vector<1x16xf32> to vector<16xf32>
        %mul3A_1084 = arith.mulf %get3A_1083, %gather3A_1019 : vector<16xf32>
        %swap3A_1085 = arith.index_cast %add3A_1015 : i32 to index
        %swap3A_1086 = arith.constant 96 : index
        %swap3A_1087 = tpu.vector_load %arg10[%swap3A_1085, %swap3A_1086] {strides = array<i32>} : memref<128x128xf32, #tpu.memory_space<vmem>>, vector<1x16xf32>,
        %swap3A_1088 = vector.shape_cast %swap3A_1087 : vector<1x16xf32> to vector<16xf32>
        %swap3A_1089 = vector.shape_cast %mul3A_1084 : vector<16xf32> to vector<1x16xf32>
        tpu.vector_store %arg10[%swap3A_1085, %swap3A_1086], %swap3A_1089 {strides = array<i32>} : memref<128x128xf32, #tpu.memory_space<vmem>>, vector<1x16xf32>,
        %get3A_1090 = arith.index_cast %add3A_1015 : i32 to index
        %get3A_1091 = arith.constant 112 : index
        %get3A_1092 = tpu.vector_load %arg10[%get3A_1090, %get3A_1091] {strides = array<i32>} : memref<128x128xf32, #tpu.memory_space<vmem>>, vector<1x16xf32>,
        %get3A_1093 = vector.shape_cast %get3A_1092 : vector<1x16xf32> to vector<16xf32>
        %mul3A_1094 = arith.mulf %get3A_1093, %gather3A_1019 : vector<16xf32>
        %swap3A_1095 = arith.index_cast %add3A_1015 : i32 to index
        %swap3A_1096 = arith.constant 112 : index
        %swap3A_1097 = tpu.vector_load %arg10[%swap3A_1095, %swap3A_1096] {strides = array<i32>} : memref<128x128xf32, #tpu.memory_space<vmem>>, vector<1x16xf32>,
        %swap3A_1098 = vector.shape_cast %swap3A_1097 : vector<1x16xf32> to vector<16xf32>
        %swap3A_1099 = vector.shape_cast %mul3A_1094 : vector<16xf32> to vector<1x16xf32>
        tpu.vector_store %arg10[%swap3A_1095, %swap3A_1096], %swap3A_1099 {strides = array<i32>} : memref<128x128xf32, #tpu.memory_space<vmem>>, vector<1x16xf32>,
        %mul3A_1100 = arith.constant 16 : i32
        %mul3A_1101 = arith.muli %scan3A_41, %mul3A_1100 : i32
        %add3A_1102 = arith.constant 12 : i32
        %add3A_1103 = arith.addi %mul3A_1101, %add3A_1102 : i32
        %broadcast_in_dim3A_1104 = arith.constant 12 : i32
        %broadcast_in_dim3A_1105 = vector.broadcast %broadcast_in_dim3A_1104 : i32 to vector<16x1xi32>
        %gather3A_1106 = vector.shape_cast %broadcast_in_dim3A_1105 : vector<16x1xi32> to vector<16xi32>
        %gather3A_1107 = tpu.dynamic_gather %get3A_46[%gather3A_1106] in [0] : vector<16xf32>, vector<16xi32> -> vector<16xf32>
        %get3A_1108 = arith.index_cast %add3A_1103 : i32 to index
        %get3A_1109 = arith.constant 0 : index
        %get3A_1110 = tpu.vector_load %arg10[%get3A_1108, %get3A_1109] {strides = array<i32>} : memref<128x128xf32, #tpu.memory_space<vmem>>, vector<1x16xf32>,
        %get3A_1111 = vector.shape_cast %get3A_1110 : vector<1x16xf32> to vector<16xf32>
        %mul3A_1112 = arith.mulf %get3A_1111, %gather3A_1107 : vector<16xf32>
        %swap3A_1113 = arith.index_cast %add3A_1103 : i32 to index
        %swap3A_1114 = arith.constant 0 : index
        %swap3A_1115 = tpu.vector_load %arg10[%swap3A_1113, %swap3A_1114] {strides = array<i32>} : memref<128x128xf32, #tpu.memory_space<vmem>>, vector<1x16xf32>,
        %swap3A_1116 = vector.shape_cast %swap3A_1115 : vector<1x16xf32> to vector<16xf32>
        %swap3A_1117 = vector.shape_cast %mul3A_1112 : vector<16xf32> to vector<1x16xf32>
        tpu.vector_store %arg10[%swap3A_1113, %swap3A_1114], %swap3A_1117 {strides = array<i32>} : memref<128x128xf32, #tpu.memory_space<vmem>>, vector<1x16xf32>,
        %get3A_1118 = arith.index_cast %add3A_1103 : i32 to index
        %get3A_1119 = arith.constant 16 : index
        %get3A_1120 = tpu.vector_load %arg10[%get3A_1118, %get3A_1119] {strides = array<i32>} : memref<128x128xf32, #tpu.memory_space<vmem>>, vector<1x16xf32>,
        %get3A_1121 = vector.shape_cast %get3A_1120 : vector<1x16xf32> to vector<16xf32>
        %mul3A_1122 = arith.mulf %get3A_1121, %gather3A_1107 : vector<16xf32>
        %swap3A_1123 = arith.index_cast %add3A_1103 : i32 to index
        %swap3A_1124 = arith.constant 16 : index
        %swap3A_1125 = tpu.vector_load %arg10[%swap3A_1123, %swap3A_1124] {strides = array<i32>} : memref<128x128xf32, #tpu.memory_space<vmem>>, vector<1x16xf32>,
        %swap3A_1126 = vector.shape_cast %swap3A_1125 : vector<1x16xf32> to vector<16xf32>
        %swap3A_1127 = vector.shape_cast %mul3A_1122 : vector<16xf32> to vector<1x16xf32>
        tpu.vector_store %arg10[%swap3A_1123, %swap3A_1124], %swap3A_1127 {strides = array<i32>} : memref<128x128xf32, #tpu.memory_space<vmem>>, vector<1x16xf32>,
        %get3A_1128 = arith.index_cast %add3A_1103 : i32 to index
        %get3A_1129 = arith.constant 32 : index
        %get3A_1130 = tpu.vector_load %arg10[%get3A_1128, %get3A_1129] {strides = array<i32>} : memref<128x128xf32, #tpu.memory_space<vmem>>, vector<1x16xf32>,
        %get3A_1131 = vector.shape_cast %get3A_1130 : vector<1x16xf32> to vector<16xf32>
        %mul3A_1132 = arith.mulf %get3A_1131, %gather3A_1107 : vector<16xf32>
        %swap3A_1133 = arith.index_cast %add3A_1103 : i32 to index
        %swap3A_1134 = arith.constant 32 : index
        %swap3A_1135 = tpu.vector_load %arg10[%swap3A_1133, %swap3A_1134] {strides = array<i32>} : memref<128x128xf32, #tpu.memory_space<vmem>>, vector<1x16xf32>,
        %swap3A_1136 = vector.shape_cast %swap3A_1135 : vector<1x16xf32> to vector<16xf32>
        %swap3A_1137 = vector.shape_cast %mul3A_1132 : vector<16xf32> to vector<1x16xf32>
        tpu.vector_store %arg10[%swap3A_1133, %swap3A_1134], %swap3A_1137 {strides = array<i32>} : memref<128x128xf32, #tpu.memory_space<vmem>>, vector<1x16xf32>,
        %get3A_1138 = arith.index_cast %add3A_1103 : i32 to index
        %get3A_1139 = arith.constant 48 : index
        %get3A_1140 = tpu.vector_load %arg10[%get3A_1138, %get3A_1139] {strides = array<i32>} : memref<128x128xf32, #tpu.memory_space<vmem>>, vector<1x16xf32>,
        %get3A_1141 = vector.shape_cast %get3A_1140 : vector<1x16xf32> to vector<16xf32>
        %mul3A_1142 = arith.mulf %get3A_1141, %gather3A_1107 : vector<16xf32>
        %swap3A_1143 = arith.index_cast %add3A_1103 : i32 to index
        %swap3A_1144 = arith.constant 48 : index
        %swap3A_1145 = tpu.vector_load %arg10[%swap3A_1143, %swap3A_1144] {strides = array<i32>} : memref<128x128xf32, #tpu.memory_space<vmem>>, vector<1x16xf32>,
        %swap3A_1146 = vector.shape_cast %swap3A_1145 : vector<1x16xf32> to vector<16xf32>
        %swap3A_1147 = vector.shape_cast %mul3A_1142 : vector<16xf32> to vector<1x16xf32>
        tpu.vector_store %arg10[%swap3A_1143, %swap3A_1144], %swap3A_1147 {strides = array<i32>} : memref<128x128xf32, #tpu.memory_space<vmem>>, vector<1x16xf32>,
        %get3A_1148 = arith.index_cast %add3A_1103 : i32 to index
        %get3A_1149 = arith.constant 64 : index
        %get3A_1150 = tpu.vector_load %arg10[%get3A_1148, %get3A_1149] {strides = array<i32>} : memref<128x128xf32, #tpu.memory_space<vmem>>, vector<1x16xf32>,
        %get3A_1151 = vector.shape_cast %get3A_1150 : vector<1x16xf32> to vector<16xf32>
        %mul3A_1152 = arith.mulf %get3A_1151, %gather3A_1107 : vector<16xf32>
        %swap3A_1153 = arith.index_cast %add3A_1103 : i32 to index
        %swap3A_1154 = arith.constant 64 : index
        %swap3A_1155 = tpu.vector_load %arg10[%swap3A_1153, %swap3A_1154] {strides = array<i32>} : memref<128x128xf32, #tpu.memory_space<vmem>>, vector<1x16xf32>,
        %swap3A_1156 = vector.shape_cast %swap3A_1155 : vector<1x16xf32> to vector<16xf32>
        %swap3A_1157 = vector.shape_cast %mul3A_1152 : vector<16xf32> to vector<1x16xf32>
        tpu.vector_store %arg10[%swap3A_1153, %swap3A_1154], %swap3A_1157 {strides = array<i32>} : memref<128x128xf32, #tpu.memory_space<vmem>>, vector<1x16xf32>,
        %get3A_1158 = arith.index_cast %add3A_1103 : i32 to index
        %get3A_1159 = arith.constant 80 : index
        %get3A_1160 = tpu.vector_load %arg10[%get3A_1158, %get3A_1159] {strides = array<i32>} : memref<128x128xf32, #tpu.memory_space<vmem>>, vector<1x16xf32>,
        %get3A_1161 = vector.shape_cast %get3A_1160 : vector<1x16xf32> to vector<16xf32>
        %mul3A_1162 = arith.mulf %get3A_1161, %gather3A_1107 : vector<16xf32>
        %swap3A_1163 = arith.index_cast %add3A_1103 : i32 to index
        %swap3A_1164 = arith.constant 80 : index
        %swap3A_1165 = tpu.vector_load %arg10[%swap3A_1163, %swap3A_1164] {strides = array<i32>} : memref<128x128xf32, #tpu.memory_space<vmem>>, vector<1x16xf32>,
        %swap3A_1166 = vector.shape_cast %swap3A_1165 : vector<1x16xf32> to vector<16xf32>
        %swap3A_1167 = vector.shape_cast %mul3A_1162 : vector<16xf32> to vector<1x16xf32>
        tpu.vector_store %arg10[%swap3A_1163, %swap3A_1164], %swap3A_1167 {strides = array<i32>} : memref<128x128xf32, #tpu.memory_space<vmem>>, vector<1x16xf32>,
        %get3A_1168 = arith.index_cast %add3A_1103 : i32 to index
        %get3A_1169 = arith.constant 96 : index
        %get3A_1170 = tpu.vector_load %arg10[%get3A_1168, %get3A_1169] {strides = array<i32>} : memref<128x128xf32, #tpu.memory_space<vmem>>, vector<1x16xf32>,
        %get3A_1171 = vector.shape_cast %get3A_1170 : vector<1x16xf32> to vector<16xf32>
        %mul3A_1172 = arith.mulf %get3A_1171, %gather3A_1107 : vector<16xf32>
        %swap3A_1173 = arith.index_cast %add3A_1103 : i32 to index
        %swap3A_1174 = arith.constant 96 : index
        %swap3A_1175 = tpu.vector_load %arg10[%swap3A_1173, %swap3A_1174] {strides = array<i32>} : memref<128x128xf32, #tpu.memory_space<vmem>>, vector<1x16xf32>,
        %swap3A_1176 = vector.shape_cast %swap3A_1175 : vector<1x16xf32> to vector<16xf32>
        %swap3A_1177 = vector.shape_cast %mul3A_1172 : vector<16xf32> to vector<1x16xf32>
        tpu.vector_store %arg10[%swap3A_1173, %swap3A_1174], %swap3A_1177 {strides = array<i32>} : memref<128x128xf32, #tpu.memory_space<vmem>>, vector<1x16xf32>,
        %get3A_1178 = arith.index_cast %add3A_1103 : i32 to index
        %get3A_1179 = arith.constant 112 : index
        %get3A_1180 = tpu.vector_load %arg10[%get3A_1178, %get3A_1179] {strides = array<i32>} : memref<128x128xf32, #tpu.memory_space<vmem>>, vector<1x16xf32>,
        %get3A_1181 = vector.shape_cast %get3A_1180 : vector<1x16xf32> to vector<16xf32>
        %mul3A_1182 = arith.mulf %get3A_1181, %gather3A_1107 : vector<16xf32>
        %swap3A_1183 = arith.index_cast %add3A_1103 : i32 to index
        %swap3A_1184 = arith.constant 112 : index
        %swap3A_1185 = tpu.vector_load %arg10[%swap3A_1183, %swap3A_1184] {strides = array<i32>} : memref<128x128xf32, #tpu.memory_space<vmem>>, vector<1x16xf32>,
        %swap3A_1186 = vector.shape_cast %swap3A_1185 : vector<1x16xf32> to vector<16xf32>
        %swap3A_1187 = vector.shape_cast %mul3A_1182 : vector<16xf32> to vector<1x16xf32>
        tpu.vector_store %arg10[%swap3A_1183, %swap3A_1184], %swap3A_1187 {strides = array<i32>} : memref<128x128xf32, #tpu.memory_space<vmem>>, vector<1x16xf32>,
        %mul3A_1188 = arith.constant 16 : i32
        %mul3A_1189 = arith.muli %scan3A_41, %mul3A_1188 : i32
        %add3A_1190 = arith.constant 13 : i32
        %add3A_1191 = arith.addi %mul3A_1189, %add3A_1190 : i32
        %broadcast_in_dim3A_1192 = arith.constant 13 : i32
        %broadcast_in_dim3A_1193 = vector.broadcast %broadcast_in_dim3A_1192 : i32 to vector<16x1xi32>
        %gather3A_1194 = vector.shape_cast %broadcast_in_dim3A_1193 : vector<16x1xi32> to vector<16xi32>
        %gather3A_1195 = tpu.dynamic_gather %get3A_46[%gather3A_1194] in [0] : vector<16xf32>, vector<16xi32> -> vector<16xf32>
        %get3A_1196 = arith.index_cast %add3A_1191 : i32 to index
        %get3A_1197 = arith.constant 0 : index
        %get3A_1198 = tpu.vector_load %arg10[%get3A_1196, %get3A_1197] {strides = array<i32>} : memref<128x128xf32, #tpu.memory_space<vmem>>, vector<1x16xf32>,
        %get3A_1199 = vector.shape_cast %get3A_1198 : vector<1x16xf32> to vector<16xf32>
        %mul3A_1200 = arith.mulf %get3A_1199, %gather3A_1195 : vector<16xf32>
        %swap3A_1201 = arith.index_cast %add3A_1191 : i32 to index
        %swap3A_1202 = arith.constant 0 : index
        %swap3A_1203 = tpu.vector_load %arg10[%swap3A_1201, %swap3A_1202] {strides = array<i32>} : memref<128x128xf32, #tpu.memory_space<vmem>>, vector<1x16xf32>,
        %swap3A_1204 = vector.shape_cast %swap3A_1203 : vector<1x16xf32> to vector<16xf32>
        %swap3A_1205 = vector.shape_cast %mul3A_1200 : vector<16xf32> to vector<1x16xf32>
        tpu.vector_store %arg10[%swap3A_1201, %swap3A_1202], %swap3A_1205 {strides = array<i32>} : memref<128x128xf32, #tpu.memory_space<vmem>>, vector<1x16xf32>,
        %get3A_1206 = arith.index_cast %add3A_1191 : i32 to index
        %get3A_1207 = arith.constant 16 : index
        %get3A_1208 = tpu.vector_load %arg10[%get3A_1206, %get3A_1207] {strides = array<i32>} : memref<128x128xf32, #tpu.memory_space<vmem>>, vector<1x16xf32>,
        %get3A_1209 = vector.shape_cast %get3A_1208 : vector<1x16xf32> to vector<16xf32>
        %mul3A_1210 = arith.mulf %get3A_1209, %gather3A_1195 : vector<16xf32>
        %swap3A_1211 = arith.index_cast %add3A_1191 : i32 to index
        %swap3A_1212 = arith.constant 16 : index
        %swap3A_1213 = tpu.vector_load %arg10[%swap3A_1211, %swap3A_1212] {strides = array<i32>} : memref<128x128xf32, #tpu.memory_space<vmem>>, vector<1x16xf32>,
        %swap3A_1214 = vector.shape_cast %swap3A_1213 : vector<1x16xf32> to vector<16xf32>
        %swap3A_1215 = vector.shape_cast %mul3A_1210 : vector<16xf32> to vector<1x16xf32>
        tpu.vector_store %arg10[%swap3A_1211, %swap3A_1212], %swap3A_1215 {strides = array<i32>} : memref<128x128xf32, #tpu.memory_space<vmem>>, vector<1x16xf32>,
        %get3A_1216 = arith.index_cast %add3A_1191 : i32 to index
        %get3A_1217 = arith.constant 32 : index
        %get3A_1218 = tpu.vector_load %arg10[%get3A_1216, %get3A_1217] {strides = array<i32>} : memref<128x128xf32, #tpu.memory_space<vmem>>, vector<1x16xf32>,
        %get3A_1219 = vector.shape_cast %get3A_1218 : vector<1x16xf32> to vector<16xf32>
        %mul3A_1220 = arith.mulf %get3A_1219, %gather3A_1195 : vector<16xf32>
        %swap3A_1221 = arith.index_cast %add3A_1191 : i32 to index
        %swap3A_1222 = arith.constant 32 : index
        %swap3A_1223 = tpu.vector_load %arg10[%swap3A_1221, %swap3A_1222] {strides = array<i32>} : memref<128x128xf32, #tpu.memory_space<vmem>>, vector<1x16xf32>,
        %swap3A_1224 = vector.shape_cast %swap3A_1223 : vector<1x16xf32> to vector<16xf32>
        %swap3A_1225 = vector.shape_cast %mul3A_1220 : vector<16xf32> to vector<1x16xf32>
        tpu.vector_store %arg10[%swap3A_1221, %swap3A_1222], %swap3A_1225 {strides = array<i32>} : memref<128x128xf32, #tpu.memory_space<vmem>>, vector<1x16xf32>,
        %get3A_1226 = arith.index_cast %add3A_1191 : i32 to index
        %get3A_1227 = arith.constant 48 : index
        %get3A_1228 = tpu.vector_load %arg10[%get3A_1226, %get3A_1227] {strides = array<i32>} : memref<128x128xf32, #tpu.memory_space<vmem>>, vector<1x16xf32>,
        %get3A_1229 = vector.shape_cast %get3A_1228 : vector<1x16xf32> to vector<16xf32>
        %mul3A_1230 = arith.mulf %get3A_1229, %gather3A_1195 : vector<16xf32>
        %swap3A_1231 = arith.index_cast %add3A_1191 : i32 to index
        %swap3A_1232 = arith.constant 48 : index
        %swap3A_1233 = tpu.vector_load %arg10[%swap3A_1231, %swap3A_1232] {strides = array<i32>} : memref<128x128xf32, #tpu.memory_space<vmem>>, vector<1x16xf32>,
        %swap3A_1234 = vector.shape_cast %swap3A_1233 : vector<1x16xf32> to vector<16xf32>
        %swap3A_1235 = vector.shape_cast %mul3A_1230 : vector<16xf32> to vector<1x16xf32>
        tpu.vector_store %arg10[%swap3A_1231, %swap3A_1232], %swap3A_1235 {strides = array<i32>} : memref<128x128xf32, #tpu.memory_space<vmem>>, vector<1x16xf32>,
        %get3A_1236 = arith.index_cast %add3A_1191 : i32 to index
        %get3A_1237 = arith.constant 64 : index
        %get3A_1238 = tpu.vector_load %arg10[%get3A_1236, %get3A_1237] {strides = array<i32>} : memref<128x128xf32, #tpu.memory_space<vmem>>, vector<1x16xf32>,
        %get3A_1239 = vector.shape_cast %get3A_1238 : vector<1x16xf32> to vector<16xf32>
        %mul3A_1240 = arith.mulf %get3A_1239, %gather3A_1195 : vector<16xf32>
        %swap3A_1241 = arith.index_cast %add3A_1191 : i32 to index
        %swap3A_1242 = arith.constant 64 : index
        %swap3A_1243 = tpu.vector_load %arg10[%swap3A_1241, %swap3A_1242] {strides = array<i32>} : memref<128x128xf32, #tpu.memory_space<vmem>>, vector<1x16xf32>,
        %swap3A_1244 = vector.shape_cast %swap3A_1243 : vector<1x16xf32> to vector<16xf32>
        %swap3A_1245 = vector.shape_cast %mul3A_1240 : vector<16xf32> to vector<1x16xf32>
        tpu.vector_store %arg10[%swap3A_1241, %swap3A_1242], %swap3A_1245 {strides = array<i32>} : memref<128x128xf32, #tpu.memory_space<vmem>>, vector<1x16xf32>,
        %get3A_1246 = arith.index_cast %add3A_1191 : i32 to index
        %get3A_1247 = arith.constant 80 : index
        %get3A_1248 = tpu.vector_load %arg10[%get3A_1246, %get3A_1247] {strides = array<i32>} : memref<128x128xf32, #tpu.memory_space<vmem>>, vector<1x16xf32>,
        %get3A_1249 = vector.shape_cast %get3A_1248 : vector<1x16xf32> to vector<16xf32>
        %mul3A_1250 = arith.mulf %get3A_1249, %gather3A_1195 : vector<16xf32>
        %swap3A_1251 = arith.index_cast %add3A_1191 : i32 to index
        %swap3A_1252 = arith.constant 80 : index
        %swap3A_1253 = tpu.vector_load %arg10[%swap3A_1251, %swap3A_1252] {strides = array<i32>} : memref<128x128xf32, #tpu.memory_space<vmem>>, vector<1x16xf32>,
        %swap3A_1254 = vector.shape_cast %swap3A_1253 : vector<1x16xf32> to vector<16xf32>
        %swap3A_1255 = vector.shape_cast %mul3A_1250 : vector<16xf32> to vector<1x16xf32>
        tpu.vector_store %arg10[%swap3A_1251, %swap3A_1252], %swap3A_1255 {strides = array<i32>} : memref<128x128xf32, #tpu.memory_space<vmem>>, vector<1x16xf32>,
        %get3A_1256 = arith.index_cast %add3A_1191 : i32 to index
        %get3A_1257 = arith.constant 96 : index
        %get3A_1258 = tpu.vector_load %arg10[%get3A_1256, %get3A_1257] {strides = array<i32>} : memref<128x128xf32, #tpu.memory_space<vmem>>, vector<1x16xf32>,
        %get3A_1259 = vector.shape_cast %get3A_1258 : vector<1x16xf32> to vector<16xf32>
        %mul3A_1260 = arith.mulf %get3A_1259, %gather3A_1195 : vector<16xf32>
        %swap3A_1261 = arith.index_cast %add3A_1191 : i32 to index
        %swap3A_1262 = arith.constant 96 : index
        %swap3A_1263 = tpu.vector_load %arg10[%swap3A_1261, %swap3A_1262] {strides = array<i32>} : memref<128x128xf32, #tpu.memory_space<vmem>>, vector<1x16xf32>,
        %swap3A_1264 = vector.shape_cast %swap3A_1263 : vector<1x16xf32> to vector<16xf32>
        %swap3A_1265 = vector.shape_cast %mul3A_1260 : vector<16xf32> to vector<1x16xf32>
        tpu.vector_store %arg10[%swap3A_1261, %swap3A_1262], %swap3A_1265 {strides = array<i32>} : memref<128x128xf32, #tpu.memory_space<vmem>>, vector<1x16xf32>,
        %get3A_1266 = arith.index_cast %add3A_1191 : i32 to index
        %get3A_1267 = arith.constant 112 : index
        %get3A_1268 = tpu.vector_load %arg10[%get3A_1266, %get3A_1267] {strides = array<i32>} : memref<128x128xf32, #tpu.memory_space<vmem>>, vector<1x16xf32>,
        %get3A_1269 = vector.shape_cast %get3A_1268 : vector<1x16xf32> to vector<16xf32>
        %mul3A_1270 = arith.mulf %get3A_1269, %gather3A_1195 : vector<16xf32>
        %swap3A_1271 = arith.index_cast %add3A_1191 : i32 to index
        %swap3A_1272 = arith.constant 112 : index
        %swap3A_1273 = tpu.vector_load %arg10[%swap3A_1271, %swap3A_1272] {strides = array<i32>} : memref<128x128xf32, #tpu.memory_space<vmem>>, vector<1x16xf32>,
        %swap3A_1274 = vector.shape_cast %swap3A_1273 : vector<1x16xf32> to vector<16xf32>
        %swap3A_1275 = vector.shape_cast %mul3A_1270 : vector<16xf32> to vector<1x16xf32>
        tpu.vector_store %arg10[%swap3A_1271, %swap3A_1272], %swap3A_1275 {strides = array<i32>} : memref<128x128xf32, #tpu.memory_space<vmem>>, vector<1x16xf32>,
        %mul3A_1276 = arith.constant 16 : i32
        %mul3A_1277 = arith.muli %scan3A_41, %mul3A_1276 : i32
        %add3A_1278 = arith.constant 14 : i32
        %add3A_1279 = arith.addi %mul3A_1277, %add3A_1278 : i32
        %broadcast_in_dim3A_1280 = arith.constant 14 : i32
        %broadcast_in_dim3A_1281 = vector.broadcast %broadcast_in_dim3A_1280 : i32 to vector<16x1xi32>
        %gather3A_1282 = vector.shape_cast %broadcast_in_dim3A_1281 : vector<16x1xi32> to vector<16xi32>
        %gather3A_1283 = tpu.dynamic_gather %get3A_46[%gather3A_1282] in [0] : vector<16xf32>, vector<16xi32> -> vector<16xf32>
        %get3A_1284 = arith.index_cast %add3A_1279 : i32 to index
        %get3A_1285 = arith.constant 0 : index
        %get3A_1286 = tpu.vector_load %arg10[%get3A_1284, %get3A_1285] {strides = array<i32>} : memref<128x128xf32, #tpu.memory_space<vmem>>, vector<1x16xf32>,
        %get3A_1287 = vector.shape_cast %get3A_1286 : vector<1x16xf32> to vector<16xf32>
        %mul3A_1288 = arith.mulf %get3A_1287, %gather3A_1283 : vector<16xf32>
        %swap3A_1289 = arith.index_cast %add3A_1279 : i32 to index
        %swap3A_1290 = arith.constant 0 : index
        %swap3A_1291 = tpu.vector_load %arg10[%swap3A_1289, %swap3A_1290] {strides = array<i32>} : memref<128x128xf32, #tpu.memory_space<vmem>>, vector<1x16xf32>,
        %swap3A_1292 = vector.shape_cast %swap3A_1291 : vector<1x16xf32> to vector<16xf32>
        %swap3A_1293 = vector.shape_cast %mul3A_1288 : vector<16xf32> to vector<1x16xf32>
        tpu.vector_store %arg10[%swap3A_1289, %swap3A_1290], %swap3A_1293 {strides = array<i32>} : memref<128x128xf32, #tpu.memory_space<vmem>>, vector<1x16xf32>,
        %get3A_1294 = arith.index_cast %add3A_1279 : i32 to index
        %get3A_1295 = arith.constant 16 : index
        %get3A_1296 = tpu.vector_load %arg10[%get3A_1294, %get3A_1295] {strides = array<i32>} : memref<128x128xf32, #tpu.memory_space<vmem>>, vector<1x16xf32>,
        %get3A_1297 = vector.shape_cast %get3A_1296 : vector<1x16xf32> to vector<16xf32>
        %mul3A_1298 = arith.mulf %get3A_1297, %gather3A_1283 : vector<16xf32>
        %swap3A_1299 = arith.index_cast %add3A_1279 : i32 to index
        %swap3A_1300 = arith.constant 16 : index
        %swap3A_1301 = tpu.vector_load %arg10[%swap3A_1299, %swap3A_1300] {strides = array<i32>} : memref<128x128xf32, #tpu.memory_space<vmem>>, vector<1x16xf32>,
        %swap3A_1302 = vector.shape_cast %swap3A_1301 : vector<1x16xf32> to vector<16xf32>
        %swap3A_1303 = vector.shape_cast %mul3A_1298 : vector<16xf32> to vector<1x16xf32>
        tpu.vector_store %arg10[%swap3A_1299, %swap3A_1300], %swap3A_1303 {strides = array<i32>} : memref<128x128xf32, #tpu.memory_space<vmem>>, vector<1x16xf32>,
        %get3A_1304 = arith.index_cast %add3A_1279 : i32 to index
        %get3A_1305 = arith.constant 32 : index
        %get3A_1306 = tpu.vector_load %arg10[%get3A_1304, %get3A_1305] {strides = array<i32>} : memref<128x128xf32, #tpu.memory_space<vmem>>, vector<1x16xf32>,
        %get3A_1307 = vector.shape_cast %get3A_1306 : vector<1x16xf32> to vector<16xf32>
        %mul3A_1308 = arith.mulf %get3A_1307, %gather3A_1283 : vector<16xf32>
        %swap3A_1309 = arith.index_cast %add3A_1279 : i32 to index
        %swap3A_1310 = arith.constant 32 : index
        %swap3A_1311 = tpu.vector_load %arg10[%swap3A_1309, %swap3A_1310] {strides = array<i32>} : memref<128x128xf32, #tpu.memory_space<vmem>>, vector<1x16xf32>,
        %swap3A_1312 = vector.shape_cast %swap3A_1311 : vector<1x16xf32> to vector<16xf32>
        %swap3A_1313 = vector.shape_cast %mul3A_1308 : vector<16xf32> to vector<1x16xf32>
        tpu.vector_store %arg10[%swap3A_1309, %swap3A_1310], %swap3A_1313 {strides = array<i32>} : memref<128x128xf32, #tpu.memory_space<vmem>>, vector<1x16xf32>,
        %get3A_1314 = arith.index_cast %add3A_1279 : i32 to index
        %get3A_1315 = arith.constant 48 : index
        %get3A_1316 = tpu.vector_load %arg10[%get3A_1314, %get3A_1315] {strides = array<i32>} : memref<128x128xf32, #tpu.memory_space<vmem>>, vector<1x16xf32>,
        %get3A_1317 = vector.shape_cast %get3A_1316 : vector<1x16xf32> to vector<16xf32>
        %mul3A_1318 = arith.mulf %get3A_1317, %gather3A_1283 : vector<16xf32>
        %swap3A_1319 = arith.index_cast %add3A_1279 : i32 to index
        %swap3A_1320 = arith.constant 48 : index
        %swap3A_1321 = tpu.vector_load %arg10[%swap3A_1319, %swap3A_1320] {strides = array<i32>} : memref<128x128xf32, #tpu.memory_space<vmem>>, vector<1x16xf32>,
        %swap3A_1322 = vector.shape_cast %swap3A_1321 : vector<1x16xf32> to vector<16xf32>
        %swap3A_1323 = vector.shape_cast %mul3A_1318 : vector<16xf32> to vector<1x16xf32>
        tpu.vector_store %arg10[%swap3A_1319, %swap3A_1320], %swap3A_1323 {strides = array<i32>} : memref<128x128xf32, #tpu.memory_space<vmem>>, vector<1x16xf32>,
        %get3A_1324 = arith.index_cast %add3A_1279 : i32 to index
        %get3A_1325 = arith.constant 64 : index
        %get3A_1326 = tpu.vector_load %arg10[%get3A_1324, %get3A_1325] {strides = array<i32>} : memref<128x128xf32, #tpu.memory_space<vmem>>, vector<1x16xf32>,
        %get3A_1327 = vector.shape_cast %get3A_1326 : vector<1x16xf32> to vector<16xf32>
        %mul3A_1328 = arith.mulf %get3A_1327, %gather3A_1283 : vector<16xf32>
        %swap3A_1329 = arith.index_cast %add3A_1279 : i32 to index
        %swap3A_1330 = arith.constant 64 : index
        %swap3A_1331 = tpu.vector_load %arg10[%swap3A_1329, %swap3A_1330] {strides = array<i32>} : memref<128x128xf32, #tpu.memory_space<vmem>>, vector<1x16xf32>,
        %swap3A_1332 = vector.shape_cast %swap3A_1331 : vector<1x16xf32> to vector<16xf32>
        %swap3A_1333 = vector.shape_cast %mul3A_1328 : vector<16xf32> to vector<1x16xf32>
        tpu.vector_store %arg10[%swap3A_1329, %swap3A_1330], %swap3A_1333 {strides = array<i32>} : memref<128x128xf32, #tpu.memory_space<vmem>>, vector<1x16xf32>,
        %get3A_1334 = arith.index_cast %add3A_1279 : i32 to index
        %get3A_1335 = arith.constant 80 : index
        %get3A_1336 = tpu.vector_load %arg10[%get3A_1334, %get3A_1335] {strides = array<i32>} : memref<128x128xf32, #tpu.memory_space<vmem>>, vector<1x16xf32>,
        %get3A_1337 = vector.shape_cast %get3A_1336 : vector<1x16xf32> to vector<16xf32>
        %mul3A_1338 = arith.mulf %get3A_1337, %gather3A_1283 : vector<16xf32>
        %swap3A_1339 = arith.index_cast %add3A_1279 : i32 to index
        %swap3A_1340 = arith.constant 80 : index
        %swap3A_1341 = tpu.vector_load %arg10[%swap3A_1339, %swap3A_1340] {strides = array<i32>} : memref<128x128xf32, #tpu.memory_space<vmem>>, vector<1x16xf32>,
        %swap3A_1342 = vector.shape_cast %swap3A_1341 : vector<1x16xf32> to vector<16xf32>
        %swap3A_1343 = vector.shape_cast %mul3A_1338 : vector<16xf32> to vector<1x16xf32>
        tpu.vector_store %arg10[%swap3A_1339, %swap3A_1340], %swap3A_1343 {strides = array<i32>} : memref<128x128xf32, #tpu.memory_space<vmem>>, vector<1x16xf32>,
        %get3A_1344 = arith.index_cast %add3A_1279 : i32 to index
        %get3A_1345 = arith.constant 96 : index
        %get3A_1346 = tpu.vector_load %arg10[%get3A_1344, %get3A_1345] {strides = array<i32>} : memref<128x128xf32, #tpu.memory_space<vmem>>, vector<1x16xf32>,
        %get3A_1347 = vector.shape_cast %get3A_1346 : vector<1x16xf32> to vector<16xf32>
        %mul3A_1348 = arith.mulf %get3A_1347, %gather3A_1283 : vector<16xf32>
        %swap3A_1349 = arith.index_cast %add3A_1279 : i32 to index
        %swap3A_1350 = arith.constant 96 : index
        %swap3A_1351 = tpu.vector_load %arg10[%swap3A_1349, %swap3A_1350] {strides = array<i32>} : memref<128x128xf32, #tpu.memory_space<vmem>>, vector<1x16xf32>,
        %swap3A_1352 = vector.shape_cast %swap3A_1351 : vector<1x16xf32> to vector<16xf32>
        %swap3A_1353 = vector.shape_cast %mul3A_1348 : vector<16xf32> to vector<1x16xf32>
        tpu.vector_store %arg10[%swap3A_1349, %swap3A_1350], %swap3A_1353 {strides = array<i32>} : memref<128x128xf32, #tpu.memory_space<vmem>>, vector<1x16xf32>,
        %get3A_1354 = arith.index_cast %add3A_1279 : i32 to index
        %get3A_1355 = arith.constant 112 : index
        %get3A_1356 = tpu.vector_load %arg10[%get3A_1354, %get3A_1355] {strides = array<i32>} : memref<128x128xf32, #tpu.memory_space<vmem>>, vector<1x16xf32>,
        %get3A_1357 = vector.shape_cast %get3A_1356 : vector<1x16xf32> to vector<16xf32>
        %mul3A_1358 = arith.mulf %get3A_1357, %gather3A_1283 : vector<16xf32>
        %swap3A_1359 = arith.index_cast %add3A_1279 : i32 to index
        %swap3A_1360 = arith.constant 112 : index
        %swap3A_1361 = tpu.vector_load %arg10[%swap3A_1359, %swap3A_1360] {strides = array<i32>} : memref<128x128xf32, #tpu.memory_space<vmem>>, vector<1x16xf32>,
        %swap3A_1362 = vector.shape_cast %swap3A_1361 : vector<1x16xf32> to vector<16xf32>
        %swap3A_1363 = vector.shape_cast %mul3A_1358 : vector<16xf32> to vector<1x16xf32>
        tpu.vector_store %arg10[%swap3A_1359, %swap3A_1360], %swap3A_1363 {strides = array<i32>} : memref<128x128xf32, #tpu.memory_space<vmem>>, vector<1x16xf32>,
        %mul3A_1364 = arith.constant 16 : i32
        %mul3A_1365 = arith.muli %scan3A_41, %mul3A_1364 : i32
        %add3A_1366 = arith.constant 15 : i32
        %add3A_1367 = arith.addi %mul3A_1365, %add3A_1366 : i32
        %broadcast_in_dim3A_1368 = arith.constant 15 : i32
        %broadcast_in_dim3A_1369 = vector.broadcast %broadcast_in_dim3A_1368 : i32 to vector<16x1xi32>
        %gather3A_1370 = vector.shape_cast %broadcast_in_dim3A_1369 : vector<16x1xi32> to vector<16xi32>
        %gather3A_1371 = tpu.dynamic_gather %get3A_46[%gather3A_1370] in [0] : vector<16xf32>, vector<16xi32> -> vector<16xf32>
        %get3A_1372 = arith.index_cast %add3A_1367 : i32 to index
        %get3A_1373 = arith.constant 0 : index
        %get3A_1374 = tpu.vector_load %arg10[%get3A_1372, %get3A_1373] {strides = array<i32>} : memref<128x128xf32, #tpu.memory_space<vmem>>, vector<1x16xf32>,
        %get3A_1375 = vector.shape_cast %get3A_1374 : vector<1x16xf32> to vector<16xf32>
        %mul3A_1376 = arith.mulf %get3A_1375, %gather3A_1371 : vector<16xf32>
        %swap3A_1377 = arith.index_cast %add3A_1367 : i32 to index
        %swap3A_1378 = arith.constant 0 : index
        %swap3A_1379 = tpu.vector_load %arg10[%swap3A_1377, %swap3A_1378] {strides = array<i32>} : memref<128x128xf32, #tpu.memory_space<vmem>>, vector<1x16xf32>,
        %swap3A_1380 = vector.shape_cast %swap3A_1379 : vector<1x16xf32> to vector<16xf32>
        %swap3A_1381 = vector.shape_cast %mul3A_1376 : vector<16xf32> to vector<1x16xf32>
        tpu.vector_store %arg10[%swap3A_1377, %swap3A_1378], %swap3A_1381 {strides = array<i32>} : memref<128x128xf32, #tpu.memory_space<vmem>>, vector<1x16xf32>,
        %get3A_1382 = arith.index_cast %add3A_1367 : i32 to index
        %get3A_1383 = arith.constant 16 : index
        %get3A_1384 = tpu.vector_load %arg10[%get3A_1382, %get3A_1383] {strides = array<i32>} : memref<128x128xf32, #tpu.memory_space<vmem>>, vector<1x16xf32>,
        %get3A_1385 = vector.shape_cast %get3A_1384 : vector<1x16xf32> to vector<16xf32>
        %mul3A_1386 = arith.mulf %get3A_1385, %gather3A_1371 : vector<16xf32>
        %swap3A_1387 = arith.index_cast %add3A_1367 : i32 to index
        %swap3A_1388 = arith.constant 16 : index
        %swap3A_1389 = tpu.vector_load %arg10[%swap3A_1387, %swap3A_1388] {strides = array<i32>} : memref<128x128xf32, #tpu.memory_space<vmem>>, vector<1x16xf32>,
        %swap3A_1390 = vector.shape_cast %swap3A_1389 : vector<1x16xf32> to vector<16xf32>
        %swap3A_1391 = vector.shape_cast %mul3A_1386 : vector<16xf32> to vector<1x16xf32>
        tpu.vector_store %arg10[%swap3A_1387, %swap3A_1388], %swap3A_1391 {strides = array<i32>} : memref<128x128xf32, #tpu.memory_space<vmem>>, vector<1x16xf32>,
        %get3A_1392 = arith.index_cast %add3A_1367 : i32 to index
        %get3A_1393 = arith.constant 32 : index
        %get3A_1394 = tpu.vector_load %arg10[%get3A_1392, %get3A_1393] {strides = array<i32>} : memref<128x128xf32, #tpu.memory_space<vmem>>, vector<1x16xf32>,
        %get3A_1395 = vector.shape_cast %get3A_1394 : vector<1x16xf32> to vector<16xf32>
        %mul3A_1396 = arith.mulf %get3A_1395, %gather3A_1371 : vector<16xf32>
        %swap3A_1397 = arith.index_cast %add3A_1367 : i32 to index
        %swap3A_1398 = arith.constant 32 : index
        %swap3A_1399 = tpu.vector_load %arg10[%swap3A_1397, %swap3A_1398] {strides = array<i32>} : memref<128x128xf32, #tpu.memory_space<vmem>>, vector<1x16xf32>,
        %swap3A_1400 = vector.shape_cast %swap3A_1399 : vector<1x16xf32> to vector<16xf32>
        %swap3A_1401 = vector.shape_cast %mul3A_1396 : vector<16xf32> to vector<1x16xf32>
        tpu.vector_store %arg10[%swap3A_1397, %swap3A_1398], %swap3A_1401 {strides = array<i32>} : memref<128x128xf32, #tpu.memory_space<vmem>>, vector<1x16xf32>,
        %get3A_1402 = arith.index_cast %add3A_1367 : i32 to index
        %get3A_1403 = arith.constant 48 : index
        %get3A_1404 = tpu.vector_load %arg10[%get3A_1402, %get3A_1403] {strides = array<i32>} : memref<128x128xf32, #tpu.memory_space<vmem>>, vector<1x16xf32>,
        %get3A_1405 = vector.shape_cast %get3A_1404 : vector<1x16xf32> to vector<16xf32>
        %mul3A_1406 = arith.mulf %get3A_1405, %gather3A_1371 : vector<16xf32>
        %swap3A_1407 = arith.index_cast %add3A_1367 : i32 to index
        %swap3A_1408 = arith.constant 48 : index
        %swap3A_1409 = tpu.vector_load %arg10[%swap3A_1407, %swap3A_1408] {strides = array<i32>} : memref<128x128xf32, #tpu.memory_space<vmem>>, vector<1x16xf32>,
        %swap3A_1410 = vector.shape_cast %swap3A_1409 : vector<1x16xf32> to vector<16xf32>
        %swap3A_1411 = vector.shape_cast %mul3A_1406 : vector<16xf32> to vector<1x16xf32>
        tpu.vector_store %arg10[%swap3A_1407, %swap3A_1408], %swap3A_1411 {strides = array<i32>} : memref<128x128xf32, #tpu.memory_space<vmem>>, vector<1x16xf32>,
        %get3A_1412 = arith.index_cast %add3A_1367 : i32 to index
        %get3A_1413 = arith.constant 64 : index
        %get3A_1414 = tpu.vector_load %arg10[%get3A_1412, %get3A_1413] {strides = array<i32>} : memref<128x128xf32, #tpu.memory_space<vmem>>, vector<1x16xf32>,
        %get3A_1415 = vector.shape_cast %get3A_1414 : vector<1x16xf32> to vector<16xf32>
        %mul3A_1416 = arith.mulf %get3A_1415, %gather3A_1371 : vector<16xf32>
        %swap3A_1417 = arith.index_cast %add3A_1367 : i32 to index
        %swap3A_1418 = arith.constant 64 : index
        %swap3A_1419 = tpu.vector_load %arg10[%swap3A_1417, %swap3A_1418] {strides = array<i32>} : memref<128x128xf32, #tpu.memory_space<vmem>>, vector<1x16xf32>,
        %swap3A_1420 = vector.shape_cast %swap3A_1419 : vector<1x16xf32> to vector<16xf32>
        %swap3A_1421 = vector.shape_cast %mul3A_1416 : vector<16xf32> to vector<1x16xf32>
        tpu.vector_store %arg10[%swap3A_1417, %swap3A_1418], %swap3A_1421 {strides = array<i32>} : memref<128x128xf32, #tpu.memory_space<vmem>>, vector<1x16xf32>,
        %get3A_1422 = arith.index_cast %add3A_1367 : i32 to index
        %get3A_1423 = arith.constant 80 : index
        %get3A_1424 = tpu.vector_load %arg10[%get3A_1422, %get3A_1423] {strides = array<i32>} : memref<128x128xf32, #tpu.memory_space<vmem>>, vector<1x16xf32>,
        %get3A_1425 = vector.shape_cast %get3A_1424 : vector<1x16xf32> to vector<16xf32>
        %mul3A_1426 = arith.mulf %get3A_1425, %gather3A_1371 : vector<16xf32>
        %swap3A_1427 = arith.index_cast %add3A_1367 : i32 to index
        %swap3A_1428 = arith.constant 80 : index
        %swap3A_1429 = tpu.vector_load %arg10[%swap3A_1427, %swap3A_1428] {strides = array<i32>} : memref<128x128xf32, #tpu.memory_space<vmem>>, vector<1x16xf32>,
        %swap3A_1430 = vector.shape_cast %swap3A_1429 : vector<1x16xf32> to vector<16xf32>
        %swap3A_1431 = vector.shape_cast %mul3A_1426 : vector<16xf32> to vector<1x16xf32>
        tpu.vector_store %arg10[%swap3A_1427, %swap3A_1428], %swap3A_1431 {strides = array<i32>} : memref<128x128xf32, #tpu.memory_space<vmem>>, vector<1x16xf32>,
        %get3A_1432 = arith.index_cast %add3A_1367 : i32 to index
        %get3A_1433 = arith.constant 96 : index
        %get3A_1434 = tpu.vector_load %arg10[%get3A_1432, %get3A_1433] {strides = array<i32>} : memref<128x128xf32, #tpu.memory_space<vmem>>, vector<1x16xf32>,
        %get3A_1435 = vector.shape_cast %get3A_1434 : vector<1x16xf32> to vector<16xf32>
        %mul3A_1436 = arith.mulf %get3A_1435, %gather3A_1371 : vector<16xf32>
        %swap3A_1437 = arith.index_cast %add3A_1367 : i32 to index
        %swap3A_1438 = arith.constant 96 : index
        %swap3A_1439 = tpu.vector_load %arg10[%swap3A_1437, %swap3A_1438] {strides = array<i32>} : memref<128x128xf32, #tpu.memory_space<vmem>>, vector<1x16xf32>,
        %swap3A_1440 = vector.shape_cast %swap3A_1439 : vector<1x16xf32> to vector<16xf32>
        %swap3A_1441 = vector.shape_cast %mul3A_1436 : vector<16xf32> to vector<1x16xf32>
        tpu.vector_store %arg10[%swap3A_1437, %swap3A_1438], %swap3A_1441 {strides = array<i32>} : memref<128x128xf32, #tpu.memory_space<vmem>>, vector<1x16xf32>,
        %get3A_1442 = arith.index_cast %add3A_1367 : i32 to index
        %get3A_1443 = arith.constant 112 : index
        %get3A_1444 = tpu.vector_load %arg10[%get3A_1442, %get3A_1443] {strides = array<i32>} : memref<128x128xf32, #tpu.memory_space<vmem>>, vector<1x16xf32>,
        %get3A_1445 = vector.shape_cast %get3A_1444 : vector<1x16xf32> to vector<16xf32>
        %mul3A_1446 = arith.mulf %get3A_1445, %gather3A_1371 : vector<16xf32>
        %swap3A_1447 = arith.index_cast %add3A_1367 : i32 to index
        %swap3A_1448 = arith.constant 112 : index
        %swap3A_1449 = tpu.vector_load %arg10[%swap3A_1447, %swap3A_1448] {strides = array<i32>} : memref<128x128xf32, #tpu.memory_space<vmem>>, vector<1x16xf32>,
        %swap3A_1450 = vector.shape_cast %swap3A_1449 : vector<1x16xf32> to vector<16xf32>
        %swap3A_1451 = vector.shape_cast %mul3A_1446 : vector<16xf32> to vector<1x16xf32>
        tpu.vector_store %arg10[%swap3A_1447, %swap3A_1448], %swap3A_1451 {strides = array<i32>} : memref<128x128xf32, #tpu.memory_space<vmem>>, vector<1x16xf32>,
        %scan3A_1452 = arith.constant 0 : i32
        scf.yield %scan3A_1452 : i32
      }
      %scan3A_39 = arith.constant 8 : i32
      %run_scoped3A = arith.constant 1 : i32
      "tpu.region"() ({
        %run_scoped3A_41 = tpu.sem_alloc : memref<!tpu.dma_semaphore, #tpu.memory_space<semaphore_mem>>
        %dma_start3A_42 = arith.constant 0 : i32
        %dma_start3A_43 = tpu.memref_slice %arg8[%run_scoped3A, %dma_start3A_42] : memref<2x128xi32, #tpu.memory_space<vmem>> -> memref<1x128xi32, #tpu.memory_space<vmem>>
        %dma_start3A_44 = tpu.memref_squeeze %dma_start3A_43 : memref<1x128xi32, #tpu.memory_space<vmem>> -> memref<128xi32, #tpu.memory_space<vmem>>
        %dma_start3A_45 = arith.constant 0 : i32
        %dma_start3A_46 = arith.constant 0 : i32
        %dma_start3A_47 = tpu.memref_slice %arg11[%dma_start3A_45, %dma_start3A_46] : memref<10240x128xf32, #tpu.memory_space<vmem_shared>> -> memref<10240x128xf32, #tpu.memory_space<vmem_shared>>
        tpu.enqueue_indirect_dma source(%arg10 : memref<128x128xf32, #tpu.memory_space<vmem>>) target(%dma_start3A_47 : memref<10240x128xf32, #tpu.memory_space<vmem_shared>>) offsets(%dma_start3A_44 : memref<128xi32, #tpu.memory_space<vmem>>) semaphore(%run_scoped3A_41 : memref<!tpu.dma_semaphore, #tpu.memory_space<semaphore_mem>>) {add = true}
        %dma_wait3A_48 = arith.constant 0 : i32
        %dma_wait3A_49 = tpu.memref_slice %arg8[%run_scoped3A, %dma_wait3A_48] : memref<2x128xi32, #tpu.memory_space<vmem>> -> memref<1x128xi32, #tpu.memory_space<vmem>>
        %dma_wait3A_50 = tpu.memref_squeeze %dma_wait3A_49 : memref<1x128xi32, #tpu.memory_space<vmem>> -> memref<128xi32, #tpu.memory_space<vmem>>
        %dma_wait3A_51 = arith.constant 0 : i32
        %dma_wait3A_52 = arith.constant 0 : i32
        %dma_wait3A_53 = tpu.memref_slice %arg11[%dma_wait3A_51, %dma_wait3A_52] : memref<10240x128xf32, #tpu.memory_space<vmem_shared>> -> memref<10240x128xf32, #tpu.memory_space<vmem_shared>>
        tpu.wait_indirect_dma semaphore(%run_scoped3A_41 : memref<!tpu.dma_semaphore, #tpu.memory_space<semaphore_mem>>) src(%arg10 : memref<128x128xf32, #tpu.memory_space<vmem>>) dst(%dma_wait3A_53 : memref<10240x128xf32, #tpu.memory_space<vmem_shared>>)
        tpu.yield
      }) : () -> ()
      %scan3A_40 = arith.constant 0 : i32
      scf.yield %scan3A_40 : i32
    }
    %scan3A_8 = arith.constant 81 : i32
    %barrier3A_9 = arith.constant 0 : index
    tpu.barrier barrier_id(%barrier3A_9)
    %mul3A_10 = arith.constant 640 : i32
    %mul3A_11 = arith.muli %arg1, %mul3A_10 : i32
    %eq3A = arith.constant 0 : i32
    %eq3A_12 = arith.cmpi eq, %arg0, %eq3A : i32
    %convert_element_type3A = arith.extui %eq3A_12 : i1 to i32
    %cond3A = arith.constant 0 : i32
    %cond3A_13 = arith.cmpi ne, %convert_element_type3A, %cond3A : i32
    scf.if %cond3A_13 {
      "tpu.region"() ({
        %run_scoped3A = tpu.sem_alloc : memref<!tpu.dma_semaphore, #tpu.memory_space<semaphore_mem>>
        %dma_start3A = arith.constant 0 : i32
        %dma_start3A_19 = tpu.memref_slice %arg6[%mul3A_11, %dma_start3A] : memref<10240x128xf32, #tpu.memory_space<hbm>> -> memref<640x128xf32, #tpu.memory_space<hbm>>
        %dma_start3A_20 = arith.constant 0 : i32
        %dma_start3A_21 = tpu.memref_slice %arg11[%mul3A_11, %dma_start3A_20] : memref<10240x128xf32, #tpu.memory_space<vmem_shared>> -> memref<640x128xf32, #tpu.memory_space<vmem_shared>>
        tpu.enqueue_dma source(%dma_start3A_21 : memref<640x128xf32, #tpu.memory_space<vmem_shared>>) target(%dma_start3A_19 : memref<640x128xf32, #tpu.memory_space<hbm>>) target_semaphore(%run_scoped3A : memref<!tpu.dma_semaphore, #tpu.memory_space<semaphore_mem>>)
        %dma_wait3A = arith.constant 0 : i32
        %dma_wait3A_22 = tpu.memref_slice %arg6[%mul3A_11, %dma_wait3A] : memref<10240x128xf32, #tpu.memory_space<hbm>> -> memref<640x128xf32, #tpu.memory_space<hbm>>
        %dma_wait3A_23 = arith.constant 0 : i32
        %dma_wait3A_24 = tpu.memref_slice %arg11[%mul3A_11, %dma_wait3A_23] : memref<10240x128xf32, #tpu.memory_space<vmem_shared>> -> memref<640x128xf32, #tpu.memory_space<vmem_shared>>
        tpu.wait_dma2 semaphore(%run_scoped3A : memref<!tpu.dma_semaphore, #tpu.memory_space<semaphore_mem>>) src(%dma_wait3A_24 : memref<640x128xf32, #tpu.memory_space<vmem_shared>>) dst(%dma_wait3A_22 : memref<640x128xf32, #tpu.memory_space<hbm>>)
        tpu.yield
      }) : () -> ()
    } else {
    }
    %eq3A_14 = arith.constant 1 : i32
    %eq3A_15 = arith.cmpi eq, %arg0, %eq3A_14 : i32
    %convert_element_type3A_16 = arith.extui %eq3A_15 : i1 to i32
    %cond3A_17 = arith.constant 0 : i32
    %cond3A_18 = arith.cmpi ne, %convert_element_type3A_16, %cond3A_17 : i32
    scf.if %cond3A_18 {
      "tpu.region"() ({
        %run_scoped3A = tpu.sem_alloc : memref<!tpu.dma_semaphore, #tpu.memory_space<semaphore_mem>>
        %dma_start3A = arith.constant 0 : i32
        %dma_start3A_19 = tpu.memref_slice %arg7[%mul3A_11, %dma_start3A] : memref<10240x128xf32, #tpu.memory_space<hbm>> -> memref<640x128xf32, #tpu.memory_space<hbm>>
        %dma_start3A_20 = arith.constant 0 : i32
        %dma_start3A_21 = tpu.memref_slice %arg11[%mul3A_11, %dma_start3A_20] : memref<10240x128xf32, #tpu.memory_space<vmem_shared>> -> memref<640x128xf32, #tpu.memory_space<vmem_shared>>
        tpu.enqueue_dma source(%dma_start3A_21 : memref<640x128xf32, #tpu.memory_space<vmem_shared>>) target(%dma_start3A_19 : memref<640x128xf32, #tpu.memory_space<hbm>>) target_semaphore(%run_scoped3A : memref<!tpu.dma_semaphore, #tpu.memory_space<semaphore_mem>>)
        %dma_wait3A = arith.constant 0 : i32
        %dma_wait3A_22 = tpu.memref_slice %arg7[%mul3A_11, %dma_wait3A] : memref<10240x128xf32, #tpu.memory_space<hbm>> -> memref<640x128xf32, #tpu.memory_space<hbm>>
        %dma_wait3A_23 = arith.constant 0 : i32
        %dma_wait3A_24 = tpu.memref_slice %arg11[%mul3A_11, %dma_wait3A_23] : memref<10240x128xf32, #tpu.memory_space<vmem_shared>> -> memref<640x128xf32, #tpu.memory_space<vmem_shared>>
        tpu.wait_dma2 semaphore(%run_scoped3A : memref<!tpu.dma_semaphore, #tpu.memory_space<semaphore_mem>>) src(%dma_wait3A_24 : memref<640x128xf32, #tpu.memory_space<vmem_shared>>) dst(%dma_wait3A_22 : memref<640x128xf32, #tpu.memory_space<hbm>>)
        tpu.yield
      }) : () -> ()
    } else {
    }
    return
  }
}

#map = affine_map<(d0, d1) -> (0, 0)>
#map1 = affine_map<(d0, d1) -> (0, 0, 0, 0)>
#map2 = affine_map<(d0, d1) -> (0, 0, 0)>
module attributes {stable_mosaic.version = 14 : i64} {
  func.func @_norm_body(%arg0: i32, %arg1: i32, %arg2: memref<10240x16xf32, #tpu.memory_space<hbm>>, %arg3: memref<32x81x2x128xi32, #tpu.memory_space<hbm>>, %arg4: memref<32x81x128xf32, #tpu.memory_space<hbm>>, %arg5: memref<32x81x128xf32, #tpu.memory_space<hbm>>, %arg6: memref<2x128xi32, #tpu.memory_space<vmem>>, %arg7: memref<128xf32, #tpu.memory_space<vmem>>, %arg8: memref<128x16xf32, #tpu.memory_space<vmem>>, %arg9: memref<128x16xf32, #tpu.memory_space<vmem>>, %arg10: memref<128xf32, #tpu.memory_space<vmem>>, %arg11: memref<!tpu.dma_semaphore, #tpu.memory_space<semaphore_mem>>) attributes {dimension_semantics = [#tpu.dimension_semantics<core_parallel>, #tpu.dimension_semantics<subcore_parallel>], iteration_bounds = array<i64: 2, 16>, scalar_prefetch = 0 : i64, scratch_operands = 6 : i64, tpu.core_type = #tpu.core_type<sc_vector_subcore>, window_params = [{transform_indices = #map}, {transform_indices = #map1}, {transform_indices = #map2}, {transform_indices = #map2}]} {
    %mul3A = arith.constant 16 : i32
    %mul3A_0 = arith.muli %arg0, %mul3A : i32
    %add3A = arith.addi %mul3A_0, %arg1 : i32
    %scan3A = arith.constant 0 : i32
    %scan3A_1 = arith.constant 0 : i32
    %scan3A_2 = arith.constant 81 : i32
    %scan3A_3 = arith.addi %scan3A_1, %scan3A_2 : i32
    %scan3A_4 = arith.constant 1 : i32
    %scan3A_5 = scf.for %scan3A_7 = %scan3A_1 to %scan3A_3 step %scan3A_4 iter_args(%scan3A_8 = %scan3A) -> (i32)  : i32 {
      "tpu.region"() ({
        %run_scoped3A = tpu.sem_alloc : memref<!tpu.dma_semaphore, #tpu.memory_space<semaphore_mem>>
        %dma_start3A_43 = arith.constant 0 : i32
        %dma_start3A_44 = arith.constant 0 : i32
        %dma_start3A_45 = tpu.memref_slice %arg3[%add3A, %scan3A_7, %dma_start3A_43, %dma_start3A_44] : memref<32x81x2x128xi32, #tpu.memory_space<hbm>> -> memref<1x1x2x128xi32, #tpu.memory_space<hbm>>
        %dma_start3A_46 = tpu.memref_squeeze %dma_start3A_45 : memref<1x1x2x128xi32, #tpu.memory_space<hbm>> -> memref<2x128xi32, #tpu.memory_space<hbm>>
        %dma_start3A_47 = arith.constant 0 : i32
        %dma_start3A_48 = arith.constant 0 : i32
        %dma_start3A_49 = tpu.memref_slice %arg3[%add3A, %scan3A_7, %dma_start3A_47, %dma_start3A_48] : memref<32x81x2x128xi32, #tpu.memory_space<hbm>> -> memref<1x1x2x128xi32, #tpu.memory_space<hbm>>
        %dma_start3A_50 = tpu.memref_squeeze %dma_start3A_49 : memref<1x1x2x128xi32, #tpu.memory_space<hbm>> -> memref<2x128xi32, #tpu.memory_space<hbm>>
        tpu.enqueue_dma source(%dma_start3A_50 : memref<2x128xi32, #tpu.memory_space<hbm>>) target(%arg6 : memref<2x128xi32, #tpu.memory_space<vmem>>) target_semaphore(%run_scoped3A : memref<!tpu.dma_semaphore, #tpu.memory_space<semaphore_mem>>)
        %dma_wait3A_51 = arith.constant 0 : i32
        %dma_wait3A_52 = arith.constant 0 : i32
        %dma_wait3A_53 = tpu.memref_slice %arg3[%add3A, %scan3A_7, %dma_wait3A_51, %dma_wait3A_52] : memref<32x81x2x128xi32, #tpu.memory_space<hbm>> -> memref<1x1x2x128xi32, #tpu.memory_space<hbm>>
        %dma_wait3A_54 = tpu.memref_squeeze %dma_wait3A_53 : memref<1x1x2x128xi32, #tpu.memory_space<hbm>> -> memref<2x128xi32, #tpu.memory_space<hbm>>
        %dma_wait3A_55 = arith.constant 0 : i32
        %dma_wait3A_56 = arith.constant 0 : i32
        %dma_wait3A_57 = tpu.memref_slice %arg3[%add3A, %scan3A_7, %dma_wait3A_55, %dma_wait3A_56] : memref<32x81x2x128xi32, #tpu.memory_space<hbm>> -> memref<1x1x2x128xi32, #tpu.memory_space<hbm>>
        %dma_wait3A_58 = tpu.memref_squeeze %dma_wait3A_57 : memref<1x1x2x128xi32, #tpu.memory_space<hbm>> -> memref<2x128xi32, #tpu.memory_space<hbm>>
        tpu.wait_dma2 semaphore(%run_scoped3A : memref<!tpu.dma_semaphore, #tpu.memory_space<semaphore_mem>>) src(%dma_wait3A_58 : memref<2x128xi32, #tpu.memory_space<hbm>>) dst(%arg6 : memref<2x128xi32, #tpu.memory_space<vmem>>)
        tpu.yield
      }) : () -> ()
      "tpu.region"() ({
        %run_scoped3A = tpu.sem_alloc : memref<!tpu.dma_semaphore, #tpu.memory_space<semaphore_mem>>
        %dma_start3A_43 = arith.constant 0 : i32
        %dma_start3A_44 = tpu.memref_slice %arg4[%add3A, %scan3A_7, %dma_start3A_43] : memref<32x81x128xf32, #tpu.memory_space<hbm>> -> memref<1x1x128xf32, #tpu.memory_space<hbm>>
        %dma_start3A_45 = tpu.memref_squeeze %dma_start3A_44 : memref<1x1x128xf32, #tpu.memory_space<hbm>> -> memref<128xf32, #tpu.memory_space<hbm>>
        %dma_start3A_46 = arith.constant 0 : i32
        %dma_start3A_47 = tpu.memref_slice %arg4[%add3A, %scan3A_7, %dma_start3A_46] : memref<32x81x128xf32, #tpu.memory_space<hbm>> -> memref<1x1x128xf32, #tpu.memory_space<hbm>>
        %dma_start3A_48 = tpu.memref_squeeze %dma_start3A_47 : memref<1x1x128xf32, #tpu.memory_space<hbm>> -> memref<128xf32, #tpu.memory_space<hbm>>
        tpu.enqueue_dma source(%dma_start3A_48 : memref<128xf32, #tpu.memory_space<hbm>>) target(%arg7 : memref<128xf32, #tpu.memory_space<vmem>>) target_semaphore(%run_scoped3A : memref<!tpu.dma_semaphore, #tpu.memory_space<semaphore_mem>>)
        %dma_wait3A_49 = arith.constant 0 : i32
        %dma_wait3A_50 = tpu.memref_slice %arg4[%add3A, %scan3A_7, %dma_wait3A_49] : memref<32x81x128xf32, #tpu.memory_space<hbm>> -> memref<1x1x128xf32, #tpu.memory_space<hbm>>
        %dma_wait3A_51 = tpu.memref_squeeze %dma_wait3A_50 : memref<1x1x128xf32, #tpu.memory_space<hbm>> -> memref<128xf32, #tpu.memory_space<hbm>>
        %dma_wait3A_52 = arith.constant 0 : i32
        %dma_wait3A_53 = tpu.memref_slice %arg4[%add3A, %scan3A_7, %dma_wait3A_52] : memref<32x81x128xf32, #tpu.memory_space<hbm>> -> memref<1x1x128xf32, #tpu.memory_space<hbm>>
        %dma_wait3A_54 = tpu.memref_squeeze %dma_wait3A_53 : memref<1x1x128xf32, #tpu.memory_space<hbm>> -> memref<128xf32, #tpu.memory_space<hbm>>
        tpu.wait_dma2 semaphore(%run_scoped3A : memref<!tpu.dma_semaphore, #tpu.memory_space<semaphore_mem>>) src(%dma_wait3A_54 : memref<128xf32, #tpu.memory_space<hbm>>) dst(%arg7 : memref<128xf32, #tpu.memory_space<vmem>>)
        tpu.yield
      }) : () -> ()
      %dma_start3A = arith.constant 0 : i32
      %dma_start3A_9 = arith.constant 0 : i32
      %dma_start3A_10 = tpu.memref_slice %arg6[%dma_start3A, %dma_start3A_9] : memref<2x128xi32, #tpu.memory_space<vmem>> -> memref<1x128xi32, #tpu.memory_space<vmem>>
      %dma_start3A_11 = tpu.memref_squeeze %dma_start3A_10 : memref<1x128xi32, #tpu.memory_space<vmem>> -> memref<128xi32, #tpu.memory_space<vmem>>
      %dma_start3A_12 = arith.constant 0 : i32
      %dma_start3A_13 = arith.constant 0 : i32
      %dma_start3A_14 = tpu.memref_slice %arg2[%dma_start3A_12, %dma_start3A_13] : memref<10240x16xf32, #tpu.memory_space<hbm>> -> memref<10240x16xf32, #tpu.memory_space<hbm>>
      tpu.enqueue_indirect_dma source(%dma_start3A_14 : memref<10240x16xf32, #tpu.memory_space<hbm>>) target(%arg8 : memref<128x16xf32, #tpu.memory_space<vmem>>) offsets(%dma_start3A_11 : memref<128xi32, #tpu.memory_space<vmem>>) semaphore(%arg11 : memref<!tpu.dma_semaphore, #tpu.memory_space<semaphore_mem>>)
      %dma_wait3A = arith.constant 0 : i32
      %dma_wait3A_15 = arith.constant 0 : i32
      %dma_wait3A_16 = tpu.memref_slice %arg6[%dma_wait3A, %dma_wait3A_15] : memref<2x128xi32, #tpu.memory_space<vmem>> -> memref<1x128xi32, #tpu.memory_space<vmem>>
      %dma_wait3A_17 = tpu.memref_squeeze %dma_wait3A_16 : memref<1x128xi32, #tpu.memory_space<vmem>> -> memref<128xi32, #tpu.memory_space<vmem>>
      %dma_wait3A_18 = arith.constant 0 : i32
      %dma_wait3A_19 = arith.constant 0 : i32
      %dma_wait3A_20 = tpu.memref_slice %arg2[%dma_wait3A_18, %dma_wait3A_19] : memref<10240x16xf32, #tpu.memory_space<hbm>> -> memref<10240x16xf32, #tpu.memory_space<hbm>>
      tpu.wait_indirect_dma semaphore(%arg11 : memref<!tpu.dma_semaphore, #tpu.memory_space<semaphore_mem>>) src(%dma_wait3A_20 : memref<10240x16xf32, #tpu.memory_space<hbm>>) dst(%arg8 : memref<128x16xf32, #tpu.memory_space<vmem>>)
      %dma_start3A_21 = arith.constant 1 : i32
      %dma_start3A_22 = arith.constant 0 : i32
      %dma_start3A_23 = tpu.memref_slice %arg6[%dma_start3A_21, %dma_start3A_22] : memref<2x128xi32, #tpu.memory_space<vmem>> -> memref<1x128xi32, #tpu.memory_space<vmem>>
      %dma_start3A_24 = tpu.memref_squeeze %dma_start3A_23 : memref<1x128xi32, #tpu.memory_space<vmem>> -> memref<128xi32, #tpu.memory_space<vmem>>
      %dma_start3A_25 = arith.constant 0 : i32
      %dma_start3A_26 = arith.constant 0 : i32
      %dma_start3A_27 = tpu.memref_slice %arg2[%dma_start3A_25, %dma_start3A_26] : memref<10240x16xf32, #tpu.memory_space<hbm>> -> memref<10240x16xf32, #tpu.memory_space<hbm>>
      tpu.enqueue_indirect_dma source(%dma_start3A_27 : memref<10240x16xf32, #tpu.memory_space<hbm>>) target(%arg9 : memref<128x16xf32, #tpu.memory_space<vmem>>) offsets(%dma_start3A_24 : memref<128xi32, #tpu.memory_space<vmem>>) semaphore(%arg11 : memref<!tpu.dma_semaphore, #tpu.memory_space<semaphore_mem>>)
      %dma_wait3A_28 = arith.constant 1 : i32
      %dma_wait3A_29 = arith.constant 0 : i32
      %dma_wait3A_30 = tpu.memref_slice %arg6[%dma_wait3A_28, %dma_wait3A_29] : memref<2x128xi32, #tpu.memory_space<vmem>> -> memref<1x128xi32, #tpu.memory_space<vmem>>
      %dma_wait3A_31 = tpu.memref_squeeze %dma_wait3A_30 : memref<1x128xi32, #tpu.memory_space<vmem>> -> memref<128xi32, #tpu.memory_space<vmem>>
      %dma_wait3A_32 = arith.constant 0 : i32
      %dma_wait3A_33 = arith.constant 0 : i32
      %dma_wait3A_34 = tpu.memref_slice %arg2[%dma_wait3A_32, %dma_wait3A_33] : memref<10240x16xf32, #tpu.memory_space<hbm>> -> memref<10240x16xf32, #tpu.memory_space<hbm>>
      tpu.wait_indirect_dma semaphore(%arg11 : memref<!tpu.dma_semaphore, #tpu.memory_space<semaphore_mem>>) src(%dma_wait3A_34 : memref<10240x16xf32, #tpu.memory_space<hbm>>) dst(%arg9 : memref<128x16xf32, #tpu.memory_space<vmem>>)
      %scan3A_35 = arith.constant 0 : i32
      %scan3A_36 = arith.constant 0 : i32
      %scan3A_37 = arith.constant 8 : i32
      %scan3A_38 = arith.addi %scan3A_36, %scan3A_37 : i32
      %scan3A_39 = arith.constant 1 : i32
      %scan3A_40 = scf.for %scan3A_43 = %scan3A_36 to %scan3A_38 step %scan3A_39 iter_args(%scan3A_44 = %scan3A_35) -> (i32)  : i32 {
        %mul3A_45 = arith.constant 16 : i32
        %mul3A_46 = arith.muli %scan3A_43, %mul3A_45 : i32
        %broadcast_in_dim3A = arith.constant 0.000000e+00 : f32
        %broadcast_in_dim3A_47 = vector.broadcast %broadcast_in_dim3A : f32 to vector<16xf32>
        %mul3A_48 = arith.constant 16 : i32
        %mul3A_49 = arith.muli %scan3A_43, %mul3A_48 : i32
        %add3A_50 = arith.constant 0 : i32
        %add3A_51 = arith.addi %mul3A_49, %add3A_50 : i32
        %get3A = arith.index_cast %add3A_51 : i32 to index
        %get3A_52 = arith.constant 0 : index
        %get3A_53 = tpu.vector_load %arg8[%get3A, %get3A_52] {strides = array<i32>} : memref<128x16xf32, #tpu.memory_space<vmem>>, vector<1x16xf32>,
        %get3A_54 = vector.shape_cast %get3A_53 : vector<1x16xf32> to vector<16xf32>
        %get3A_55 = arith.index_cast %add3A_51 : i32 to index
        %get3A_56 = arith.constant 0 : index
        %get3A_57 = tpu.vector_load %arg9[%get3A_55, %get3A_56] {strides = array<i32>} : memref<128x16xf32, #tpu.memory_space<vmem>>, vector<1x16xf32>,
        %get3A_58 = vector.shape_cast %get3A_57 : vector<1x16xf32> to vector<16xf32>
        %mul3A_59 = arith.mulf %get3A_54, %get3A_58 : vector<16xf32>
        %iota3A = tpu.iota {dimensions = array<i32: 0>} : vector<16xi32>
        %eq3A = arith.constant 0 : i32
        %eq3A_60 = vector.broadcast %eq3A : i32 to vector<16xi32>
        %eq3A_61 = arith.cmpi eq, %iota3A, %eq3A_60 : vector<16xi32>
        %jit3A = arith.constant 1.000000e+00 : f32
        %jit3A_62 = arith.constant 0.000000e+00 : f32
        %broadcast_in_dim3A_63 = vector.broadcast %jit3A : f32 to vector<16xf32>
        %broadcast_in_dim3A_64 = vector.broadcast %jit3A_62 : f32 to vector<16xf32>
        %select_n3A = arith.select %eq3A_61, %broadcast_in_dim3A_63, %broadcast_in_dim3A_64 : vector<16xi1>, vector<16xf32>
        %mul3A_65 = arith.mulf %mul3A_59, %select_n3A : vector<16xf32>
        %add3A_66 = arith.addf %broadcast_in_dim3A_47, %mul3A_65 : vector<16xf32>
        %mul3A_67 = arith.constant 16 : i32
        %mul3A_68 = arith.muli %scan3A_43, %mul3A_67 : i32
        %add3A_69 = arith.constant 1 : i32
        %add3A_70 = arith.addi %mul3A_68, %add3A_69 : i32
        %get3A_71 = arith.index_cast %add3A_70 : i32 to index
        %get3A_72 = arith.constant 0 : index
        %get3A_73 = tpu.vector_load %arg8[%get3A_71, %get3A_72] {strides = array<i32>} : memref<128x16xf32, #tpu.memory_space<vmem>>, vector<1x16xf32>,
        %get3A_74 = vector.shape_cast %get3A_73 : vector<1x16xf32> to vector<16xf32>
        %get3A_75 = arith.index_cast %add3A_70 : i32 to index
        %get3A_76 = arith.constant 0 : index
        %get3A_77 = tpu.vector_load %arg9[%get3A_75, %get3A_76] {strides = array<i32>} : memref<128x16xf32, #tpu.memory_space<vmem>>, vector<1x16xf32>,
        %get3A_78 = vector.shape_cast %get3A_77 : vector<1x16xf32> to vector<16xf32>
        %mul3A_79 = arith.mulf %get3A_74, %get3A_78 : vector<16xf32>
        %iota3A_80 = tpu.iota {dimensions = array<i32: 0>} : vector<16xi32>
        %eq3A_81 = arith.constant 1 : i32
        %eq3A_82 = vector.broadcast %eq3A_81 : i32 to vector<16xi32>
        %eq3A_83 = arith.cmpi eq, %iota3A_80, %eq3A_82 : vector<16xi32>
        %jit3A_84 = arith.constant 1.000000e+00 : f32
        %jit3A_85 = arith.constant 0.000000e+00 : f32
        %broadcast_in_dim3A_86 = vector.broadcast %jit3A_84 : f32 to vector<16xf32>
        %broadcast_in_dim3A_87 = vector.broadcast %jit3A_85 : f32 to vector<16xf32>
        %select_n3A_88 = arith.select %eq3A_83, %broadcast_in_dim3A_86, %broadcast_in_dim3A_87 : vector<16xi1>, vector<16xf32>
        %mul3A_89 = arith.mulf %mul3A_79, %select_n3A_88 : vector<16xf32>
        %add3A_90 = arith.addf %add3A_66, %mul3A_89 : vector<16xf32>
        %mul3A_91 = arith.constant 16 : i32
        %mul3A_92 = arith.muli %scan3A_43, %mul3A_91 : i32
        %add3A_93 = arith.constant 2 : i32
        %add3A_94 = arith.addi %mul3A_92, %add3A_93 : i32
        %get3A_95 = arith.index_cast %add3A_94 : i32 to index
        %get3A_96 = arith.constant 0 : index
        %get3A_97 = tpu.vector_load %arg8[%get3A_95, %get3A_96] {strides = array<i32>} : memref<128x16xf32, #tpu.memory_space<vmem>>, vector<1x16xf32>,
        %get3A_98 = vector.shape_cast %get3A_97 : vector<1x16xf32> to vector<16xf32>
        %get3A_99 = arith.index_cast %add3A_94 : i32 to index
        %get3A_100 = arith.constant 0 : index
        %get3A_101 = tpu.vector_load %arg9[%get3A_99, %get3A_100] {strides = array<i32>} : memref<128x16xf32, #tpu.memory_space<vmem>>, vector<1x16xf32>,
        %get3A_102 = vector.shape_cast %get3A_101 : vector<1x16xf32> to vector<16xf32>
        %mul3A_103 = arith.mulf %get3A_98, %get3A_102 : vector<16xf32>
        %iota3A_104 = tpu.iota {dimensions = array<i32: 0>} : vector<16xi32>
        %eq3A_105 = arith.constant 2 : i32
        %eq3A_106 = vector.broadcast %eq3A_105 : i32 to vector<16xi32>
        %eq3A_107 = arith.cmpi eq, %iota3A_104, %eq3A_106 : vector<16xi32>
        %jit3A_108 = arith.constant 1.000000e+00 : f32
        %jit3A_109 = arith.constant 0.000000e+00 : f32
        %broadcast_in_dim3A_110 = vector.broadcast %jit3A_108 : f32 to vector<16xf32>
        %broadcast_in_dim3A_111 = vector.broadcast %jit3A_109 : f32 to vector<16xf32>
        %select_n3A_112 = arith.select %eq3A_107, %broadcast_in_dim3A_110, %broadcast_in_dim3A_111 : vector<16xi1>, vector<16xf32>
        %mul3A_113 = arith.mulf %mul3A_103, %select_n3A_112 : vector<16xf32>
        %add3A_114 = arith.addf %add3A_90, %mul3A_113 : vector<16xf32>
        %mul3A_115 = arith.constant 16 : i32
        %mul3A_116 = arith.muli %scan3A_43, %mul3A_115 : i32
        %add3A_117 = arith.constant 3 : i32
        %add3A_118 = arith.addi %mul3A_116, %add3A_117 : i32
        %get3A_119 = arith.index_cast %add3A_118 : i32 to index
        %get3A_120 = arith.constant 0 : index
        %get3A_121 = tpu.vector_load %arg8[%get3A_119, %get3A_120] {strides = array<i32>} : memref<128x16xf32, #tpu.memory_space<vmem>>, vector<1x16xf32>,
        %get3A_122 = vector.shape_cast %get3A_121 : vector<1x16xf32> to vector<16xf32>
        %get3A_123 = arith.index_cast %add3A_118 : i32 to index
        %get3A_124 = arith.constant 0 : index
        %get3A_125 = tpu.vector_load %arg9[%get3A_123, %get3A_124] {strides = array<i32>} : memref<128x16xf32, #tpu.memory_space<vmem>>, vector<1x16xf32>,
        %get3A_126 = vector.shape_cast %get3A_125 : vector<1x16xf32> to vector<16xf32>
        %mul3A_127 = arith.mulf %get3A_122, %get3A_126 : vector<16xf32>
        %iota3A_128 = tpu.iota {dimensions = array<i32: 0>} : vector<16xi32>
        %eq3A_129 = arith.constant 3 : i32
        %eq3A_130 = vector.broadcast %eq3A_129 : i32 to vector<16xi32>
        %eq3A_131 = arith.cmpi eq, %iota3A_128, %eq3A_130 : vector<16xi32>
        %jit3A_132 = arith.constant 1.000000e+00 : f32
        %jit3A_133 = arith.constant 0.000000e+00 : f32
        %broadcast_in_dim3A_134 = vector.broadcast %jit3A_132 : f32 to vector<16xf32>
        %broadcast_in_dim3A_135 = vector.broadcast %jit3A_133 : f32 to vector<16xf32>
        %select_n3A_136 = arith.select %eq3A_131, %broadcast_in_dim3A_134, %broadcast_in_dim3A_135 : vector<16xi1>, vector<16xf32>
        %mul3A_137 = arith.mulf %mul3A_127, %select_n3A_136 : vector<16xf32>
        %add3A_138 = arith.addf %add3A_114, %mul3A_137 : vector<16xf32>
        %mul3A_139 = arith.constant 16 : i32
        %mul3A_140 = arith.muli %scan3A_43, %mul3A_139 : i32
        %add3A_141 = arith.constant 4 : i32
        %add3A_142 = arith.addi %mul3A_140, %add3A_141 : i32
        %get3A_143 = arith.index_cast %add3A_142 : i32 to index
        %get3A_144 = arith.constant 0 : index
        %get3A_145 = tpu.vector_load %arg8[%get3A_143, %get3A_144] {strides = array<i32>} : memref<128x16xf32, #tpu.memory_space<vmem>>, vector<1x16xf32>,
        %get3A_146 = vector.shape_cast %get3A_145 : vector<1x16xf32> to vector<16xf32>
        %get3A_147 = arith.index_cast %add3A_142 : i32 to index
        %get3A_148 = arith.constant 0 : index
        %get3A_149 = tpu.vector_load %arg9[%get3A_147, %get3A_148] {strides = array<i32>} : memref<128x16xf32, #tpu.memory_space<vmem>>, vector<1x16xf32>,
        %get3A_150 = vector.shape_cast %get3A_149 : vector<1x16xf32> to vector<16xf32>
        %mul3A_151 = arith.mulf %get3A_146, %get3A_150 : vector<16xf32>
        %iota3A_152 = tpu.iota {dimensions = array<i32: 0>} : vector<16xi32>
        %eq3A_153 = arith.constant 4 : i32
        %eq3A_154 = vector.broadcast %eq3A_153 : i32 to vector<16xi32>
        %eq3A_155 = arith.cmpi eq, %iota3A_152, %eq3A_154 : vector<16xi32>
        %jit3A_156 = arith.constant 1.000000e+00 : f32
        %jit3A_157 = arith.constant 0.000000e+00 : f32
        %broadcast_in_dim3A_158 = vector.broadcast %jit3A_156 : f32 to vector<16xf32>
        %broadcast_in_dim3A_159 = vector.broadcast %jit3A_157 : f32 to vector<16xf32>
        %select_n3A_160 = arith.select %eq3A_155, %broadcast_in_dim3A_158, %broadcast_in_dim3A_159 : vector<16xi1>, vector<16xf32>
        %mul3A_161 = arith.mulf %mul3A_151, %select_n3A_160 : vector<16xf32>
        %add3A_162 = arith.addf %add3A_138, %mul3A_161 : vector<16xf32>
        %mul3A_163 = arith.constant 16 : i32
        %mul3A_164 = arith.muli %scan3A_43, %mul3A_163 : i32
        %add3A_165 = arith.constant 5 : i32
        %add3A_166 = arith.addi %mul3A_164, %add3A_165 : i32
        %get3A_167 = arith.index_cast %add3A_166 : i32 to index
        %get3A_168 = arith.constant 0 : index
        %get3A_169 = tpu.vector_load %arg8[%get3A_167, %get3A_168] {strides = array<i32>} : memref<128x16xf32, #tpu.memory_space<vmem>>, vector<1x16xf32>,
        %get3A_170 = vector.shape_cast %get3A_169 : vector<1x16xf32> to vector<16xf32>
        %get3A_171 = arith.index_cast %add3A_166 : i32 to index
        %get3A_172 = arith.constant 0 : index
        %get3A_173 = tpu.vector_load %arg9[%get3A_171, %get3A_172] {strides = array<i32>} : memref<128x16xf32, #tpu.memory_space<vmem>>, vector<1x16xf32>,
        %get3A_174 = vector.shape_cast %get3A_173 : vector<1x16xf32> to vector<16xf32>
        %mul3A_175 = arith.mulf %get3A_170, %get3A_174 : vector<16xf32>
        %iota3A_176 = tpu.iota {dimensions = array<i32: 0>} : vector<16xi32>
        %eq3A_177 = arith.constant 5 : i32
        %eq3A_178 = vector.broadcast %eq3A_177 : i32 to vector<16xi32>
        %eq3A_179 = arith.cmpi eq, %iota3A_176, %eq3A_178 : vector<16xi32>
        %jit3A_180 = arith.constant 1.000000e+00 : f32
        %jit3A_181 = arith.constant 0.000000e+00 : f32
        %broadcast_in_dim3A_182 = vector.broadcast %jit3A_180 : f32 to vector<16xf32>
        %broadcast_in_dim3A_183 = vector.broadcast %jit3A_181 : f32 to vector<16xf32>
        %select_n3A_184 = arith.select %eq3A_179, %broadcast_in_dim3A_182, %broadcast_in_dim3A_183 : vector<16xi1>, vector<16xf32>
        %mul3A_185 = arith.mulf %mul3A_175, %select_n3A_184 : vector<16xf32>
        %add3A_186 = arith.addf %add3A_162, %mul3A_185 : vector<16xf32>
        %mul3A_187 = arith.constant 16 : i32
        %mul3A_188 = arith.muli %scan3A_43, %mul3A_187 : i32
        %add3A_189 = arith.constant 6 : i32
        %add3A_190 = arith.addi %mul3A_188, %add3A_189 : i32
        %get3A_191 = arith.index_cast %add3A_190 : i32 to index
        %get3A_192 = arith.constant 0 : index
        %get3A_193 = tpu.vector_load %arg8[%get3A_191, %get3A_192] {strides = array<i32>} : memref<128x16xf32, #tpu.memory_space<vmem>>, vector<1x16xf32>,
        %get3A_194 = vector.shape_cast %get3A_193 : vector<1x16xf32> to vector<16xf32>
        %get3A_195 = arith.index_cast %add3A_190 : i32 to index
        %get3A_196 = arith.constant 0 : index
        %get3A_197 = tpu.vector_load %arg9[%get3A_195, %get3A_196] {strides = array<i32>} : memref<128x16xf32, #tpu.memory_space<vmem>>, vector<1x16xf32>,
        %get3A_198 = vector.shape_cast %get3A_197 : vector<1x16xf32> to vector<16xf32>
        %mul3A_199 = arith.mulf %get3A_194, %get3A_198 : vector<16xf32>
        %iota3A_200 = tpu.iota {dimensions = array<i32: 0>} : vector<16xi32>
        %eq3A_201 = arith.constant 6 : i32
        %eq3A_202 = vector.broadcast %eq3A_201 : i32 to vector<16xi32>
        %eq3A_203 = arith.cmpi eq, %iota3A_200, %eq3A_202 : vector<16xi32>
        %jit3A_204 = arith.constant 1.000000e+00 : f32
        %jit3A_205 = arith.constant 0.000000e+00 : f32
        %broadcast_in_dim3A_206 = vector.broadcast %jit3A_204 : f32 to vector<16xf32>
        %broadcast_in_dim3A_207 = vector.broadcast %jit3A_205 : f32 to vector<16xf32>
        %select_n3A_208 = arith.select %eq3A_203, %broadcast_in_dim3A_206, %broadcast_in_dim3A_207 : vector<16xi1>, vector<16xf32>
        %mul3A_209 = arith.mulf %mul3A_199, %select_n3A_208 : vector<16xf32>
        %add3A_210 = arith.addf %add3A_186, %mul3A_209 : vector<16xf32>
        %mul3A_211 = arith.constant 16 : i32
        %mul3A_212 = arith.muli %scan3A_43, %mul3A_211 : i32
        %add3A_213 = arith.constant 7 : i32
        %add3A_214 = arith.addi %mul3A_212, %add3A_213 : i32
        %get3A_215 = arith.index_cast %add3A_214 : i32 to index
        %get3A_216 = arith.constant 0 : index
        %get3A_217 = tpu.vector_load %arg8[%get3A_215, %get3A_216] {strides = array<i32>} : memref<128x16xf32, #tpu.memory_space<vmem>>, vector<1x16xf32>,
        %get3A_218 = vector.shape_cast %get3A_217 : vector<1x16xf32> to vector<16xf32>
        %get3A_219 = arith.index_cast %add3A_214 : i32 to index
        %get3A_220 = arith.constant 0 : index
        %get3A_221 = tpu.vector_load %arg9[%get3A_219, %get3A_220] {strides = array<i32>} : memref<128x16xf32, #tpu.memory_space<vmem>>, vector<1x16xf32>,
        %get3A_222 = vector.shape_cast %get3A_221 : vector<1x16xf32> to vector<16xf32>
        %mul3A_223 = arith.mulf %get3A_218, %get3A_222 : vector<16xf32>
        %iota3A_224 = tpu.iota {dimensions = array<i32: 0>} : vector<16xi32>
        %eq3A_225 = arith.constant 7 : i32
        %eq3A_226 = vector.broadcast %eq3A_225 : i32 to vector<16xi32>
        %eq3A_227 = arith.cmpi eq, %iota3A_224, %eq3A_226 : vector<16xi32>
        %jit3A_228 = arith.constant 1.000000e+00 : f32
        %jit3A_229 = arith.constant 0.000000e+00 : f32
        %broadcast_in_dim3A_230 = vector.broadcast %jit3A_228 : f32 to vector<16xf32>
        %broadcast_in_dim3A_231 = vector.broadcast %jit3A_229 : f32 to vector<16xf32>
        %select_n3A_232 = arith.select %eq3A_227, %broadcast_in_dim3A_230, %broadcast_in_dim3A_231 : vector<16xi1>, vector<16xf32>
        %mul3A_233 = arith.mulf %mul3A_223, %select_n3A_232 : vector<16xf32>
        %add3A_234 = arith.addf %add3A_210, %mul3A_233 : vector<16xf32>
        %mul3A_235 = arith.constant 16 : i32
        %mul3A_236 = arith.muli %scan3A_43, %mul3A_235 : i32
        %add3A_237 = arith.constant 8 : i32
        %add3A_238 = arith.addi %mul3A_236, %add3A_237 : i32
        %get3A_239 = arith.index_cast %add3A_238 : i32 to index
        %get3A_240 = arith.constant 0 : index
        %get3A_241 = tpu.vector_load %arg8[%get3A_239, %get3A_240] {strides = array<i32>} : memref<128x16xf32, #tpu.memory_space<vmem>>, vector<1x16xf32>,
        %get3A_242 = vector.shape_cast %get3A_241 : vector<1x16xf32> to vector<16xf32>
        %get3A_243 = arith.index_cast %add3A_238 : i32 to index
        %get3A_244 = arith.constant 0 : index
        %get3A_245 = tpu.vector_load %arg9[%get3A_243, %get3A_244] {strides = array<i32>} : memref<128x16xf32, #tpu.memory_space<vmem>>, vector<1x16xf32>,
        %get3A_246 = vector.shape_cast %get3A_245 : vector<1x16xf32> to vector<16xf32>
        %mul3A_247 = arith.mulf %get3A_242, %get3A_246 : vector<16xf32>
        %iota3A_248 = tpu.iota {dimensions = array<i32: 0>} : vector<16xi32>
        %eq3A_249 = arith.constant 8 : i32
        %eq3A_250 = vector.broadcast %eq3A_249 : i32 to vector<16xi32>
        %eq3A_251 = arith.cmpi eq, %iota3A_248, %eq3A_250 : vector<16xi32>
        %jit3A_252 = arith.constant 1.000000e+00 : f32
        %jit3A_253 = arith.constant 0.000000e+00 : f32
        %broadcast_in_dim3A_254 = vector.broadcast %jit3A_252 : f32 to vector<16xf32>
        %broadcast_in_dim3A_255 = vector.broadcast %jit3A_253 : f32 to vector<16xf32>
        %select_n3A_256 = arith.select %eq3A_251, %broadcast_in_dim3A_254, %broadcast_in_dim3A_255 : vector<16xi1>, vector<16xf32>
        %mul3A_257 = arith.mulf %mul3A_247, %select_n3A_256 : vector<16xf32>
        %add3A_258 = arith.addf %add3A_234, %mul3A_257 : vector<16xf32>
        %mul3A_259 = arith.constant 16 : i32
        %mul3A_260 = arith.muli %scan3A_43, %mul3A_259 : i32
        %add3A_261 = arith.constant 9 : i32
        %add3A_262 = arith.addi %mul3A_260, %add3A_261 : i32
        %get3A_263 = arith.index_cast %add3A_262 : i32 to index
        %get3A_264 = arith.constant 0 : index
        %get3A_265 = tpu.vector_load %arg8[%get3A_263, %get3A_264] {strides = array<i32>} : memref<128x16xf32, #tpu.memory_space<vmem>>, vector<1x16xf32>,
        %get3A_266 = vector.shape_cast %get3A_265 : vector<1x16xf32> to vector<16xf32>
        %get3A_267 = arith.index_cast %add3A_262 : i32 to index
        %get3A_268 = arith.constant 0 : index
        %get3A_269 = tpu.vector_load %arg9[%get3A_267, %get3A_268] {strides = array<i32>} : memref<128x16xf32, #tpu.memory_space<vmem>>, vector<1x16xf32>,
        %get3A_270 = vector.shape_cast %get3A_269 : vector<1x16xf32> to vector<16xf32>
        %mul3A_271 = arith.mulf %get3A_266, %get3A_270 : vector<16xf32>
        %iota3A_272 = tpu.iota {dimensions = array<i32: 0>} : vector<16xi32>
        %eq3A_273 = arith.constant 9 : i32
        %eq3A_274 = vector.broadcast %eq3A_273 : i32 to vector<16xi32>
        %eq3A_275 = arith.cmpi eq, %iota3A_272, %eq3A_274 : vector<16xi32>
        %jit3A_276 = arith.constant 1.000000e+00 : f32
        %jit3A_277 = arith.constant 0.000000e+00 : f32
        %broadcast_in_dim3A_278 = vector.broadcast %jit3A_276 : f32 to vector<16xf32>
        %broadcast_in_dim3A_279 = vector.broadcast %jit3A_277 : f32 to vector<16xf32>
        %select_n3A_280 = arith.select %eq3A_275, %broadcast_in_dim3A_278, %broadcast_in_dim3A_279 : vector<16xi1>, vector<16xf32>
        %mul3A_281 = arith.mulf %mul3A_271, %select_n3A_280 : vector<16xf32>
        %add3A_282 = arith.addf %add3A_258, %mul3A_281 : vector<16xf32>
        %mul3A_283 = arith.constant 16 : i32
        %mul3A_284 = arith.muli %scan3A_43, %mul3A_283 : i32
        %add3A_285 = arith.constant 10 : i32
        %add3A_286 = arith.addi %mul3A_284, %add3A_285 : i32
        %get3A_287 = arith.index_cast %add3A_286 : i32 to index
        %get3A_288 = arith.constant 0 : index
        %get3A_289 = tpu.vector_load %arg8[%get3A_287, %get3A_288] {strides = array<i32>} : memref<128x16xf32, #tpu.memory_space<vmem>>, vector<1x16xf32>,
        %get3A_290 = vector.shape_cast %get3A_289 : vector<1x16xf32> to vector<16xf32>
        %get3A_291 = arith.index_cast %add3A_286 : i32 to index
        %get3A_292 = arith.constant 0 : index
        %get3A_293 = tpu.vector_load %arg9[%get3A_291, %get3A_292] {strides = array<i32>} : memref<128x16xf32, #tpu.memory_space<vmem>>, vector<1x16xf32>,
        %get3A_294 = vector.shape_cast %get3A_293 : vector<1x16xf32> to vector<16xf32>
        %mul3A_295 = arith.mulf %get3A_290, %get3A_294 : vector<16xf32>
        %iota3A_296 = tpu.iota {dimensions = array<i32: 0>} : vector<16xi32>
        %eq3A_297 = arith.constant 10 : i32
        %eq3A_298 = vector.broadcast %eq3A_297 : i32 to vector<16xi32>
        %eq3A_299 = arith.cmpi eq, %iota3A_296, %eq3A_298 : vector<16xi32>
        %jit3A_300 = arith.constant 1.000000e+00 : f32
        %jit3A_301 = arith.constant 0.000000e+00 : f32
        %broadcast_in_dim3A_302 = vector.broadcast %jit3A_300 : f32 to vector<16xf32>
        %broadcast_in_dim3A_303 = vector.broadcast %jit3A_301 : f32 to vector<16xf32>
        %select_n3A_304 = arith.select %eq3A_299, %broadcast_in_dim3A_302, %broadcast_in_dim3A_303 : vector<16xi1>, vector<16xf32>
        %mul3A_305 = arith.mulf %mul3A_295, %select_n3A_304 : vector<16xf32>
        %add3A_306 = arith.addf %add3A_282, %mul3A_305 : vector<16xf32>
        %mul3A_307 = arith.constant 16 : i32
        %mul3A_308 = arith.muli %scan3A_43, %mul3A_307 : i32
        %add3A_309 = arith.constant 11 : i32
        %add3A_310 = arith.addi %mul3A_308, %add3A_309 : i32
        %get3A_311 = arith.index_cast %add3A_310 : i32 to index
        %get3A_312 = arith.constant 0 : index
        %get3A_313 = tpu.vector_load %arg8[%get3A_311, %get3A_312] {strides = array<i32>} : memref<128x16xf32, #tpu.memory_space<vmem>>, vector<1x16xf32>,
        %get3A_314 = vector.shape_cast %get3A_313 : vector<1x16xf32> to vector<16xf32>
        %get3A_315 = arith.index_cast %add3A_310 : i32 to index
        %get3A_316 = arith.constant 0 : index
        %get3A_317 = tpu.vector_load %arg9[%get3A_315, %get3A_316] {strides = array<i32>} : memref<128x16xf32, #tpu.memory_space<vmem>>, vector<1x16xf32>,
        %get3A_318 = vector.shape_cast %get3A_317 : vector<1x16xf32> to vector<16xf32>
        %mul3A_319 = arith.mulf %get3A_314, %get3A_318 : vector<16xf32>
        %iota3A_320 = tpu.iota {dimensions = array<i32: 0>} : vector<16xi32>
        %eq3A_321 = arith.constant 11 : i32
        %eq3A_322 = vector.broadcast %eq3A_321 : i32 to vector<16xi32>
        %eq3A_323 = arith.cmpi eq, %iota3A_320, %eq3A_322 : vector<16xi32>
        %jit3A_324 = arith.constant 1.000000e+00 : f32
        %jit3A_325 = arith.constant 0.000000e+00 : f32
        %broadcast_in_dim3A_326 = vector.broadcast %jit3A_324 : f32 to vector<16xf32>
        %broadcast_in_dim3A_327 = vector.broadcast %jit3A_325 : f32 to vector<16xf32>
        %select_n3A_328 = arith.select %eq3A_323, %broadcast_in_dim3A_326, %broadcast_in_dim3A_327 : vector<16xi1>, vector<16xf32>
        %mul3A_329 = arith.mulf %mul3A_319, %select_n3A_328 : vector<16xf32>
        %add3A_330 = arith.addf %add3A_306, %mul3A_329 : vector<16xf32>
        %mul3A_331 = arith.constant 16 : i32
        %mul3A_332 = arith.muli %scan3A_43, %mul3A_331 : i32
        %add3A_333 = arith.constant 12 : i32
        %add3A_334 = arith.addi %mul3A_332, %add3A_333 : i32
        %get3A_335 = arith.index_cast %add3A_334 : i32 to index
        %get3A_336 = arith.constant 0 : index
        %get3A_337 = tpu.vector_load %arg8[%get3A_335, %get3A_336] {strides = array<i32>} : memref<128x16xf32, #tpu.memory_space<vmem>>, vector<1x16xf32>,
        %get3A_338 = vector.shape_cast %get3A_337 : vector<1x16xf32> to vector<16xf32>
        %get3A_339 = arith.index_cast %add3A_334 : i32 to index
        %get3A_340 = arith.constant 0 : index
        %get3A_341 = tpu.vector_load %arg9[%get3A_339, %get3A_340] {strides = array<i32>} : memref<128x16xf32, #tpu.memory_space<vmem>>, vector<1x16xf32>,
        %get3A_342 = vector.shape_cast %get3A_341 : vector<1x16xf32> to vector<16xf32>
        %mul3A_343 = arith.mulf %get3A_338, %get3A_342 : vector<16xf32>
        %iota3A_344 = tpu.iota {dimensions = array<i32: 0>} : vector<16xi32>
        %eq3A_345 = arith.constant 12 : i32
        %eq3A_346 = vector.broadcast %eq3A_345 : i32 to vector<16xi32>
        %eq3A_347 = arith.cmpi eq, %iota3A_344, %eq3A_346 : vector<16xi32>
        %jit3A_348 = arith.constant 1.000000e+00 : f32
        %jit3A_349 = arith.constant 0.000000e+00 : f32
        %broadcast_in_dim3A_350 = vector.broadcast %jit3A_348 : f32 to vector<16xf32>
        %broadcast_in_dim3A_351 = vector.broadcast %jit3A_349 : f32 to vector<16xf32>
        %select_n3A_352 = arith.select %eq3A_347, %broadcast_in_dim3A_350, %broadcast_in_dim3A_351 : vector<16xi1>, vector<16xf32>
        %mul3A_353 = arith.mulf %mul3A_343, %select_n3A_352 : vector<16xf32>
        %add3A_354 = arith.addf %add3A_330, %mul3A_353 : vector<16xf32>
        %mul3A_355 = arith.constant 16 : i32
        %mul3A_356 = arith.muli %scan3A_43, %mul3A_355 : i32
        %add3A_357 = arith.constant 13 : i32
        %add3A_358 = arith.addi %mul3A_356, %add3A_357 : i32
        %get3A_359 = arith.index_cast %add3A_358 : i32 to index
        %get3A_360 = arith.constant 0 : index
        %get3A_361 = tpu.vector_load %arg8[%get3A_359, %get3A_360] {strides = array<i32>} : memref<128x16xf32, #tpu.memory_space<vmem>>, vector<1x16xf32>,
        %get3A_362 = vector.shape_cast %get3A_361 : vector<1x16xf32> to vector<16xf32>
        %get3A_363 = arith.index_cast %add3A_358 : i32 to index
        %get3A_364 = arith.constant 0 : index
        %get3A_365 = tpu.vector_load %arg9[%get3A_363, %get3A_364] {strides = array<i32>} : memref<128x16xf32, #tpu.memory_space<vmem>>, vector<1x16xf32>,
        %get3A_366 = vector.shape_cast %get3A_365 : vector<1x16xf32> to vector<16xf32>
        %mul3A_367 = arith.mulf %get3A_362, %get3A_366 : vector<16xf32>
        %iota3A_368 = tpu.iota {dimensions = array<i32: 0>} : vector<16xi32>
        %eq3A_369 = arith.constant 13 : i32
        %eq3A_370 = vector.broadcast %eq3A_369 : i32 to vector<16xi32>
        %eq3A_371 = arith.cmpi eq, %iota3A_368, %eq3A_370 : vector<16xi32>
        %jit3A_372 = arith.constant 1.000000e+00 : f32
        %jit3A_373 = arith.constant 0.000000e+00 : f32
        %broadcast_in_dim3A_374 = vector.broadcast %jit3A_372 : f32 to vector<16xf32>
        %broadcast_in_dim3A_375 = vector.broadcast %jit3A_373 : f32 to vector<16xf32>
        %select_n3A_376 = arith.select %eq3A_371, %broadcast_in_dim3A_374, %broadcast_in_dim3A_375 : vector<16xi1>, vector<16xf32>
        %mul3A_377 = arith.mulf %mul3A_367, %select_n3A_376 : vector<16xf32>
        %add3A_378 = arith.addf %add3A_354, %mul3A_377 : vector<16xf32>
        %mul3A_379 = arith.constant 16 : i32
        %mul3A_380 = arith.muli %scan3A_43, %mul3A_379 : i32
        %add3A_381 = arith.constant 14 : i32
        %add3A_382 = arith.addi %mul3A_380, %add3A_381 : i32
        %get3A_383 = arith.index_cast %add3A_382 : i32 to index
        %get3A_384 = arith.constant 0 : index
        %get3A_385 = tpu.vector_load %arg8[%get3A_383, %get3A_384] {strides = array<i32>} : memref<128x16xf32, #tpu.memory_space<vmem>>, vector<1x16xf32>,
        %get3A_386 = vector.shape_cast %get3A_385 : vector<1x16xf32> to vector<16xf32>
        %get3A_387 = arith.index_cast %add3A_382 : i32 to index
        %get3A_388 = arith.constant 0 : index
        %get3A_389 = tpu.vector_load %arg9[%get3A_387, %get3A_388] {strides = array<i32>} : memref<128x16xf32, #tpu.memory_space<vmem>>, vector<1x16xf32>,
        %get3A_390 = vector.shape_cast %get3A_389 : vector<1x16xf32> to vector<16xf32>
        %mul3A_391 = arith.mulf %get3A_386, %get3A_390 : vector<16xf32>
        %iota3A_392 = tpu.iota {dimensions = array<i32: 0>} : vector<16xi32>
        %eq3A_393 = arith.constant 14 : i32
        %eq3A_394 = vector.broadcast %eq3A_393 : i32 to vector<16xi32>
        %eq3A_395 = arith.cmpi eq, %iota3A_392, %eq3A_394 : vector<16xi32>
        %jit3A_396 = arith.constant 1.000000e+00 : f32
        %jit3A_397 = arith.constant 0.000000e+00 : f32
        %broadcast_in_dim3A_398 = vector.broadcast %jit3A_396 : f32 to vector<16xf32>
        %broadcast_in_dim3A_399 = vector.broadcast %jit3A_397 : f32 to vector<16xf32>
        %select_n3A_400 = arith.select %eq3A_395, %broadcast_in_dim3A_398, %broadcast_in_dim3A_399 : vector<16xi1>, vector<16xf32>
        %mul3A_401 = arith.mulf %mul3A_391, %select_n3A_400 : vector<16xf32>
        %add3A_402 = arith.addf %add3A_378, %mul3A_401 : vector<16xf32>
        %mul3A_403 = arith.constant 16 : i32
        %mul3A_404 = arith.muli %scan3A_43, %mul3A_403 : i32
        %add3A_405 = arith.constant 15 : i32
        %add3A_406 = arith.addi %mul3A_404, %add3A_405 : i32
        %get3A_407 = arith.index_cast %add3A_406 : i32 to index
        %get3A_408 = arith.constant 0 : index
        %get3A_409 = tpu.vector_load %arg8[%get3A_407, %get3A_408] {strides = array<i32>} : memref<128x16xf32, #tpu.memory_space<vmem>>, vector<1x16xf32>,
        %get3A_410 = vector.shape_cast %get3A_409 : vector<1x16xf32> to vector<16xf32>
        %get3A_411 = arith.index_cast %add3A_406 : i32 to index
        %get3A_412 = arith.constant 0 : index
        %get3A_413 = tpu.vector_load %arg9[%get3A_411, %get3A_412] {strides = array<i32>} : memref<128x16xf32, #tpu.memory_space<vmem>>, vector<1x16xf32>,
        %get3A_414 = vector.shape_cast %get3A_413 : vector<1x16xf32> to vector<16xf32>
        %mul3A_415 = arith.mulf %get3A_410, %get3A_414 : vector<16xf32>
        %iota3A_416 = tpu.iota {dimensions = array<i32: 0>} : vector<16xi32>
        %eq3A_417 = arith.constant 15 : i32
        %eq3A_418 = vector.broadcast %eq3A_417 : i32 to vector<16xi32>
        %eq3A_419 = arith.cmpi eq, %iota3A_416, %eq3A_418 : vector<16xi32>
        %jit3A_420 = arith.constant 1.000000e+00 : f32
        %jit3A_421 = arith.constant 0.000000e+00 : f32
        %broadcast_in_dim3A_422 = vector.broadcast %jit3A_420 : f32 to vector<16xf32>
        %broadcast_in_dim3A_423 = vector.broadcast %jit3A_421 : f32 to vector<16xf32>
        %select_n3A_424 = arith.select %eq3A_419, %broadcast_in_dim3A_422, %broadcast_in_dim3A_423 : vector<16xi1>, vector<16xf32>
        %mul3A_425 = arith.mulf %mul3A_415, %select_n3A_424 : vector<16xf32>
        %add3A_426 = arith.addf %add3A_402, %mul3A_425 : vector<16xf32>
        %get3A_427 = arith.index_cast %mul3A_46 : i32 to index
        %get3A_428 = tpu.vector_load %arg7[%get3A_427] {strides = array<i32>} : memref<128xf32, #tpu.memory_space<vmem>>, vector<16xf32>,
        %get3A_429 = vector.shape_cast %get3A_428 : vector<16xf32> to vector<16xf32>
        %mul3A_430 = arith.mulf %add3A_426, %get3A_429 : vector<16xf32>
        %swap3A = arith.index_cast %mul3A_46 : i32 to index
        %swap3A_431 = tpu.vector_load %arg10[%swap3A] {strides = array<i32>} : memref<128xf32, #tpu.memory_space<vmem>>, vector<16xf32>,
        %swap3A_432 = vector.shape_cast %swap3A_431 : vector<16xf32> to vector<16xf32>
        %swap3A_433 = vector.shape_cast %mul3A_430 : vector<16xf32> to vector<16xf32>
        tpu.vector_store %arg10[%swap3A], %swap3A_433 {strides = array<i32>} : memref<128xf32, #tpu.memory_space<vmem>>, vector<16xf32>,
        %scan3A_434 = arith.constant 0 : i32
        scf.yield %scan3A_434 : i32
      }
      %scan3A_41 = arith.constant 8 : i32
      "tpu.region"() ({
        %run_scoped3A = tpu.sem_alloc : memref<!tpu.dma_semaphore, #tpu.memory_space<semaphore_mem>>
        %dma_start3A_43 = arith.constant 0 : i32
        %dma_start3A_44 = tpu.memref_slice %arg5[%add3A, %scan3A_7, %dma_start3A_43] : memref<32x81x128xf32, #tpu.memory_space<hbm>> -> memref<1x1x128xf32, #tpu.memory_space<hbm>>
        %dma_start3A_45 = tpu.memref_squeeze %dma_start3A_44 : memref<1x1x128xf32, #tpu.memory_space<hbm>> -> memref<128xf32, #tpu.memory_space<hbm>>
        %dma_start3A_46 = arith.constant 0 : i32
        %dma_start3A_47 = tpu.memref_slice %arg5[%add3A, %scan3A_7, %dma_start3A_46] : memref<32x81x128xf32, #tpu.memory_space<hbm>> -> memref<1x1x128xf32, #tpu.memory_space<hbm>>
        %dma_start3A_48 = tpu.memref_squeeze %dma_start3A_47 : memref<1x1x128xf32, #tpu.memory_space<hbm>> -> memref<128xf32, #tpu.memory_space<hbm>>
        tpu.enqueue_dma source(%arg10 : memref<128xf32, #tpu.memory_space<vmem>>) target(%dma_start3A_48 : memref<128xf32, #tpu.memory_space<hbm>>) target_semaphore(%run_scoped3A : memref<!tpu.dma_semaphore, #tpu.memory_space<semaphore_mem>>)
        %dma_wait3A_49 = arith.constant 0 : i32
        %dma_wait3A_50 = tpu.memref_slice %arg5[%add3A, %scan3A_7, %dma_wait3A_49] : memref<32x81x128xf32, #tpu.memory_space<hbm>> -> memref<1x1x128xf32, #tpu.memory_space<hbm>>
        %dma_wait3A_51 = tpu.memref_squeeze %dma_wait3A_50 : memref<1x1x128xf32, #tpu.memory_space<hbm>> -> memref<128xf32, #tpu.memory_space<hbm>>
        %dma_wait3A_52 = arith.constant 0 : i32
        %dma_wait3A_53 = tpu.memref_slice %arg5[%add3A, %scan3A_7, %dma_wait3A_52] : memref<32x81x128xf32, #tpu.memory_space<hbm>> -> memref<1x1x128xf32, #tpu.memory_space<hbm>>
        %dma_wait3A_54 = tpu.memref_squeeze %dma_wait3A_53 : memref<1x1x128xf32, #tpu.memory_space<hbm>> -> memref<128xf32, #tpu.memory_space<hbm>>
        tpu.wait_dma2 semaphore(%run_scoped3A : memref<!tpu.dma_semaphore, #tpu.memory_space<semaphore_mem>>) src(%arg10 : memref<128xf32, #tpu.memory_space<vmem>>) dst(%dma_wait3A_54 : memref<128xf32, #tpu.memory_space<hbm>>)
        tpu.yield
      }) : () -> ()
      %scan3A_42 = arith.constant 0 : i32
      scf.yield %scan3A_42 : i32
    }
    %scan3A_6 = arith.constant 81 : i32
    return
  }
}

module attributes {stable_mosaic.version = 14 : i64} {
  func.func @_combine_body(%arg0: i32, %arg1: memref<1024x128xf32, #tpu.memory_space<vmem>>, %arg2: memref<1024x128xf32, #tpu.memory_space<vmem>>, %arg3: memref<1024x128xf32, #tpu.memory_space<vmem>>, %arg4: memref<1024x128xf32, #tpu.memory_space<vmem>>, %arg5: memref<1024x128xf32, #tpu.memory_space<vmem>>) attributes {dimension_semantics = [#tpu.dimension_semantics<arbitrary>], iteration_bounds = array<i64: 10>, scalar_prefetch = 0 : i64, scratch_operands = 0 : i64, tpu.core_type = #tpu.core_type<tc>, window_params = [{transform_indices = @transform_0, window_bounds = array<i64: 1024, 128>}, {transform_indices = @transform_1, window_bounds = array<i64: 1024, 128>}, {transform_indices = @transform_2, window_bounds = array<i64: 1024, 128>}, {transform_indices = @transform_3, window_bounds = array<i64: 1024, 128>}, {transform_indices = @transform_4, window_bounds = array<i64: 1024, 128>}]} {
    %get3A = arith.constant 0 : index
    %get3A_0 = arith.constant 0 : index
    %get3A_1 = vector.load %arg1[%get3A, %get3A_0] : memref<1024x128xf32, #tpu.memory_space<vmem>>, vector<1024x128xf32>
    %get3A_2 = arith.constant 0 : index
    %get3A_3 = arith.constant 0 : index
    %get3A_4 = vector.load %arg2[%get3A_2, %get3A_3] : memref<1024x128xf32, #tpu.memory_space<vmem>>, vector<1024x128xf32>
    %add3A = arith.addf %get3A_1, %get3A_4 : vector<1024x128xf32>
    %swap3A = arith.constant 0 : index
    %swap3A_5 = arith.constant 0 : index
    %swap3A_6 = vector.load %arg4[%swap3A, %swap3A_5] : memref<1024x128xf32, #tpu.memory_space<vmem>>, vector<1024x128xf32>
    tpu.vector_store %arg4[%swap3A, %swap3A_5], %add3A {strides = array<i32>} : memref<1024x128xf32, #tpu.memory_space<vmem>>, vector<1024x128xf32>,
    %get3A_7 = arith.constant 0 : index
    %get3A_8 = arith.constant 0 : index
    %get3A_9 = vector.load %arg3[%get3A_7, %get3A_8] : memref<1024x128xf32, #tpu.memory_space<vmem>>, vector<1024x128xf32>
    %add3A_10 = arith.addf %get3A_9, %add3A : vector<1024x128xf32>
    %swap3A_11 = arith.constant 0 : index
    %swap3A_12 = arith.constant 0 : index
    %swap3A_13 = vector.load %arg5[%swap3A_11, %swap3A_12] : memref<1024x128xf32, #tpu.memory_space<vmem>>, vector<1024x128xf32>
    tpu.vector_store %arg5[%swap3A_11, %swap3A_12], %add3A_10 {strides = array<i32>} : memref<1024x128xf32, #tpu.memory_space<vmem>>, vector<1024x128xf32>,
    return
  }
  func.func @transform_0(%arg0: i32) -> (i32, i32) {
    %c0_i32 = arith.constant 0 : i32
    %c0_i32_0 = arith.constant 0 : i32
    return %arg0, %c0_i32 : i32, i32
  }
  func.func @transform_1(%arg0: i32) -> (i32, i32) {
    %c0_i32 = arith.constant 0 : i32
    %c0_i32_0 = arith.constant 0 : i32
    return %arg0, %c0_i32 : i32, i32
  }
  func.func @transform_2(%arg0: i32) -> (i32, i32) {
    %c0_i32 = arith.constant 0 : i32
    %c0_i32_0 = arith.constant 0 : i32
    return %arg0, %c0_i32 : i32, i32
  }
  func.func @transform_3(%arg0: i32) -> (i32, i32) {
    %c0_i32 = arith.constant 0 : i32
    %c0_i32_0 = arith.constant 0 : i32
    return %arg0, %c0_i32 : i32, i32
  }
  func.func @transform_4(%arg0: i32) -> (i32, i32) {
    %c0_i32 = arith.constant 0 : i32
    %c0_i32_0 = arith.constant 0 : i32
    return %arg0, %c0_i32 : i32, i32
  }
}

module attributes {stable_mosaic.version = 14 : i64} {
  func.func @_final_body(%arg0: i32, %arg1: memref<2000x128xf32, #tpu.memory_space<vmem>>, %arg2: memref<2000x128xf32, #tpu.memory_space<vmem>>, %arg3: memref<128x128xf32, #tpu.memory_space<vmem>>, %arg4: memref<1x128xf32, #tpu.memory_space<vmem>>, %arg5: memref<2000x128xf32, #tpu.memory_space<vmem>>) attributes {dimension_semantics = [#tpu.dimension_semantics<arbitrary>], iteration_bounds = array<i64: 5>, scalar_prefetch = 0 : i64, scratch_operands = 0 : i64, tpu.core_type = #tpu.core_type<tc>, window_params = [{transform_indices = @transform_0, window_bounds = array<i64: 2000, 128>}, {transform_indices = @transform_1, window_bounds = array<i64: 2000, 128>}, {pipeline_mode = #tpu.pipeline_mode<synchronous>, transform_indices = @transform_2, window_bounds = array<i64: 128, 128>}, {pipeline_mode = #tpu.pipeline_mode<synchronous>, transform_indices = @transform_3, window_bounds = array<i64: 1, 128>}, {transform_indices = @transform_4, window_bounds = array<i64: 2000, 128>}]} {
    %get3A = arith.constant 0 : index
    %get3A_0 = arith.constant 0 : index
    %get3A_1 = vector.load %arg1[%get3A, %get3A_0] : memref<2000x128xf32, #tpu.memory_space<vmem>>, vector<2000x128xf32>
    %mul3A = arith.constant 5.000000e-02 : f32
    %mul3A_2 = vector.broadcast %mul3A : f32 to vector<2000x128xf32>
    %mul3A_3 = arith.mulf %mul3A_2, %get3A_1 : vector<2000x128xf32>
    %get3A_4 = arith.constant 0 : index
    %get3A_5 = arith.constant 0 : index
    %get3A_6 = vector.load %arg2[%get3A_4, %get3A_5] : memref<2000x128xf32, #tpu.memory_space<vmem>>, vector<2000x128xf32>
    %mul3A_7 = arith.constant 5.937500e-02 : f32
    %mul3A_8 = vector.broadcast %mul3A_7 : f32 to vector<2000x128xf32>
    %mul3A_9 = arith.mulf %mul3A_8, %get3A_6 : vector<2000x128xf32>
    %add3A = arith.addf %mul3A_3, %mul3A_9 : vector<2000x128xf32>
    %get3A_10 = arith.constant 0 : index
    %get3A_11 = arith.constant 0 : index
    %get3A_12 = vector.load %arg3[%get3A_10, %get3A_11] : memref<128x128xf32, #tpu.memory_space<vmem>>, vector<128x128xf32>
    %dot_general3A = arith.constant dense<0.000000e+00> : vector<2000x128xf32>
    %dot_general3A_13 = tpu.matmul %add3A, %get3A_12, %dot_general3A {dimension_numbers = #tpu.dot_dimension_numbers<[1], [0], [0], [1], [0, 0, 1, 1], [], []>, transpose_lhs_hint = false} : vector<2000x128xf32>, vector<128x128xf32>, vector<2000x128xf32> -> vector<2000x128xf32>
    %get3A_14 = arith.constant 0 : index
    %get3A_15 = arith.constant 0 : index
    %get3A_16 = vector.load %arg4[%get3A_14, %get3A_15] : memref<1x128xf32, #tpu.memory_space<vmem>>, vector<1x128xf32>
    %add3A_17 = vector.broadcast %get3A_16 : vector<1x128xf32> to vector<2000x128xf32>
    %add3A_18 = arith.addf %dot_general3A_13, %add3A_17 : vector<2000x128xf32>
    %swap3A = arith.constant 0 : index
    %swap3A_19 = arith.constant 0 : index
    %swap3A_20 = vector.load %arg5[%swap3A, %swap3A_19] : memref<2000x128xf32, #tpu.memory_space<vmem>>, vector<2000x128xf32>
    tpu.vector_store %arg5[%swap3A, %swap3A_19], %add3A_18 {strides = array<i32>} : memref<2000x128xf32, #tpu.memory_space<vmem>>, vector<2000x128xf32>,
    return
  }
  func.func @transform_0(%arg0: i32) -> (i32, i32) {
    %c0_i32 = arith.constant 0 : i32
    %c0_i32_0 = arith.constant 0 : i32
    return %arg0, %c0_i32 : i32, i32
  }
  func.func @transform_1(%arg0: i32) -> (i32, i32) {
    %c0_i32 = arith.constant 0 : i32
    %c0_i32_0 = arith.constant 0 : i32
    return %arg0, %c0_i32 : i32, i32
  }
  func.func @transform_2(%arg0: i32) -> (i32, i32) {
    %c0_i32 = arith.constant 0 : i32
    %c0_i32_0 = arith.constant 0 : i32
    %c0_i32_1 = arith.constant 0 : i32
    return %c0_i32, %c0_i32_0 : i32, i32
  }
  func.func @transform_3(%arg0: i32) -> (i32, i32) {
    %c0_i32 = arith.constant 0 : i32
    %c0_i32_0 = arith.constant 0 : i32
    %c0_i32_1 = arith.constant 0 : i32
    return %c0_i32, %c0_i32_0 : i32, i32
  }
  func.func @transform_4(%arg0: i32) -> (i32, i32) {
    %c0_i32 = arith.constant 0 : i32
    %c0_i32_0 = arith.constant 0 : i32
    return %arg0, %c0_i32 : i32, i32
  }
}

</mosaic_0001>

<sc_bundles>
// kernel: closed_call.13.cloned.1.call-start
scs
__scs_entry_jumppad:
0x0: {  	(pc) =	sbr.rel $0x88, $3  }
0x1: {  	(tag) =	ssettag $0x0;
	lr =	simm.s32 $0x1  }
0x2: {  	[smem:$0x3F9C] =	sst lr;
	_ =	strace $0xD0000000  }
0x3: {  	_ = 	snop  }
0x4: {  	_ = 	snop  }
0x5: {  	_ = 	snop  }
0x6: {  	_ = 	snop  }
0x7: {  	_ = 	snop  }
__scs_overlays_trampoline_lowered:
0x8: {  	[smem:$0x3FAB] =	sst s0  }
0x9: {  	[smem:$0x3FAC] =	sst s1  }
0xa: {  	[smem:$0x3FAD] =	sst s2  }
0xb: {  	[smem:$0x3FAE] =	sst s3  }
0xc: {  	[smem:$0x3FAF] =	sst s4  }
0xd: {  	[smem:$0x3FB0] =	sst s5  }
0xe: {  	[smem:$0x3FB1] =	sst s6  }
0xf: {  	[smem:$0x3FB2] =	sst s7  }
0x10: {  	[smem:$0x3FB3] =	sst s8  }
0x11: {  	[smem:$0x3FB4] =	sst s9;
	s0 =	simm.s32 @!p0 $0x0  }
0x12: {  	s1 =	sld [smem:$0x3F9A];
	s0 =	simm.s32 @p0 $0x1  }
0x13: {  	[smem:$0x3FB5] =	sst s0;
	s0 =	simm.s32 @!p1 $0x0  }
0x14: {  	s2 =	sld [smem:$0x3F99];
	s0 =	simm.s32 @p1 $0x1  }
0x15: {  	[smem:$0x3FB6] =	sst s0;
	s0 =	simm.s32 @!p2 $0x0  }
0x16: {  	s3 =	sld [smem:$0x3FDB];
	s0 =	simm.s32 @p2 $0x1  }
0x17: {  	s4 =	simm.s32 $0x1BF5;
	[smem:$0x3FB8] =	sst s0  }
0x18: {  	s0 =	sld [smem:$0x3F9B];
	_ =	swait.ge [sflag:s4], $0x0  }
0x19: {  	s7 =	sld [smem:$0x3F9C]  }
0x1a: {  	s8 =	sadd.s32 $0xFFFFE003, lr  }
0x1b: {  	s9 =	sadd.s32 $0xFFFFFEF7, lr;
	s5 =	simm.s32 $0xFFFFFFFF;
	p2 =	slt.u32 s8, $0xFFFFF086  }
0x1c: {  	p1 =	slt.u32 s9, $0xF7A;
	s5 =	simm.s32 @!p2 $0x0  }
0x1d: {  	s5 =	simm.s32 @p1 $0x1;
	p0 =	seq.s32 s7, s2  }
0x1e: {  	s7 =	smul.u32 @!p0 $0xF7A, s2;
	p2 =	seq.s32 @!p0 s5, $0x0  }
0x1f: {  	s9 =	smul.u32 $0xF7A, s1;
	s8 =	simm.s32 @!p0 $0x1BF5;
	p2 =	por !p2, p0  }
0x20: {  	[sflag:s8] =	ssyncset.s32 @!p0 $0xFFFFF086;
	s6 =	sadd.s32 @!p0 s3, s7;
	s7 =	simm.s32 @!p0 $0x108  }
0x21: {  	s3 =	sadd.s32 s3, s9;
	s6 =	sadd.s32 @!p0 $0x88, s6;
	s7 =	simm.s32 @p2 $0x1082  }
0x22: {  	[simem:s7], [sflag:s8] =	dma.local @!p0 [hbm:s6], $0xF7A  }
0x23: {  	s9 =	sor.u32 $0xD0000000, s2;
	s6 =	simm.s32 $0x108;
	_ =	swait.ge @!p0 [sflag:s8], $0x0  }
0x24: {  	s3 =	sadd.s32 $0x88, s3;
	s6 =	simm.s32 @!p1 $0x1082;
	[sflag:s4] =	ssyncset.s32 $0xFFFFF086  }
0x25: {  	[simem:s6], [sflag:s4] =	dma.local [hbm:s3], $0xF7A  }
0x26: {  	[smem:$0x3F9C] =	sst s1;
	(tag) =	ssettag s2;
	_ =	strace s9  }
0x27: {  	s1 =	sld [smem:$0x3FAC]  }
0x28: {  	s2 =	sld [smem:$0x3FAD]  }
0x29: {  	s4 =	sld [smem:$0x3FAF]  }
0x2a: {  	p0 =	seq.s32 s5, $0x0;
	s5 =	sld [smem:$0x3FB0]  }
0x2b: {  	s6 =	sld [smem:$0x3FB1]  }
0x2c: {  	s7 =	sld [smem:$0x3FB2]  }
0x2d: {  	s3 =	simm.s32 $0x108;
	s8 =	sld [smem:$0x3FB3]  }
0x2e: {  	s3 =	simm.s32 @!p0 $0x1082;
	s9 =	sld [smem:$0x3FB4]  }
0x2f: {  	lr =	sadd.s32 s0, s3;
	s0 =	sld [smem:$0x3FAB]  }
0x30: {  	s3 =	sld [smem:$0x3FAE]  }
0x31: {  	[smem:$0x3FB7] =	sst s10  }
0x32: {  	s10 =	sld [smem:$0x3FB5];
	_ =	sdelay $0x3  }
0x33: {  	p0 =	seq.s32 s10, $0x1;
	s10 =	sld [smem:$0x3FB7];
	_ =	sdelay $0x3  }
0x34: {  	[smem:$0x3FB7] =	sst s10  }
0x35: {  	s10 =	sld [smem:$0x3FB6];
	_ =	sdelay $0x3  }
0x36: {  	p1 =	seq.s32 s10, $0x1;
	s10 =	sld [smem:$0x3FB7];
	_ =	sdelay $0x3  }
0x37: {  	[smem:$0x3FB7] =	sst s10  }
0x38: {  	s10 =	sld [smem:$0x3FB8]  }
0x39: {  	_ = 	snop;
	(pc) =	sbr.ind lr, $3  }
0x3a: {  	_ = 	snop  }
0x3b: {  	_ = 	snop  }
0x3c: {  	p2 =	seq.s32 s10, $0x1;
	s10 =	sld [smem:$0x3FB7]  }
0x3d: {  	_ =	shalt  }
0x3e: {  	_ =	shalt  }
0x3f: {  	_ =	shalt  }
0x40: {  	_ =	shalt  }
0x41: {  	_ =	shalt  }
0x42: {  	_ =	shalt  }
0x43: {  	_ =	shalt  }
0x44: {  	_ =	shalt  }
0x45: {  	_ =	shalt  }
0x46: {  	_ =	shalt  }
0x47: {  	_ =	shalt  }
0x48: {  	_ =	shalt  }
0x49: {  	_ =	shalt  }
0x4a: {  	_ =	shalt  }
0x4b: {  	_ =	shalt  }
0x4c: {  	_ =	shalt  }
0x4d: {  	_ =	shalt  }
0x4e: {  	_ =	shalt  }
0x4f: {  	_ =	shalt  }
0x50: {  	_ =	shalt  }
0x51: {  	_ =	shalt  }
0x52: {  	_ =	shalt  }
0x53: {  	_ =	shalt  }
0x54: {  	_ =	shalt  }
0x55: {  	_ =	shalt  }
0x56: {  	_ =	shalt  }
0x57: {  	_ =	shalt  }
0x58: {  	_ =	shalt  }
0x59: {  	_ =	shalt  }
0x5a: {  	_ =	shalt  }
0x5b: {  	_ =	shalt  }
0x5c: {  	_ =	shalt  }
0x5d: {  	_ =	shalt  }
0x5e: {  	_ =	shalt  }
0x5f: {  	_ =	shalt  }
0x60: {  	_ =	shalt  }
0x61: {  	_ =	shalt  }
0x62: {  	_ =	shalt  }
0x63: {  	_ =	shalt  }
0x64: {  	_ =	shalt  }
0x65: {  	_ =	shalt  }
0x66: {  	_ =	shalt  }
0x67: {  	_ =	shalt  }
0x68: {  	_ =	shalt  }
0x69: {  	_ =	shalt  }
0x6a: {  	_ =	shalt  }
0x6b: {  	_ =	shalt  }
0x6c: {  	_ =	shalt  }
0x6d: {  	_ =	shalt  }
0x6e: {  	_ =	shalt  }
0x6f: {  	_ =	shalt  }
0x70: {  	_ =	shalt  }
0x71: {  	_ =	shalt  }
0x72: {  	_ =	shalt  }
0x73: {  	_ =	shalt  }
0x74: {  	_ =	shalt  }
0x75: {  	_ =	shalt  }
0x76: {  	_ =	shalt  }
0x77: {  	_ =	shalt  }
0x78: {  	_ =	shalt  }
0x79: {  	_ =	shalt  }
0x7a: {  	_ =	shalt  }
0x7b: {  	_ =	shalt  }
0x7c: {  	_ =	shalt  }
0x7d: {  	_ =	shalt  }
0x7e: {  	_ =	shalt  }
0x7f: {  	_ =	shalt  }
0x80: {  	_ =	shalt  }
0x81: {  	_ =	shalt  }
0x82: {  	_ =	shalt  }
0x83: {  	_ =	shalt  }
0x84: {  	_ =	shalt  }
0x85: {  	_ =	shalt  }
0x86: {  	_ =	shalt  }
0x87: {  	_ =	shalt  }
.Lfunc_end0:
.L_simem_size_0:
called_computation.1_lowered:
.L_overlay_start_0:
0x88: {  	s2 =	sld [smem:$0x3FD9]  }
0x89: {  	s3 =	sld [smem:$0x3FFE];
	_ =	sdelay $0x1  }
0x8a: {  	s1 =	srdreg.scid  }
0x8b: {  	s0 =	sand.u32 $0x1, s1  }
0x8c: {  	s17 =	sshll.u32 s0, $0xA;
	s2 =	sadd.s32 s3, s2  }
0x8d: {  	s2 =	sadd.s32 s2, s17  }
0x8e: {  	[smem:$0x3FC3] =	sst s2  }
0x8f: {  	_ = 	snop  }
0x90: {  	s2 =	sld [smem:$0x3FD0];
	(tm) =	ssettm $0x1  }
0x91: {  	s18 =	sld [smem:$0x3FFB];
	_ =	sdelay $0x3  }
0x92: {  	_ =	strace s18  }
0x93: {  	s3 =	sld [smem:$0x3FFC];
	_ =	sdelay $0x3  }
0x94: {  	_ =	strace s3  }
0x95: {  	s3 =	sld [smem:$0x3FFD];
	_ =	sdelay $0x3  }
0x96: {  	_ =	strace s3  }
0x97: {  	_ =	strace $0x8FFFFFFF  }
0x98: {  	s19 =	sld [smem:$0x3FDB];
	_ =	sdelay $0x1  }
0x99: {  	s4 =	simm.s32 $_scs_section_size  }
0x9a: {  	s5 =	simm.s32 $_size__tile_overlayer_lowered;
	s6 =	simm.s32 $_tile_overlayer_lowered  }
0x9b: {  	s22 =	simm.s32 $0x1BFF;
	s21 =	sshll.u32 s6, $0x1;
	s3 =	sadd.s32 s4, s19  }
0x9c: {  	s7 =	simm.s32 $0x0;
	s20 =	sshll.u32 s5, $0x1;
	s5 =	sadd.s32 s21, s3  }
0x9d: {  	[timem:s7], [sflag:s22] =	dma.local [hbm:s5], s20  }
0x9e: {  	_ =	swait.ge [sflag:s22], s20  }
0x9f: {  	s4 =	ssub.s32 $0x0, s20;
	[sflag:s22] =	ssyncset.done $0x0  }
0xa0: {  	[sflag:s22] =	ssyncadd.s32 s4;
	_ =	sdelay $0x1  }
0xa1: {  	s23 =	simm.s32 $0x1B8B  }
0xa2: {  	_ =	swait.ge [sflag:s23], $0x1  }
0xa3: {  	[sflag:s23] =	ssyncset.done $0x0  }
0xa4: {  	s25 =	simm.s32 $0x1B8E;
	s24 =	sld [smem:$0x3FFE];
	[sflag:s23] =	ssyncadd.s32 $0xFFFFFFFF  }
0xa5: {  	s26 =	simm.s32 $execute0_lowered;
	[smem:$0x3FD2] =	sst s25  }
0xa6: {  	s5 =	sshll.u32 s26, $0x1;
	_ =	strace $0x8000004F;
	[dreg:$0x1] =	wrdreg $0xFFFFFFFF  }
0xa7: {  	s28 =	simm.s32 $_size_execute0_lowered;
	s3 =	sadd.s32 s3, s5;
	[dreg:$0x0] =	wrdreg $0x0  }
0xa8: {  	s5 =	sshll.u32 s28, $0x1;
	[dreg:$0x2] =	wrdreg s3  }
0xa9: {  	[dreg:$0x3] =	wrdreg s5  }
0xaa: {  	[dreg:$0x4] =	wrdreg $0xC0  }
0xab: {  	_ =	task [dreg:s7], $0x5FFFF  }
0xac: {  	[dreg:$0x1] =	wrdreg $0xFFFFFFFF  }
0xad: {  	[dreg:$0x0] =	wrdreg $0x60  }
0xae: {  	[dreg:$0x2] =	wrdreg s24  }
0xaf: {  	[dreg:$0x3] =	wrdreg s2  }
0xb0: {  	[dreg:$0x4] =	wrdreg $0x41800  }
0xb1: {  	[dreg:$0x5] =	wrdreg $0x9  }
0xb2: {  	_ =	task.clear_ibuf [dreg:s7], $0x6FFFF;
	_ =	strace $0x9000004F  }
0xb3: {  	s29 =	simm.s32 $0x9;
	_ =	strace $0x80000051  }
0xb4: {  	_ =	swait.ge [sflag:s29], $0x1  }
0xb5: {  	[sflag:s29] =	ssyncadd.s32 $0xFFFFFFFF  }
0xb6: {  	_ =	strace $0x90000051  }
0xb7: {  	_ =	sfence  }
0xb8: {  	s30 =	sld [smem:$0x0];
	_ =	sdelay $0x2  }
0xb9: {  	s31 =	sshll.u32 s1, $0xD;
	s1 =	sshrl.u32 s1, $0x2  }
0xba: {  	s3 =	sand.u32 $0x4000, s31;
	s1 =	sadd.s32 s1, s30  }
0xbb: {  	s0 =	sor.u32 s3, s0;
	s1 =	sshll.u32 s1, $0x11  }
0xbc: {  	s0 =	sor.u32 s1, s0  }
0xbd: {  	s0 =	sadd.s32 $0x8F2B, s0  }
0xbe: {  	[sflag:s0] =	ssyncadd.remote.s32 $0x1  }
0xbf: {  	_ =	sfence.sel $0xFFFF  }
0xc0: {  	[dreg:$0x0] =	wrdreg $0xFFFFFFFF;
	(pc) =	sbr.abs _section_cstart, $3  }
0xc1: {  	[dreg:$0x1] =	wrdreg $0xFFFFFFFF  }
0xc2: {  	_ =	task.clear_ibuf [dreg:s7], $0x2FFFF;
	_ =	strace $0x9FFFFFFF  }
0xc3: {  	(tm) =	ssettm $0x7FFFFFFF  }
tec
execute0_lowered:
.L_overlay_start_1:
0x0: {  	(tag) =	ssettag $0x1  }
0x1: {  	s10 =	rddreg [dreg:$0x0]  }
0x2: {  	s1 =	rddreg [dreg:$0x1]  }
0x3: {  	s2 =	rddreg [dreg:$0x2]  }
0x4: {  	s0 =	rddreg [dreg:$0x3];
	s3 =	simm.s32 $0x0  }
0x5: {  	s6 =	srdreg.scid;
	s4 =	stileid.u32;
	s17 =	simm.s32 $0x180  }
0x6: {  	s18 =	simm.s32 $0x1;
	[smem:$0x7FF] =	sst s3;
	s5 =	sadd.s32 $0x1600, s10  }
0x7: {  	s8 =	sand.u32 $0x1, s6;
	s6 =	sadd.s32 $0x29600, s10;
	s11 =	smul.u32 $0x50000, s4  }
0x8: {  	s7 =	sadd.s32 $0x34600, s10;
	s31 =	sshll.u32 s4, $0x6;
	s15 =	smul.u32 $0x2800, s4  }
0x9: {  	_ =	strace $0x80000050;
	s9 =	ssub.s32 $0x2, s8;
	s13 =	sshll.u32 s8, $0x4  }
0xa: {  	v0 =	vimm.s32 $0x0;
	p0 =	seq.s32 s8, $0x1;
	s8 =	sor.u32 $0x1C02, s31;
	s12 =	sshrl.u32 s9, $0x1  }
0xb: {  	v1 =	vimm.s32 $0x1;
	v2 =	vimm.s32 $0x2;
	v3 =	vimm.s32 $0x3;
	s13 =	sor.u32 s4, s13;
	s30 =	sshrl.u32 s11, $0x2;
	s11 =	simm.s32 $0x5EE00  }
0xc: {  	v4 =	vimm.s32 $0x4;
	v5 =	vimm.s32 $0x5;
	v6 =	vimm.s32 $0x6;
	s12 =	ssub.s32 s9, s12;
	s11 =	simm.s32 @!p0 $0x36E00;
	s9 =	smul.u32 $0x5100, s13  }
0xd: {  	v7 =	vimm.s32 $0x7;
	v8 =	vimm.s32 $0x8;
	v9 =	vimm.s32 $0x9;
	s14 =	sadd.s32 s30, s2;
	s16 =	sadd.s32 s11, s10;
	s10 =	smul.u32 $0x2C00, s13  }
0xe: {  	v10 =	vimm.s32 $0xA;
	v11 =	vimm.s32 $0xB;
	v12 =	vimm.s32 $0xC;
	s11 =	smax.u32 s12, $0x1;
	s13 =	sshrl.u32 s14, $0x3;
	s14 =	simm.s32 $0x2  }
0xf: {  	v13 =	vimm.s32 $0xD;
	v14 =	vimm.s32 $0xE;
	v15 =	vimm.s32 $0xF;
	s12 =	sadd.s32 s16, s15;
	s15 =	simm.s32 $0x100;
	s16 =	simm.s32 $0x80  }
.LBB2_1:
0x10: {  	[spmem:s13], [sflag:s8] =	dma.local [hbm:s7], $0x2800  }
0x11: {  	_ =	swait.ge [sflag:s14], $0x2800  }
0x12: {  	[sflag:s14] =	ssyncset.done $0x0  }
0x13: {  	[sflag:s14] =	ssyncadd.s32 $0xFFFFD800  }
0x14: {  	s19 =	simm.s32 $0x0;
	[bflag:$0x0] =	sbarrier.arrive $0xFFFF  }
.LBB2_2:
0x15: {  	s20 =	sshll.u32 s19, $0x8  }
0x16: {  	s20 =	sadd.s32 s9, s20  }
0x17: {  	s31 =	sshll.u32 s19, $0x7;
	s20 =	sshrl.u32 s20, $0x3  }
0x18: {  	s22 =	sand.u32 $0x3C00, s31;
	s21 =	sadd.s32 s1, s20;
	s20 =	simm.s32 $0x0  }
0x19: {  	[tilespmem:s20], [sflag:$0x2] =	stream.linear.gather [hbm4b:s21+s20], $0x100, $0x38;
	[tilespmem:$0x18180] =	vst v63  }
0x1a: {  	s22 =	sadd.s32 s10, s22;
	s21 =	sand.u32 $0x380, s31  }
0x1b: {  	_ =	swait.ge [sflag:s14], $0x100;
	s21 =	sor.u32 s21, s22  }
0x1c: {  	[sflag:s14] =	ssyncset.done $0x0;
	s21 =	sshrl.u32 s21, $0x3  }
0x1d: {  	[sflag:s14] =	ssyncadd.s32 $0xFFFFFF00;
	s21 =	sadd.s32 s6, s21  }
0x1e: {  	[tilespmem:s15], [sflag:$0x2] =	stream.linear.gather [hbm4b:s21+s20], $0x80, $0x38;
	[tilespmem:$0x18180] =	vst v63  }
0x1f: {  	_ =	swait.ge [sflag:s14], $0x80  }
0x20: {  	[sflag:s14] =	ssyncset.done $0x0  }
0x21: {  	[sflag:s14] =	ssyncadd.s32 $0xFFFFFF80  }
0x22: {  	[tilespmem:s17], [sflag:$0x1] =	stream.indirect.gather [hbm4b:s5+s16], $0x80, s20, s16, $0xb8;
	[tilespmem:$0x18180] =	vst v63  }
0x23: {  	_ =	swait.ge [sflag:s18], $0x4000  }
0x24: {  	[sflag:s18] =	ssyncset.done $0x0  }
0x25: {  	[sflag:s18] =	ssyncadd.s32 $0xFFFFC000  }
.LBB2_3:
0x26: {  	s21 =	sshll.u32 s20, $0x4  }
0x27: {  	s21 =	sand.u32 $0x3FFFFFF0, s21  }
0x28: {  	s31 =	sshll.u32 s20, $0xB;
	v16 =	vld [tilespmem:s21+$0x100]  }
0x29: {  	s21 =	sand.u32 $0x3FFFF800, s31  }
0x2a: {  	v17 =	vld [tilespmem:s21+$0x180]  }
0x2b: {  	v18 =	vld [tilespmem:s21+$0x190]  }
0x2c: {  	v19 =	vld [tilespmem:s21+$0x1A0]  }
0x2d: {  	v21 =	vld [tilespmem:s21+$0x1B0];
	v20 =	vperm.xlane v16, v0  }
0x2e: {  	v22 =	vld [tilespmem:s21+$0x1C0]  }
0x2f: {  	v23 =	vld [tilespmem:s21+$0x1D0];
	v17 =	vmul.f32 v17, v20  }
0x30: {  	v24 =	vld [tilespmem:s21+$0x1E0];
	v18 =	vmul.f32 v18, v20  }
0x31: {  	v48 =	vld [tilespmem:s21+$0x1F0];
	[tilespmem:s21+$0x180] =	vst v17;
	v17 =	vmul.f32 v19, v20  }
0x32: {  	v50 =	vld [tilespmem:s21+$0x200];
	v49 =	vmul.f32 v21, v20;
	[tilespmem:s21+$0x190] =	vst v18  }
0x33: {  	v51 =	vld [tilespmem:s21+$0x210];
	[tilespmem:s21+$0x1A0] =	vst v17;
	v17 =	vmul.f32 v22, v20  }
0x34: {  	v53 =	vld [tilespmem:s21+$0x220];
	v52 =	vmul.f32 v23, v20;
	[tilespmem:s21+$0x1B0] =	vst v49  }
0x35: {  	v25 =	vld [tilespmem:s21+$0x230];
	v54 =	vperm.xlane v16, v1;
	[tilespmem:s21+$0x1C0] =	vst v17;
	v17 =	vmul.f32 v24, v20  }
0x36: {  	v56 =	vld [tilespmem:s21+$0x240];
	v55 =	vmul.f32 v48, v20;
	[tilespmem:s21+$0x1D0] =	vst v52  }
0x37: {  	v57 =	vld [tilespmem:s21+$0x250];
	[tilespmem:s21+$0x1E0] =	vst v17;
	v17 =	vmul.f32 v50, v54  }
0x38: {  	v59 =	vld [tilespmem:s21+$0x260];
	v58 =	vmul.f32 v51, v54;
	[tilespmem:s21+$0x1F0] =	vst v55  }
0x39: {  	v60 =	vld [tilespmem:s21+$0x270];
	[tilespmem:s21+$0x200] =	vst v17;
	v17 =	vmul.f32 v53, v54  }
0x3a: {  	v62 =	vld [tilespmem:s21+$0x280];
	v61 =	vmul.f32 v25, v54;
	[tilespmem:s21+$0x210] =	vst v58  }
0x3b: {  	v63 =	vld [tilespmem:s21+$0x290];
	[tilespmem:s21+$0x220] =	vst v17;
	v17 =	vmul.f32 v56, v54  }
0x3c: {  	v29 =	vld [tilespmem:s21+$0x2A0];
	v28 =	vmul.f32 v57, v54;
	[tilespmem:s21+$0x230] =	vst v61  }
0x3d: {  	v31 =	vld [tilespmem:s21+$0x2B0];
	v30 =	vperm.xlane v16, v2;
	[tilespmem:s21+$0x240] =	vst v17;
	v17 =	vmul.f32 v59, v54  }
0x3e: {  	v33 =	vld [tilespmem:s21+$0x2C0];
	v32 =	vmul.f32 v60, v54;
	[tilespmem:s21+$0x250] =	vst v28  }
0x3f: {  	v34 =	vld [tilespmem:s21+$0x2D0];
	[tilespmem:s21+$0x260] =	vst v17;
	v17 =	vmul.f32 v62, v30  }
0x40: {  	v36 =	vld [tilespmem:s21+$0x2E0];
	v35 =	vmul.f32 v63, v30;
	[tilespmem:s21+$0x270] =	vst v32  }
0x41: {  	v37 =	vld [tilespmem:s21+$0x2F0];
	[tilespmem:s21+$0x280] =	vst v17;
	v17 =	vmul.f32 v29, v30  }
0x42: {  	v39 =	vld [tilespmem:s21+$0x300];
	v38 =	vmul.f32 v31, v30;
	[tilespmem:s21+$0x290] =	vst v35  }
0x43: {  	v40 =	vld [tilespmem:s21+$0x310];
	[tilespmem:s21+$0x2A0] =	vst v17;
	v17 =	vmul.f32 v33, v30  }
0x44: {  	v42 =	vld [tilespmem:s21+$0x320];
	v41 =	vmul.f32 v34, v30;
	[tilespmem:s21+$0x2B0] =	vst v38  }
0x45: {  	v44 =	vld [tilespmem:s21+$0x330];
	v43 =	vperm.xlane v16, v3;
	[tilespmem:s21+$0x2C0] =	vst v17;
	v17 =	vmul.f32 v36, v30  }
0x46: {  	v46 =	vld [tilespmem:s21+$0x340];
	v45 =	vmul.f32 v37, v30;
	[tilespmem:s21+$0x2D0] =	vst v41  }
0x47: {  	v50 =	vld [tilespmem:s21+$0x370];
	[tilespmem:s21+$0x2E0] =	vst v17;
	v17 =	vmul.f32 v39, v43  }
0x48: {  	v48 =	vmul.f32 v40, v43;
	[tilespmem:s21+$0x2F0] =	vst v45;
	v49 =	vld [tilespmem:s21+$0x360]  }
0x49: {  	v47 =	vld [tilespmem:s21+$0x350];
	[tilespmem:s21+$0x300] =	vst v17;
	v17 =	vmul.f32 v42, v43  }
0x4a: {  	v51 =	vmul.f32 v44, v43;
	[tilespmem:s21+$0x310] =	vst v48;
	v52 =	vld [tilespmem:s21+$0x380]  }
0x4b: {  	v57 =	vld [tilespmem:s21+$0x3B0];
	[tilespmem:s21+$0x320] =	vst v17;
	v17 =	vmul.f32 v46, v43  }
0x4c: {  	[tilespmem:s21+$0x330] =	vst v51;
	v55 =	vld [tilespmem:s21+$0x3A0];
	v58 =	vmul.f32 v50, v43  }
0x4d: {  	v60 =	vld [tilespmem:s21+$0x3D0];
	v56 =	vperm.xlane v16, v4;
	[tilespmem:s21+$0x340] =	vst v17;
	v17 =	vmul.f32 v49, v43  }
0x4e: {  	v54 =	vmul.f32 v47, v43;
	v59 =	vld [tilespmem:s21+$0x3C0];
	[tilespmem:s21+$0x370] =	vst v58  }
0x4f: {  	v63 =	vld [tilespmem:s21+$0x3F0];
	[tilespmem:s21+$0x360] =	vst v17;
	v17 =	vmul.f32 v52, v56  }
0x50: {  	v28 =	vmul.f32 v57, v56;
	[tilespmem:s21+$0x350] =	vst v54;
	v62 =	vld [tilespmem:s21+$0x3E0]  }
0x51: {  	v53 =	vld [tilespmem:s21+$0x390];
	[tilespmem:s21+$0x380] =	vst v17;
	v17 =	vmul.f32 v55, v56  }
0x52: {  	v31 =	vmul.f32 v60, v56;
	[tilespmem:s21+$0x3B0] =	vst v28;
	v29 =	vld [tilespmem:s21+$0x400]  }
0x53: {  	v34 =	vld [tilespmem:s21+$0x430];
	[tilespmem:s21+$0x3A0] =	vst v17;
	v17 =	vmul.f32 v59, v56  }
0x54: {  	v32 =	vld [tilespmem:s21+$0x420];
	v35 =	vmul.f32 v63, v56;
	[tilespmem:s21+$0x3D0] =	vst v31  }
0x55: {  	v37 =	vld [tilespmem:s21+$0x450];
	v33 =	vperm.xlane v16, v5;
	[tilespmem:s21+$0x3C0] =	vst v17;
	v17 =	vmul.f32 v62, v56  }
0x56: {  	v61 =	vmul.f32 v53, v56;
	[tilespmem:s21+$0x3F0] =	vst v35;
	v36 =	vld [tilespmem:s21+$0x440]  }
0x57: {  	v40 =	vld [tilespmem:s21+$0x470];
	[tilespmem:s21+$0x3E0] =	vst v17;
	v17 =	vmul.f32 v29, v33  }
0x58: {  	[tilespmem:s21+$0x390] =	vst v61;
	v41 =	vmul.f32 v34, v33;
	v39 =	vld [tilespmem:s21+$0x460]  }
0x59: {  	v30 =	vld [tilespmem:s21+$0x410];
	[tilespmem:s21+$0x400] =	vst v17;
	v17 =	vmul.f32 v32, v33  }
0x5a: {  	v44 =	vmul.f32 v37, v33;
	[tilespmem:s21+$0x430] =	vst v41;
	v42 =	vld [tilespmem:s21+$0x480]  }
0x5b: {  	v47 =	vld [tilespmem:s21+$0x4B0];
	[tilespmem:s21+$0x420] =	vst v17;
	v17 =	vmul.f32 v36, v33  }
0x5c: {  	v45 =	vld [tilespmem:s21+$0x4A0];
	v48 =	vmul.f32 v40, v33;
	[tilespmem:s21+$0x450] =	vst v44  }
0x5d: {  	v50 =	vld [tilespmem:s21+$0x4D0];
	v46 =	vperm.xlane v16, v6;
	[tilespmem:s21+$0x440] =	vst v17;
	v17 =	vmul.f32 v39, v33  }
0x5e: {  	[tilespmem:s21+$0x470] =	vst v48;
	v38 =	vmul.f32 v30, v33;
	v49 =	vld [tilespmem:s21+$0x4C0]  }
0x5f: {  	v53 =	vld [tilespmem:s21+$0x4F0];
	[tilespmem:s21+$0x460] =	vst v17;
	v17 =	vmul.f32 v42, v46  }
0x60: {  	[tilespmem:s21+$0x410] =	vst v38;
	v54 =	vmul.f32 v47, v46;
	v52 =	vld [tilespmem:s21+$0x4E0]  }
0x61: {  	v43 =	vld [tilespmem:s21+$0x490];
	[tilespmem:s21+$0x480] =	vst v17;
	v17 =	vmul.f32 v45, v46  }
0x62: {  	v57 =	vmul.f32 v50, v46;
	[tilespmem:s21+$0x4B0] =	vst v54;
	v55 =	vld [tilespmem:s21+$0x500]  }
0x63: {  	v60 =	vld [tilespmem:s21+$0x530];
	[tilespmem:s21+$0x4A0] =	vst v17;
	v17 =	vmul.f32 v49, v46  }
0x64: {  	v58 =	vld [tilespmem:s21+$0x520];
	v61 =	vmul.f32 v53, v46;
	[tilespmem:s21+$0x4D0] =	vst v57  }
0x65: {  	v63 =	vld [tilespmem:s21+$0x550];
	v59 =	vperm.xlane v16, v7;
	[tilespmem:s21+$0x4C0] =	vst v17;
	v17 =	vmul.f32 v52, v46  }
0x66: {  	[tilespmem:s21+$0x4F0] =	vst v61;
	v51 =	vmul.f32 v43, v46;
	v62 =	vld [tilespmem:s21+$0x540]  }
0x67: {  	v30 =	vld [tilespmem:s21+$0x570];
	[tilespmem:s21+$0x4E0] =	vst v17;
	v17 =	vmul.f32 v55, v59  }
0x68: {  	[tilespmem:s21+$0x490] =	vst v51;
	v31 =	vmul.f32 v60, v59;
	v29 =	vld [tilespmem:s21+$0x560]  }
0x69: {  	v56 =	vld [tilespmem:s21+$0x510];
	[tilespmem:s21+$0x500] =	vst v17;
	v17 =	vmul.f32 v58, v59  }
0x6a: {  	v34 =	vmul.f32 v63, v59;
	[tilespmem:s21+$0x530] =	vst v31;
	v32 =	vld [tilespmem:s21+$0x580]  }
0x6b: {  	v37 =	vld [tilespmem:s21+$0x5B0];
	[tilespmem:s21+$0x520] =	vst v17;
	v17 =	vmul.f32 v62, v59  }
0x6c: {  	v35 =	vld [tilespmem:s21+$0x5A0];
	v38 =	vmul.f32 v30, v59;
	[tilespmem:s21+$0x550] =	vst v34  }
0x6d: {  	v40 =	vld [tilespmem:s21+$0x5D0];
	v36 =	vperm.xlane v16, v8;
	[tilespmem:s21+$0x540] =	vst v17;
	v17 =	vmul.f32 v29, v59  }
0x6e: {  	[tilespmem:s21+$0x570] =	vst v38;
	v28 =	vmul.f32 v56, v59;
	v39 =	vld [tilespmem:s21+$0x5C0]  }
0x6f: {  	v43 =	vld [tilespmem:s21+$0x5F0];
	[tilespmem:s21+$0x560] =	vst v17;
	v17 =	vmul.f32 v32, v36  }
0x70: {  	[tilespmem:s21+$0x510] =	vst v28;
	v44 =	vmul.f32 v37, v36;
	v42 =	vld [tilespmem:s21+$0x5E0]  }
0x71: {  	v33 =	vld [tilespmem:s21+$0x590];
	[tilespmem:s21+$0x580] =	vst v17;
	v17 =	vmul.f32 v35, v36  }
0x72: {  	v47 =	vmul.f32 v40, v36;
	[tilespmem:s21+$0x5B0] =	vst v44;
	v45 =	vld [tilespmem:s21+$0x600]  }
0x73: {  	v50 =	vld [tilespmem:s21+$0x630];
	[tilespmem:s21+$0x5A0] =	vst v17;
	v17 =	vmul.f32 v39, v36  }
0x74: {  	v48 =	vld [tilespmem:s21+$0x620];
	v51 =	vmul.f32 v43, v36;
	[tilespmem:s21+$0x5D0] =	vst v47  }
0x75: {  	v53 =	vld [tilespmem:s21+$0x650];
	v49 =	vperm.xlane v16, v9;
	[tilespmem:s21+$0x5C0] =	vst v17;
	v17 =	vmul.f32 v42, v36  }
0x76: {  	[tilespmem:s21+$0x5F0] =	vst v51;
	v41 =	vmul.f32 v33, v36;
	v52 =	vld [tilespmem:s21+$0x640]  }
0x77: {  	v56 =	vld [tilespmem:s21+$0x670];
	[tilespmem:s21+$0x5E0] =	vst v17;
	v17 =	vmul.f32 v45, v49  }
0x78: {  	[tilespmem:s21+$0x590] =	vst v41;
	v57 =	vmul.f32 v50, v49;
	v55 =	vld [tilespmem:s21+$0x660]  }
0x79: {  	v46 =	vld [tilespmem:s21+$0x610];
	[tilespmem:s21+$0x600] =	vst v17;
	v17 =	vmul.f32 v48, v49  }
0x7a: {  	v60 =	vmul.f32 v53, v49;
	[tilespmem:s21+$0x630] =	vst v57;
	v58 =	vld [tilespmem:s21+$0x680]  }
0x7b: {  	v63 =	vld [tilespmem:s21+$0x6B0];
	[tilespmem:s21+$0x620] =	vst v17;
	v17 =	vmul.f32 v52, v49  }
0x7c: {  	v61 =	vld [tilespmem:s21+$0x6A0];
	v28 =	vmul.f32 v56, v49;
	[tilespmem:s21+$0x650] =	vst v60  }
0x7d: {  	v30 =	vld [tilespmem:s21+$0x6D0];
	v62 =	vperm.xlane v16, v10;
	[tilespmem:s21+$0x640] =	vst v17;
	v17 =	vmul.f32 v55, v49  }
0x7e: {  	[tilespmem:s21+$0x670] =	vst v28;
	v54 =	vmul.f32 v46, v49;
	v29 =	vld [tilespmem:s21+$0x6C0]  }
0x7f: {  	v33 =	vld [tilespmem:s21+$0x6F0];
	[tilespmem:s21+$0x660] =	vst v17;
	v17 =	vmul.f32 v58, v62  }
0x80: {  	[tilespmem:s21+$0x610] =	vst v54;
	v34 =	vmul.f32 v63, v62;
	v32 =	vld [tilespmem:s21+$0x6E0]  }
0x81: {  	v59 =	vld [tilespmem:s21+$0x690];
	[tilespmem:s21+$0x680] =	vst v17;
	v17 =	vmul.f32 v61, v62  }
0x82: {  	v37 =	vmul.f32 v30, v62;
	[tilespmem:s21+$0x6B0] =	vst v34;
	v35 =	vld [tilespmem:s21+$0x700]  }
0x83: {  	v40 =	vld [tilespmem:s21+$0x730];
	[tilespmem:s21+$0x6A0] =	vst v17;
	v17 =	vmul.f32 v29, v62  }
0x84: {  	v38 =	vld [tilespmem:s21+$0x720];
	v41 =	vmul.f32 v33, v62;
	[tilespmem:s21+$0x6D0] =	vst v37  }
0x85: {  	v43 =	vld [tilespmem:s21+$0x750];
	v39 =	vperm.xlane v16, v11;
	[tilespmem:s21+$0x6C0] =	vst v17;
	v17 =	vmul.f32 v32, v62  }
0x86: {  	[tilespmem:s21+$0x6F0] =	vst v41;
	v31 =	vmul.f32 v59, v62;
	v42 =	vld [tilespmem:s21+$0x740]  }
0x87: {  	v46 =	vld [tilespmem:s21+$0x770];
	[tilespmem:s21+$0x6E0] =	vst v17;
	v17 =	vmul.f32 v35, v39  }
0x88: {  	[tilespmem:s21+$0x690] =	vst v31;
	v47 =	vmul.f32 v40, v39;
	v45 =	vld [tilespmem:s21+$0x760]  }
0x89: {  	v36 =	vld [tilespmem:s21+$0x710];
	[tilespmem:s21+$0x700] =	vst v17;
	v17 =	vmul.f32 v38, v39  }
0x8a: {  	v50 =	vmul.f32 v43, v39;
	[tilespmem:s21+$0x730] =	vst v47;
	v48 =	vld [tilespmem:s21+$0x780]  }
0x8b: {  	v53 =	vld [tilespmem:s21+$0x7B0];
	[tilespmem:s21+$0x720] =	vst v17;
	v17 =	vmul.f32 v42, v39  }
0x8c: {  	v51 =	vld [tilespmem:s21+$0x7A0];
	v54 =	vmul.f32 v46, v39;
	[tilespmem:s21+$0x750] =	vst v50  }
0x8d: {  	v56 =	vld [tilespmem:s21+$0x7D0];
	v52 =	vperm.xlane v16, v12;
	[tilespmem:s21+$0x740] =	vst v17;
	v17 =	vmul.f32 v45, v39  }
0x8e: {  	[tilespmem:s21+$0x770] =	vst v54;
	v44 =	vmul.f32 v36, v39;
	v55 =	vld [tilespmem:s21+$0x7C0]  }
0x8f: {  	v59 =	vld [tilespmem:s21+$0x7F0];
	[tilespmem:s21+$0x760] =	vst v17;
	v17 =	vmul.f32 v48, v52  }
0x90: {  	[tilespmem:s21+$0x710] =	vst v44;
	v60 =	vmul.f32 v53, v52;
	v58 =	vld [tilespmem:s21+$0x7E0]  }
0x91: {  	v49 =	vld [tilespmem:s21+$0x790];
	[tilespmem:s21+$0x780] =	vst v17;
	v17 =	vmul.f32 v51, v52  }
0x92: {  	v63 =	vmul.f32 v56, v52;
	[tilespmem:s21+$0x7B0] =	vst v60;
	v61 =	vld [tilespmem:s21+$0x800]  }
0x93: {  	v30 =	vld [tilespmem:s21+$0x830];
	[tilespmem:s21+$0x7A0] =	vst v17;
	v17 =	vmul.f32 v55, v52  }
0x94: {  	v28 =	vld [tilespmem:s21+$0x820];
	v31 =	vmul.f32 v59, v52;
	[tilespmem:s21+$0x7D0] =	vst v63  }
0x95: {  	v33 =	vld [tilespmem:s21+$0x850];
	v29 =	vperm.xlane v16, v13;
	[tilespmem:s21+$0x7C0] =	vst v17;
	v17 =	vmul.f32 v58, v52  }
0x96: {  	[tilespmem:s21+$0x7F0] =	vst v31;
	v57 =	vmul.f32 v49, v52;
	v32 =	vld [tilespmem:s21+$0x840]  }
0x97: {  	v36 =	vld [tilespmem:s21+$0x870];
	[tilespmem:s21+$0x7E0] =	vst v17;
	v17 =	vmul.f32 v61, v29  }
0x98: {  	[tilespmem:s21+$0x790] =	vst v57;
	v37 =	vmul.f32 v30, v29;
	v35 =	vld [tilespmem:s21+$0x860]  }
0x99: {  	v62 =	vld [tilespmem:s21+$0x810];
	[tilespmem:s21+$0x800] =	vst v17;
	v17 =	vmul.f32 v28, v29  }
0x9a: {  	v40 =	vmul.f32 v33, v29;
	[tilespmem:s21+$0x830] =	vst v37;
	v38 =	vld [tilespmem:s21+$0x880]  }
0x9b: {  	v43 =	vld [tilespmem:s21+$0x8B0];
	[tilespmem:s21+$0x820] =	vst v17;
	v17 =	vmul.f32 v32, v29  }
0x9c: {  	v41 =	vld [tilespmem:s21+$0x8A0];
	v44 =	vmul.f32 v36, v29;
	[tilespmem:s21+$0x850] =	vst v40  }
0x9d: {  	v46 =	vld [tilespmem:s21+$0x8D0];
	v42 =	vperm.xlane v16, v14;
	[tilespmem:s21+$0x840] =	vst v17;
	v17 =	vmul.f32 v35, v29  }
0x9e: {  	[tilespmem:s21+$0x870] =	vst v44;
	v34 =	vmul.f32 v62, v29;
	v45 =	vld [tilespmem:s21+$0x8C0]  }
0x9f: {  	v49 =	vld [tilespmem:s21+$0x8F0];
	[tilespmem:s21+$0x860] =	vst v17;
	v17 =	vmul.f32 v38, v42  }
0xa0: {  	[tilespmem:s21+$0x810] =	vst v34;
	v50 =	vmul.f32 v43, v42;
	v48 =	vld [tilespmem:s21+$0x8E0]  }
0xa1: {  	v39 =	vld [tilespmem:s21+$0x890];
	[tilespmem:s21+$0x880] =	vst v17;
	v17 =	vmul.f32 v41, v42  }
0xa2: {  	v53 =	vmul.f32 v46, v42;
	[tilespmem:s21+$0x8B0] =	vst v50;
	v51 =	vld [tilespmem:s21+$0x900]  }
0xa3: {  	v55 =	vld [tilespmem:s21+$0x930];
	[tilespmem:s21+$0x8A0] =	vst v17;
	v17 =	vmul.f32 v45, v42  }
0xa4: {  	v54 =	vld [tilespmem:s21+$0x920];
	v56 =	vmul.f32 v49, v42;
	[tilespmem:s21+$0x8D0] =	vst v53  }
0xa5: {  	v16 =	vperm.xlane v16, v15;
	v52 =	vld [tilespmem:s21+$0x910];
	[tilespmem:s21+$0x8C0] =	vst v17;
	v17 =	vmul.f32 v48, v42  }
0xa6: {  	v57 =	vld [tilespmem:s21+$0x940];
	[tilespmem:s21+$0x8F0] =	vst v56;
	v47 =	vmul.f32 v39, v42  }
0xa7: {  	v58 =	vld [tilespmem:s21+$0x950];
	[tilespmem:s21+$0x8E0] =	vst v17;
	v17 =	vmul.f32 v51, v16  }
0xa8: {  	v60 =	vld [tilespmem:s21+$0x960];
	[tilespmem:s21+$0x890] =	vst v47;
	v62 =	vmul.f32 v55, v16  }
0xa9: {  	v61 =	vld [tilespmem:s21+$0x970];
	[tilespmem:s21+$0x900] =	vst v17;
	v17 =	vmul.f32 v54, v16  }
0xaa: {  	v59 =	vmul.f32 v52, v16;
	[tilespmem:s21+$0x930] =	vst v62  }
0xab: {  	p0 =	sne.s32 s20, $0x7;
	[tilespmem:s21+$0x920] =	vst v17;
	v17 =	vmul.f32 v57, v16  }
.Ltmp0:
0xac: {  	v63 =	vmul.f32 v58, v16;
	[tilespmem:s21+$0x910] =	vst v59;
	(pc) =	sbr.rel @p0 .LBB2_3-.Ltmp0, $4  }
0xad: {  	[tilespmem:s21+$0x940] =	vst v17;
	v17 =	vmul.f32 v60, v16  }
0xae: {  	[tilespmem:s21+$0x950] =	vst v63;
	v16 =	vmul.f32 v61, v16  }
0xaf: {  	[tilespmem:s21+$0x960] =	vst v17  }
0xb0: {  	s20 =	sadd.s32 $0x1, s20;
	[tilespmem:s21+$0x970] =	vst v16  }
0xb1: {  	s19 =	sadd.s32 $0x1, s19  }
0xb2: {  	p0 =	sne.s32 s19, $0x51  }
.Ltmp1:
0xb3: {  	_ = 	snop;
	(pc) =	sbr.rel @p0 .LBB2_2-.Ltmp1, $4  }
0xb4: {  	[spmem:s2] =	stream.indirect.scatter.add.f32 [tilespmem:s17], [sflag:$0x2], $0x80, s16, s16, $0xb8;
	[tilespmem:$0x18180] =	vst v63  }
0xb5: {  	_ =	swait.ge [sflag:s14], $0x4000  }
0xb6: {  	[sflag:s14] =	ssyncset.done $0x0  }
0xb7: {  	[sflag:s14] =	ssyncadd.s32 $0xFFFFC000  }
0xb8: {  	s3 =	sadd.s32 $0x1, s3  }
0xb9: {  	p0 =	sne.s32 s3, s11  }
.Ltmp2:
0xba: {  	[bflag:$0x0] =	sbarrier.arrive $0xFFFF;
	(pc) =	sbr.rel @p0 .LBB2_1-.Ltmp2, $4  }
0xbb: {  	[hbm:s12], [sflag:s8] =	dma.local [spmem:s13], $0x2800  }
0xbc: {  	_ =	swait.ge [sflag:s14], $0x2800  }
0xbd: {  	[sflag:s14] =	ssyncset.done $0x0  }
0xbe: {  	[sflag:s14] =	ssyncadd.s32 $0xFFFFD800  }
0xbf: {  	_ =	sfence.sel $0x180000  }
0xc0: {  	[bflag:$0x0] =	sbarrier.arrive $0xFFFF  }
0xc1: {  	p0 =	sne.s32 s4, $0x0;
	_ =	strace $0x90000050  }
0xc2: {  	s0 =	sadd.s32 @!p0 $0x100000, s0;
	[bflag:$0x2] =	sbarrier.arrive $0xFFFF  }
0xc3: {  	[sflag:s0] =	ssyncadd.tile.s32 @!p0 $0x1;
	_ =	shalt  }
.Lfunc_end2:
_tile_overlayer_lowered:
.L_overlay_start_2:
0xc4: {  	(tag) =	ssettag $0x2  }
0xc5: {  	s0 =	rddreg [dreg:$0x0];
	s2 =	stileid.u32  }
0xc6: {  	s1 =	rddreg [dreg:$0x1];
	p0 =	sne.s32 s2, $0x0  }
0xc7: {  	s3 =	rddreg [dreg:$0x2];
	[bflag:$0x3] =	sbarrier.arrive $0xFFFF;
	s2 =	simm.s32 @!p0 $0x1C02  }
0xc8: {  	[timem:s3], [sflag:s2] =	dma.local @!p0 [hbm:s0], s1  }
0xc9: {  	s0 =	simm.s32 @!p0 $0x2  }
0xca: {  	_ =	swait.ge @!p0 [sflag:s0], s1  }
0xcb: {  	s1 =	ssub.s32 @!p0 $0x0, s1;
	[sflag:s0] =	ssyncset.done @!p0 $0x0  }
0xcc: {  	[sflag:s0] =	ssyncadd.s32 @!p0 s1  }
0xcd: {  	[bflag:$0x3] =	sbarrier.arrive $0xFFFF  }
0xce: {  	_ =	shalt  }

// kernel: kernel.4.cloned.1.call-start
scs
__scs_entry_jumppad:
0x0: {  	(pc) =	sbr.rel $0x88, $3  }
0x1: {  	(tag) =	ssettag $0x0;
	lr =	simm.s32 $0x1  }
0x2: {  	[smem:$0x3F9C] =	sst lr;
	_ =	strace $0xD0000000  }
0x3: {  	_ = 	snop  }
0x4: {  	_ = 	snop  }
0x5: {  	_ = 	snop  }
0x6: {  	_ = 	snop  }
0x7: {  	_ = 	snop  }
__scs_overlays_trampoline_lowered:
0x8: {  	[smem:$0x3FAB] =	sst s0  }
0x9: {  	[smem:$0x3FAC] =	sst s1  }
0xa: {  	[smem:$0x3FAD] =	sst s2  }
0xb: {  	[smem:$0x3FAE] =	sst s3  }
0xc: {  	[smem:$0x3FAF] =	sst s4  }
0xd: {  	[smem:$0x3FB0] =	sst s5  }
0xe: {  	[smem:$0x3FB1] =	sst s6  }
0xf: {  	[smem:$0x3FB2] =	sst s7  }
0x10: {  	[smem:$0x3FB3] =	sst s8  }
0x11: {  	[smem:$0x3FB4] =	sst s9;
	s0 =	simm.s32 @!p0 $0x0  }
0x12: {  	s1 =	sld [smem:$0x3F9A];
	s0 =	simm.s32 @p0 $0x1  }
0x13: {  	[smem:$0x3FB5] =	sst s0;
	s0 =	simm.s32 @!p1 $0x0  }
0x14: {  	s2 =	sld [smem:$0x3F99];
	s0 =	simm.s32 @p1 $0x1  }
0x15: {  	[smem:$0x3FB6] =	sst s0;
	s0 =	simm.s32 @!p2 $0x0  }
0x16: {  	s3 =	sld [smem:$0x3FDB];
	s0 =	simm.s32 @p2 $0x1  }
0x17: {  	s4 =	simm.s32 $0x1BF5;
	[smem:$0x3FB8] =	sst s0  }
0x18: {  	s0 =	sld [smem:$0x3F9B];
	_ =	swait.ge [sflag:s4], $0x0  }
0x19: {  	s7 =	sld [smem:$0x3F9C]  }
0x1a: {  	s8 =	sadd.s32 $0xFFFFE003, lr  }
0x1b: {  	s9 =	sadd.s32 $0xFFFFFEF7, lr;
	s5 =	simm.s32 $0xFFFFFFFF;
	p2 =	slt.u32 s8, $0xFFFFF086  }
0x1c: {  	p1 =	slt.u32 s9, $0xF7A;
	s5 =	simm.s32 @!p2 $0x0  }
0x1d: {  	s5 =	simm.s32 @p1 $0x1;
	p0 =	seq.s32 s7, s2  }
0x1e: {  	s7 =	smul.u32 @!p0 $0xF7A, s2;
	p2 =	seq.s32 @!p0 s5, $0x0  }
0x1f: {  	s9 =	smul.u32 $0xF7A, s1;
	s8 =	simm.s32 @!p0 $0x1BF5;
	p2 =	por !p2, p0  }
0x20: {  	[sflag:s8] =	ssyncset.s32 @!p0 $0xFFFFF086;
	s6 =	sadd.s32 @!p0 s3, s7;
	s7 =	simm.s32 @!p0 $0x108  }
0x21: {  	s3 =	sadd.s32 s3, s9;
	s6 =	sadd.s32 @!p0 $0x88, s6;
	s7 =	simm.s32 @p2 $0x1082  }
0x22: {  	[simem:s7], [sflag:s8] =	dma.local @!p0 [hbm:s6], $0xF7A  }
0x23: {  	s9 =	sor.u32 $0xD0000000, s2;
	s6 =	simm.s32 $0x108;
	_ =	swait.ge @!p0 [sflag:s8], $0x0  }
0x24: {  	s3 =	sadd.s32 $0x88, s3;
	s6 =	simm.s32 @!p1 $0x1082;
	[sflag:s4] =	ssyncset.s32 $0xFFFFF086  }
0x25: {  	[simem:s6], [sflag:s4] =	dma.local [hbm:s3], $0xF7A  }
0x26: {  	[smem:$0x3F9C] =	sst s1;
	(tag) =	ssettag s2;
	_ =	strace s9  }
0x27: {  	s1 =	sld [smem:$0x3FAC]  }
0x28: {  	s2 =	sld [smem:$0x3FAD]  }
0x29: {  	s4 =	sld [smem:$0x3FAF]  }
0x2a: {  	p0 =	seq.s32 s5, $0x0;
	s5 =	sld [smem:$0x3FB0]  }
0x2b: {  	s6 =	sld [smem:$0x3FB1]  }
0x2c: {  	s7 =	sld [smem:$0x3FB2]  }
0x2d: {  	s3 =	simm.s32 $0x108;
	s8 =	sld [smem:$0x3FB3]  }
0x2e: {  	s3 =	simm.s32 @!p0 $0x1082;
	s9 =	sld [smem:$0x3FB4]  }
0x2f: {  	lr =	sadd.s32 s0, s3;
	s0 =	sld [smem:$0x3FAB]  }
0x30: {  	s3 =	sld [smem:$0x3FAE]  }
0x31: {  	[smem:$0x3FB7] =	sst s10  }
0x32: {  	s10 =	sld [smem:$0x3FB5];
	_ =	sdelay $0x3  }
0x33: {  	p0 =	seq.s32 s10, $0x1;
	s10 =	sld [smem:$0x3FB7];
	_ =	sdelay $0x3  }
0x34: {  	[smem:$0x3FB7] =	sst s10  }
0x35: {  	s10 =	sld [smem:$0x3FB6];
	_ =	sdelay $0x3  }
0x36: {  	p1 =	seq.s32 s10, $0x1;
	s10 =	sld [smem:$0x3FB7];
	_ =	sdelay $0x3  }
0x37: {  	[smem:$0x3FB7] =	sst s10  }
0x38: {  	s10 =	sld [smem:$0x3FB8]  }
0x39: {  	_ = 	snop;
	(pc) =	sbr.ind lr, $3  }
0x3a: {  	_ = 	snop  }
0x3b: {  	_ = 	snop  }
0x3c: {  	p2 =	seq.s32 s10, $0x1;
	s10 =	sld [smem:$0x3FB7]  }
0x3d: {  	_ =	shalt  }
0x3e: {  	_ =	shalt  }
0x3f: {  	_ =	shalt  }
0x40: {  	_ =	shalt  }
0x41: {  	_ =	shalt  }
0x42: {  	_ =	shalt  }
0x43: {  	_ =	shalt  }
0x44: {  	_ =	shalt  }
0x45: {  	_ =	shalt  }
0x46: {  	_ =	shalt  }
0x47: {  	_ =	shalt  }
0x48: {  	_ =	shalt  }
0x49: {  	_ =	shalt  }
0x4a: {  	_ =	shalt  }
0x4b: {  	_ =	shalt  }
0x4c: {  	_ =	shalt  }
0x4d: {  	_ =	shalt  }
0x4e: {  	_ =	shalt  }
0x4f: {  	_ =	shalt  }
0x50: {  	_ =	shalt  }
0x51: {  	_ =	shalt  }
0x52: {  	_ =	shalt  }
0x53: {  	_ =	shalt  }
0x54: {  	_ =	shalt  }
0x55: {  	_ =	shalt  }
0x56: {  	_ =	shalt  }
0x57: {  	_ =	shalt  }
0x58: {  	_ =	shalt  }
0x59: {  	_ =	shalt  }
0x5a: {  	_ =	shalt  }
0x5b: {  	_ =	shalt  }
0x5c: {  	_ =	shalt  }
0x5d: {  	_ =	shalt  }
0x5e: {  	_ =	shalt  }
0x5f: {  	_ =	shalt  }
0x60: {  	_ =	shalt  }
0x61: {  	_ =	shalt  }
0x62: {  	_ =	shalt  }
0x63: {  	_ =	shalt  }
0x64: {  	_ =	shalt  }
0x65: {  	_ =	shalt  }
0x66: {  	_ =	shalt  }
0x67: {  	_ =	shalt  }
0x68: {  	_ =	shalt  }
0x69: {  	_ =	shalt  }
0x6a: {  	_ =	shalt  }
0x6b: {  	_ =	shalt  }
0x6c: {  	_ =	shalt  }
0x6d: {  	_ =	shalt  }
0x6e: {  	_ =	shalt  }
0x6f: {  	_ =	shalt  }
0x70: {  	_ =	shalt  }
0x71: {  	_ =	shalt  }
0x72: {  	_ =	shalt  }
0x73: {  	_ =	shalt  }
0x74: {  	_ =	shalt  }
0x75: {  	_ =	shalt  }
0x76: {  	_ =	shalt  }
0x77: {  	_ =	shalt  }
0x78: {  	_ =	shalt  }
0x79: {  	_ =	shalt  }
0x7a: {  	_ =	shalt  }
0x7b: {  	_ =	shalt  }
0x7c: {  	_ =	shalt  }
0x7d: {  	_ =	shalt  }
0x7e: {  	_ =	shalt  }
0x7f: {  	_ =	shalt  }
0x80: {  	_ =	shalt  }
0x81: {  	_ =	shalt  }
0x82: {  	_ =	shalt  }
0x83: {  	_ =	shalt  }
0x84: {  	_ =	shalt  }
0x85: {  	_ =	shalt  }
0x86: {  	_ =	shalt  }
0x87: {  	_ =	shalt  }
.Lfunc_end0:
.L_simem_size_0:
called_computation.2_lowered:
.L_overlay_start_0:
0x88: {  	s2 =	sld [smem:$0x3FD9]  }
0x89: {  	s3 =	sld [smem:$0x3FFE];
	_ =	sdelay $0x1  }
0x8a: {  	s1 =	srdreg.scid  }
0x8b: {  	s0 =	sand.u32 $0x1, s1  }
0x8c: {  	s17 =	sshll.u32 s0, $0xA;
	s2 =	sadd.s32 s3, s2  }
0x8d: {  	s2 =	sadd.s32 s2, s17  }
0x8e: {  	[smem:$0x3FC3] =	sst s2  }
0x8f: {  	_ = 	snop  }
0x90: {  	s2 =	sld [smem:$0x3FD0];
	(tm) =	ssettm $0x1  }
0x91: {  	s18 =	sld [smem:$0x3FFB];
	_ =	sdelay $0x3  }
0x92: {  	_ =	strace s18  }
0x93: {  	s3 =	sld [smem:$0x3FFC];
	_ =	sdelay $0x3  }
0x94: {  	_ =	strace s3  }
0x95: {  	s3 =	sld [smem:$0x3FFD];
	_ =	sdelay $0x3  }
0x96: {  	_ =	strace s3  }
0x97: {  	_ =	strace $0x8FFFFFFF  }
0x98: {  	s19 =	sld [smem:$0x3FDB];
	_ =	sdelay $0x1  }
0x99: {  	s4 =	simm.s32 $_scs_section_size  }
0x9a: {  	s5 =	simm.s32 $_size__tile_overlayer_lowered;
	s6 =	simm.s32 $_tile_overlayer_lowered  }
0x9b: {  	s22 =	simm.s32 $0x1BFF;
	s21 =	sshll.u32 s6, $0x1;
	s3 =	sadd.s32 s4, s19  }
0x9c: {  	s7 =	simm.s32 $0x0;
	s20 =	sshll.u32 s5, $0x1;
	s5 =	sadd.s32 s21, s3  }
0x9d: {  	[timem:s7], [sflag:s22] =	dma.local [hbm:s5], s20  }
0x9e: {  	_ =	swait.ge [sflag:s22], s20  }
0x9f: {  	s4 =	ssub.s32 $0x0, s20;
	[sflag:s22] =	ssyncset.done $0x0  }
0xa0: {  	[sflag:s22] =	ssyncadd.s32 s4;
	_ =	sdelay $0x1  }
0xa1: {  	s23 =	simm.s32 $0x1B8B  }
0xa2: {  	_ =	swait.ge [sflag:s23], $0x1  }
0xa3: {  	[sflag:s23] =	ssyncset.done $0x0  }
0xa4: {  	s25 =	simm.s32 $0x1B8E;
	s24 =	sld [smem:$0x3FFE];
	[sflag:s23] =	ssyncadd.s32 $0xFFFFFFFF  }
0xa5: {  	s26 =	simm.s32 $execute0_lowered;
	[smem:$0x3FD2] =	sst s25  }
0xa6: {  	s5 =	sshll.u32 s26, $0x1;
	_ =	strace $0x8000004C;
	[dreg:$0x1] =	wrdreg $0xFFFFFFFF  }
0xa7: {  	s28 =	simm.s32 $_size_execute0_lowered;
	s3 =	sadd.s32 s3, s5;
	[dreg:$0x0] =	wrdreg $0x0  }
0xa8: {  	s5 =	sshll.u32 s28, $0x1;
	[dreg:$0x2] =	wrdreg s3  }
0xa9: {  	[dreg:$0x3] =	wrdreg s5  }
0xaa: {  	[dreg:$0x4] =	wrdreg $0xC0  }
0xab: {  	_ =	task [dreg:s7], $0x5FFFF  }
0xac: {  	[dreg:$0x1] =	wrdreg $0xFFFFFFFF  }
0xad: {  	[dreg:$0x0] =	wrdreg $0x60  }
0xae: {  	[dreg:$0x2] =	wrdreg s24  }
0xaf: {  	[dreg:$0x3] =	wrdreg s2  }
0xb0: {  	[dreg:$0x4] =	wrdreg $0x9  }
0xb1: {  	_ =	task.clear_ibuf [dreg:s7], $0x5FFFF;
	_ =	strace $0x9000004C  }
0xb2: {  	s29 =	simm.s32 $0x9;
	_ =	strace $0x8000004E  }
0xb3: {  	_ =	swait.ge [sflag:s29], $0x1  }
0xb4: {  	[sflag:s29] =	ssyncadd.s32 $0xFFFFFFFF  }
0xb5: {  	_ =	strace $0x9000004E  }
0xb6: {  	_ =	sfence  }
0xb7: {  	s30 =	sld [smem:$0x0];
	_ =	sdelay $0x2  }
0xb8: {  	s31 =	sshll.u32 s1, $0xD;
	s1 =	sshrl.u32 s1, $0x2  }
0xb9: {  	s3 =	sand.u32 $0x4000, s31;
	s1 =	sadd.s32 s1, s30  }
0xba: {  	s0 =	sor.u32 s3, s0;
	s1 =	sshll.u32 s1, $0x11  }
0xbb: {  	s0 =	sor.u32 s1, s0  }
0xbc: {  	s0 =	sadd.s32 $0x8F2B, s0  }
0xbd: {  	[sflag:s0] =	ssyncadd.remote.s32 $0x1  }
0xbe: {  	_ =	sfence.sel $0xFFFF  }
0xbf: {  	[dreg:$0x0] =	wrdreg $0xFFFFFFFF;
	(pc) =	sbr.abs _section_cstart, $3  }
0xc0: {  	[dreg:$0x1] =	wrdreg $0xFFFFFFFF  }
0xc1: {  	_ =	task.clear_ibuf [dreg:s7], $0x2FFFF;
	_ =	strace $0x9FFFFFFF  }
0xc2: {  	(tm) =	ssettm $0x7FFFFFFF  }
0xc3: {  	_ =	shalt  }
tec
execute0_lowered:
.L_overlay_start_1:
0x0: {  	(tag) =	ssettag $0x1  }
0x1: {  	vm0 =	vcmask $0x300  }
0x2: {  	v14 =	vimm.f32 $0.0e+00;
	s7 =	rddreg [dreg:$0x0];
	vm15 =	vcmask $0x704;
	vm4 =	vcmask $0xB08  }
0x3: {  	s1 =	rddreg [dreg:$0x1];
	vm1 =	vcmask $0xF0C;
	vm5 =	vcmask $0x1310;
	vm6 =	vcmask $0x1714  }
0x4: {  	s0 =	rddreg [dreg:$0x2];
	s2 =	simm.s32 $0x0;
	vm7 =	vcmask $0x1B18;
	vm8 =	vcmask $0x1F1C;
	vm9 =	vcmask $0x2320  }
0x5: {  	s3 =	srdreg.scid;
	vm10 =	vcmask $0x2724;
	vm11 =	vcmask $0x2B28;
	vm12 =	vcmask $0x2F2C;
	s11 =	simm.s32 $0x100;
	s12 =	simm.s32 $0x80  }
0x6: {  	vm13 =	vcmask $0x3330;
	vm14 =	vcmask $0x3734;
	s13 =	simm.s32 $0x180;
	s14 =	simm.s32 $0x1;
	v15 =	vimm.f32 $1.000000000e+00;
	s15 =	simm.s32 $0x980  }
0x7: {  	vm2 =	vcmask $0x3B00;
	s16 =	simm.s32 $0x1180;
	s17 =	simm.s32 $0x0;
	v0 =	vsel vm0, $0x3F800000, v14;
	v1 =	vsel vm15, $0x3F800000, v14;
	[smem:$0x7FF] =	sst s2  }
0x8: {  	v2 =	vsel vm4, $0x3F800000, v14;
	v3 =	vsel vm1, $0x3F800000, v14;
	s5 =	sand.u32 $0x1, s3;
	v4 =	vsel vm5, $0x3F800000, v14;
	s3 =	stileid.u32;
	s4 =	sadd.s32 $0xB800, s7  }
0x9: {  	v5 =	vsel vm6, $0x3F800000, v14;
	v6 =	vsel vm7, $0x3F800000, v14;
	v7 =	vsel vm8, $0x3F800000, v14;
	_ =	strace $0x8000004D;
	s6 =	sshll.u32 s5, $0x4;
	s8 =	ssub.s32 $0x2, s5  }
0xa: {  	v8 =	vsel vm9, $0x3F800000, v14;
	v9 =	vsel vm10, $0x3F800000, v14;
	v10 =	vsel vm11, $0x3F800000, v14;
	s5 =	sadd.s32 $0x1600, s7;
	s9 =	sor.u32 s3, s6;
	s10 =	sshrl.u32 s8, $0x1  }
0xb: {  	v11 =	vsel vm12, $0x3F800000, v14;
	v12 =	vsel vm13, $0x3F800000, v14;
	vm15 =	vcmask $0x3B38;
	s7 =	sadd.s32 $0x10800, s7;
	s6 =	smul.u32 $0x5100, s9;
	s10 =	ssub.s32 s8, s10  }
0xc: {  	v13 =	vsel vm14, $0x3F800000, v14;
	v15 =	vsel vm2, $0x0, v15;
	v14 =	vsel vm15, $0x3F800000, v14;
	s8 =	smul.u32 $0x2880, s9;
	s9 =	smax.u32 s10, $0x1;
	s10 =	simm.s32 $0x2  }
.LBB2_1:
0xd: {  	s18 =	simm.s32 $0x0  }
.LBB2_2:
0xe: {  	s19 =	sshll.u32 s18, $0x8  }
0xf: {  	s19 =	sadd.s32 s6, s19  }
0x10: {  	s19 =	sshrl.u32 s19, $0x3  }
0x11: {  	s20 =	simm.s32 $0x0;
	s31 =	sshll.u32 s18, $0x7;
	s19 =	sadd.s32 s1, s19  }
0x12: {  	[tilespmem:s20], [sflag:$0x2] =	stream.linear.gather [hbm4b:s19+s20], $0x100, $0x38;
	[tilespmem:$0x1200] =	vst v63  }
0x13: {  	s19 =	sadd.s32 s8, s31;
	_ =	swait.ge [sflag:s10], $0x100  }
0x14: {  	s19 =	sshrl.u32 s19, $0x3;
	[sflag:s10] =	ssyncset.done $0x0  }
0x15: {  	s21 =	sadd.s32 s5, s19;
	[sflag:s10] =	ssyncadd.s32 $0xFFFFFF00  }
0x16: {  	[tilespmem:s11], [sflag:$0x2] =	stream.linear.gather [hbm4b:s21+s20], $0x80, $0x38;
	[tilespmem:$0x1200] =	vst v63  }
0x17: {  	_ =	swait.ge [sflag:s10], $0x80  }
0x18: {  	[sflag:s10] =	ssyncset.done $0x0  }
0x19: {  	[sflag:s10] =	ssyncadd.s32 $0xFFFFFF80  }
0x1a: {  	[tilespmem:s13], [sflag:$0x1] =	stream.indirect.gather [hbm4b:s4+s12], $0x10, s20, s12, $0xb8;
	[tilespmem:$0x1200] =	vst v63  }
0x1b: {  	_ =	swait.ge [sflag:s14], $0x800  }
0x1c: {  	[sflag:s14] =	ssyncset.done $0x0  }
0x1d: {  	[sflag:s14] =	ssyncadd.s32 $0xFFFFF800  }
0x1e: {  	[tilespmem:s15], [sflag:$0x1] =	stream.indirect.gather [hbm4b:s4+s12], $0x10, s12, s12, $0xb8;
	[tilespmem:$0x1200] =	vst v63  }
0x1f: {  	_ =	swait.ge [sflag:s14], $0x800  }
0x20: {  	[sflag:s14] =	ssyncset.done $0x0  }
0x21: {  	s21 =	simm.s32 $0xA00;
	[sflag:s14] =	ssyncadd.s32 $0xFFFFF800  }
0x22: {  	s22 =	simm.s32 $0x200;
	v16 =	vld [tilespmem:s21+$0xFFFFFF80]  }
0x23: {  	s23 =	simm.s32 $0x40;
	v17 =	vld [tilespmem:s22+$0xFFFFFF80]  }
.LBB2_3:
0x24: {  	p0 =	sne.s32 s23, $0x1C0;
	v18 =	vld [tilespmem:s22+$0xFFFFFF90]  }
0x25: {  	v19 =	vld [tilespmem:s21+$0xFFFFFF90]  }
0x26: {  	v20 =	vld [tilespmem:s22+$0xFFFFFFA0]  }
0x27: {  	v21 =	vld [tilespmem:s21+$0xFFFFFFA0]  }
0x28: {  	v16 =	vmul.f32 v16, v17;
	v17 =	vld [tilespmem:s22+$0xFFFFFFB0]  }
0x29: {  	v22 =	vld [tilespmem:s21+$0xFFFFFFB0]  }
0x2a: {  	v16 =	vmul.f32 v0, v16;
	v18 =	vmul.f32 v19, v18;
	v19 =	vld [tilespmem:s22+$0xFFFFFFC0]  }
0x2b: {  	v23 =	vld [tilespmem:s21+$0xFFFFFFC0]  }
0x2c: {  	v16 =	vadd.f32 $0.0e+00, v16;
	v18 =	vmul.f32 v1, v18;
	v20 =	vmul.f32 v21, v20;
	v21 =	vld [tilespmem:s22+$0xFFFFFFD0]  }
0x2d: {  	v24 =	vld [tilespmem:s21+$0xFFFFFFD0]  }
0x2e: {  	v16 =	vadd.f32 v18, v16;
	v18 =	vmul.f32 v2, v20;
	v17 =	vmul.f32 v22, v17;
	v20 =	vld [tilespmem:s22+$0xFFFFFFE0]  }
0x2f: {  	v22 =	vld [tilespmem:s21+$0xFFFFFFE0]  }
0x30: {  	v16 =	vadd.f32 v18, v16;
	v17 =	vmul.f32 v3, v17;
	v18 =	vmul.f32 v23, v19;
	v19 =	vld [tilespmem:s22+$0xFFFFFFF0]  }
0x31: {  	v23 =	vld [tilespmem:s21+$0xFFFFFFF0]  }
0x32: {  	v16 =	vadd.f32 v17, v16;
	v17 =	vmul.f32 v4, v18;
	v18 =	vmul.f32 v24, v21;
	v21 =	vld [tilespmem:s22+$0x0]  }
0x33: {  	v24 =	vld [tilespmem:s21+$0x0]  }
0x34: {  	v16 =	vadd.f32 v17, v16;
	v17 =	vmul.f32 v5, v18;
	v18 =	vmul.f32 v22, v20;
	v20 =	vld [tilespmem:s22+$0x10]  }
0x35: {  	v22 =	vld [tilespmem:s21+$0x10]  }
0x36: {  	v16 =	vadd.f32 v17, v16;
	v17 =	vmul.f32 v6, v18;
	v18 =	vmul.f32 v23, v19;
	v19 =	vld [tilespmem:s22+$0x20]  }
0x37: {  	v23 =	vld [tilespmem:s21+$0x20]  }
0x38: {  	v16 =	vadd.f32 v17, v16;
	v17 =	vmul.f32 v7, v18;
	v18 =	vmul.f32 v24, v21;
	v21 =	vld [tilespmem:s22+$0x30]  }
0x39: {  	v24 =	vld [tilespmem:s21+$0x30]  }
0x3a: {  	v16 =	vadd.f32 v17, v16;
	v17 =	vmul.f32 v8, v18;
	v18 =	vmul.f32 v22, v20;
	v20 =	vld [tilespmem:s22+$0x40]  }
0x3b: {  	v22 =	vld [tilespmem:s21+$0x40]  }
0x3c: {  	v16 =	vadd.f32 v17, v16;
	v17 =	vmul.f32 v9, v18;
	v18 =	vmul.f32 v23, v19;
	v19 =	vld [tilespmem:s22+$0x50]  }
0x3d: {  	v23 =	vld [tilespmem:s21+$0x50]  }
0x3e: {  	v16 =	vadd.f32 v17, v16;
	v17 =	vmul.f32 v10, v18;
	v18 =	vmul.f32 v24, v21;
	v21 =	vld [tilespmem:s22+$0x60]  }
0x3f: {  	v24 =	vld [tilespmem:s21+$0x60]  }
0x40: {  	v16 =	vadd.f32 v17, v16;
	v17 =	vmul.f32 v11, v18;
	v18 =	vmul.f32 v22, v20;
	v20 =	vld [tilespmem:s22+$0x70]  }
0x41: {  	v22 =	vld [tilespmem:s21+$0x70]  }
0x42: {  	v16 =	vadd.f32 v17, v16;
	v17 =	vmul.f32 v12, v18;
	v18 =	vmul.f32 v23, v19;
	_ =	sdelay $0x1  }
0x43: {  	v16 =	vadd.f32 v17, v16;
	v17 =	vmul.f32 v13, v18;
	v18 =	vmul.f32 v24, v21;
	_ =	sdelay $0x1  }
0x44: {  	s24 =	sshra.s32 s20, $0x2;
	s20 =	smov.u32 s23;
	v16 =	vadd.f32 v17, v16;
	v17 =	vmul.f32 v14, v18;
	v18 =	vmul.f32 v22, v20  }
0x45: {  	v19 =	vld [tilespmem:s24+$0x100]  }
0x46: {  	v16 =	vadd.f32 v17, v16;
	v17 =	vmul.f32 v15, v18;
	_ =	sdelay $0x1  }
0x47: {  	v16 =	vadd.f32 v17, v16;
	_ =	sdelay $0x1  }
.Ltmp0:
0x48: {  	v16 =	vmul.f32 v16, v19;
	(pc) =	sbr.rel @p0 .LBB2_3-.Ltmp0, $4  }
0x49: {  	_ = 	snop  }
0x4a: {  	s21 =	sadd.s32 $0x100, s21;
	[tilespmem:s24+$0x1180] =	vst v16  }
0x4b: {  	s22 =	sadd.s32 $0x100, s22;
	v16 =	vld [tilespmem:s21+$0xFFFFFF80]  }
0x4c: {  	s23 =	sadd.s32 $0x40, s23;
	v17 =	vld [tilespmem:s22+$0xFFFFFF80]  }
0x4d: {  	v18 =	vld [tilespmem:s22+$0xFFFFFF90]  }
0x4e: {  	v19 =	vld [tilespmem:s21+$0xFFFFFF90]  }
0x4f: {  	v20 =	vld [tilespmem:s22+$0xFFFFFFA0]  }
0x50: {  	v21 =	vld [tilespmem:s21+$0xFFFFFFA0]  }
0x51: {  	v22 =	vld [tilespmem:s21+$0xFFFFFFB0];
	v16 =	vmul.f32 v16, v17  }
0x52: {  	v17 =	vld [tilespmem:s22+$0xFFFFFFB0]  }
0x53: {  	v28 =	vld [tilespmem:s22+$0xFFFFFFC0];
	v18 =	vmul.f32 v19, v18;
	v16 =	vmul.f32 v0, v16  }
0x54: {  	v23 =	vld [tilespmem:s21+$0xFFFFFFC0]  }
0x55: {  	v29 =	vld [tilespmem:s22+$0xFFFFFFD0];
	v20 =	vmul.f32 v21, v20;
	v18 =	vmul.f32 v1, v18;
	v16 =	vadd.f32 $0.0e+00, v16  }
0x56: {  	v24 =	vld [tilespmem:s21+$0xFFFFFFD0]  }
0x57: {  	v31 =	vld [tilespmem:s22+$0xFFFFFFE0];
	v30 =	vmul.f32 v2, v20;
	v17 =	vmul.f32 v22, v17;
	v16 =	vadd.f32 v18, v16  }
0x58: {  	v32 =	vld [tilespmem:s21+$0xFFFFFFE0]  }
0x59: {  	v34 =	vld [tilespmem:s22+$0xFFFFFFF0];
	v33 =	vmul.f32 v23, v28;
	v17 =	vmul.f32 v3, v17;
	v16 =	vadd.f32 v30, v16  }
0x5a: {  	v35 =	vld [tilespmem:s21+$0xFFFFFFF0]  }
0x5b: {  	v37 =	vld [tilespmem:s22+$0x0];
	v36 =	vmul.f32 v24, v29;
	v16 =	vadd.f32 v17, v16;
	v17 =	vmul.f32 v4, v33  }
0x5c: {  	v38 =	vld [tilespmem:s21+$0x0]  }
0x5d: {  	v40 =	vld [tilespmem:s22+$0x10];
	v39 =	vmul.f32 v32, v31;
	v16 =	vadd.f32 v17, v16;
	v17 =	vmul.f32 v5, v36  }
0x5e: {  	v41 =	vld [tilespmem:s21+$0x10]  }
0x5f: {  	v43 =	vld [tilespmem:s22+$0x20];
	v42 =	vmul.f32 v35, v34;
	v16 =	vadd.f32 v17, v16;
	v17 =	vmul.f32 v6, v39  }
0x60: {  	v44 =	vld [tilespmem:s21+$0x20]  }
0x61: {  	v46 =	vld [tilespmem:s22+$0x30];
	v45 =	vmul.f32 v38, v37;
	v16 =	vadd.f32 v17, v16;
	v17 =	vmul.f32 v7, v42  }
0x62: {  	v47 =	vld [tilespmem:s21+$0x30]  }
0x63: {  	v49 =	vld [tilespmem:s22+$0x40];
	v48 =	vmul.f32 v41, v40;
	v16 =	vadd.f32 v17, v16;
	v17 =	vmul.f32 v8, v45  }
0x64: {  	v50 =	vld [tilespmem:s21+$0x40]  }
0x65: {  	v52 =	vld [tilespmem:s22+$0x50];
	v51 =	vmul.f32 v44, v43;
	v16 =	vadd.f32 v17, v16;
	v17 =	vmul.f32 v9, v48  }
0x66: {  	v53 =	vld [tilespmem:s21+$0x50]  }
0x67: {  	v55 =	vld [tilespmem:s22+$0x60];
	v54 =	vmul.f32 v47, v46;
	v16 =	vadd.f32 v17, v16;
	v17 =	vmul.f32 v10, v51  }
0x68: {  	v56 =	vld [tilespmem:s21+$0x60]  }
0x69: {  	v58 =	vld [tilespmem:s22+$0x70];
	v57 =	vmul.f32 v50, v49;
	v16 =	vadd.f32 v17, v16;
	v17 =	vmul.f32 v11, v54  }
0x6a: {  	v59 =	vld [tilespmem:s21+$0x70]  }
0x6b: {  	v60 =	vmul.f32 v53, v52;
	v16 =	vadd.f32 v17, v16;
	v17 =	vmul.f32 v12, v57;
	_ =	sdelay $0x1  }
0x6c: {  	v61 =	vmul.f32 v56, v55;
	v16 =	vadd.f32 v17, v16;
	v17 =	vmul.f32 v13, v60;
	_ =	sdelay $0x1  }
0x6d: {  	s20 =	sshra.s32 s20, $0x2;
	v62 =	vmul.f32 v59, v58;
	v16 =	vadd.f32 v17, v16;
	v17 =	vmul.f32 v14, v61  }
0x6e: {  	v63 =	vld [tilespmem:s20+$0x100]  }
0x6f: {  	v16 =	vadd.f32 v17, v16;
	v17 =	vmul.f32 v15, v62;
	_ =	sdelay $0x1  }
0x70: {  	v16 =	vadd.f32 v17, v16;
	_ =	sdelay $0x1  }
0x71: {  	s18 =	sadd.s32 $0x1, s18;
	v16 =	vmul.f32 v16, v63  }
0x72: {  	p0 =	sne.s32 s18, $0x51  }
.Ltmp1:
0x73: {  	s19 =	sadd.s32 s7, s19;
	[tilespmem:s20+$0x1180] =	vst v16;
	(pc) =	sbr.rel @p0 .LBB2_2-.Ltmp1, $4  }
0x74: {  	[hbm4b:s19+s2] =	stream.linear.scatter [tilespmem:s16], [sflag:$0x2], $0x80, $0x38;
	[tilespmem:$0x1200] =	vst v63  }
0x75: {  	_ =	swait.ge [sflag:s10], $0x80  }
0x76: {  	[sflag:s10] =	ssyncset.done $0x0  }
0x77: {  	[sflag:s10] =	ssyncadd.s32 $0xFFFFFF80  }
0x78: {  	s17 =	sadd.s32 $0x1, s17  }
0x79: {  	p0 =	sne.s32 s17, s9  }
.Ltmp2:
0x7a: {  	_ = 	snop;
	(pc) =	sbr.rel @p0 .LBB2_1-.Ltmp2, $1  }
0x7b: {  	_ =	sdelay $0x3  }
0x7c: {  	_ =	sfence.sel $0x180000  }
0x7d: {  	[bflag:$0x0] =	sbarrier.arrive $0xFFFF  }
0x7e: {  	p0 =	sne.s32 s3, $0x0;
	_ =	strace $0x9000004D  }
0x7f: {  	s0 =	sadd.s32 @!p0 $0x100000, s0;
	[bflag:$0x2] =	sbarrier.arrive $0xFFFF  }
0x80: {  	[sflag:s0] =	ssyncadd.tile.s32 @!p0 $0x1;
	_ =	shalt  }
.Lfunc_end2:
_tile_overlayer_lowered:
.L_overlay_start_2:
0x81: {  	(tag) =	ssettag $0x2  }
0x82: {  	s0 =	rddreg [dreg:$0x0];
	s2 =	stileid.u32  }
0x83: {  	s1 =	rddreg [dreg:$0x1];
	p0 =	sne.s32 s2, $0x0  }
0x84: {  	s3 =	rddreg [dreg:$0x2];
	[bflag:$0x3] =	sbarrier.arrive $0xFFFF;
	s2 =	simm.s32 @!p0 $0x1C02  }
0x85: {  	[timem:s3], [sflag:s2] =	dma.local @!p0 [hbm:s0], s1  }
0x86: {  	s0 =	simm.s32 @!p0 $0x2  }
0x87: {  	_ =	swait.ge @!p0 [sflag:s0], s1  }
0x88: {  	s1 =	ssub.s32 @!p0 $0x0, s1;
	[sflag:s0] =	ssyncset.done @!p0 $0x0  }
0x89: {  	[sflag:s0] =	ssyncadd.s32 @!p0 s1  }
0x8a: {  	[bflag:$0x3] =	sbarrier.arrive $0xFFFF  }
0x8b: {  	_ =	shalt  }

// kernel: scatter_offload_async_start
scs
__scs_entry_jumppad:
0x0: {  	(pc) =	sbr.rel $0x88, $3  }
0x1: {  	(tag) =	ssettag $0x0;
	lr =	simm.s32 $0x1  }
0x2: {  	[smem:$0x3F9C] =	sst lr;
	_ =	strace $0xD0000000  }
0x3: {  	_ = 	snop  }
0x4: {  	_ = 	snop  }
0x5: {  	_ = 	snop  }
0x6: {  	_ = 	snop  }
0x7: {  	_ = 	snop  }
__scs_overlays_trampoline_lowered:
0x8: {  	[smem:$0x3FAB] =	sst s0  }
0x9: {  	[smem:$0x3FAC] =	sst s1  }
0xa: {  	[smem:$0x3FAD] =	sst s2  }
0xb: {  	[smem:$0x3FAE] =	sst s3  }
0xc: {  	[smem:$0x3FAF] =	sst s4  }
0xd: {  	[smem:$0x3FB0] =	sst s5  }
0xe: {  	[smem:$0x3FB1] =	sst s6  }
0xf: {  	[smem:$0x3FB2] =	sst s7  }
0x10: {  	[smem:$0x3FB3] =	sst s8  }
0x11: {  	[smem:$0x3FB4] =	sst s9;
	s0 =	simm.s32 @!p0 $0x0  }
0x12: {  	s1 =	sld [smem:$0x3F9A];
	s0 =	simm.s32 @p0 $0x1  }
0x13: {  	[smem:$0x3FB5] =	sst s0;
	s0 =	simm.s32 @!p1 $0x0  }
0x14: {  	s2 =	sld [smem:$0x3F99];
	s0 =	simm.s32 @p1 $0x1  }
0x15: {  	[smem:$0x3FB6] =	sst s0;
	s0 =	simm.s32 @!p2 $0x0  }
0x16: {  	s3 =	sld [smem:$0x3FDB];
	s0 =	simm.s32 @p2 $0x1  }
0x17: {  	s4 =	simm.s32 $0x1BF5;
	[smem:$0x3FB8] =	sst s0  }
0x18: {  	s0 =	sld [smem:$0x3F9B];
	_ =	swait.ge [sflag:s4], $0x0  }
0x19: {  	s7 =	sld [smem:$0x3F9C]  }
0x1a: {  	s8 =	sadd.s32 $0xFFFFE003, lr  }
0x1b: {  	s9 =	sadd.s32 $0xFFFFFEF7, lr;
	s5 =	simm.s32 $0xFFFFFFFF;
	p2 =	slt.u32 s8, $0xFFFFF086  }
0x1c: {  	p1 =	slt.u32 s9, $0xF7A;
	s5 =	simm.s32 @!p2 $0x0  }
0x1d: {  	s5 =	simm.s32 @p1 $0x1;
	p0 =	seq.s32 s7, s2  }
0x1e: {  	s7 =	smul.u32 @!p0 $0xF7A, s2;
	p2 =	seq.s32 @!p0 s5, $0x0  }
0x1f: {  	s9 =	smul.u32 $0xF7A, s1;
	s8 =	simm.s32 @!p0 $0x1BF5;
	p2 =	por !p2, p0  }
0x20: {  	[sflag:s8] =	ssyncset.s32 @!p0 $0xFFFFF086;
	s6 =	sadd.s32 @!p0 s3, s7;
	s7 =	simm.s32 @!p0 $0x108  }
0x21: {  	s3 =	sadd.s32 s3, s9;
	s6 =	sadd.s32 @!p0 $0x88, s6;
	s7 =	simm.s32 @p2 $0x1082  }
0x22: {  	[simem:s7], [sflag:s8] =	dma.local @!p0 [hbm:s6], $0xF7A  }
0x23: {  	s9 =	sor.u32 $0xD0000000, s2;
	s6 =	simm.s32 $0x108;
	_ =	swait.ge @!p0 [sflag:s8], $0x0  }
0x24: {  	s3 =	sadd.s32 $0x88, s3;
	s6 =	simm.s32 @!p1 $0x1082;
	[sflag:s4] =	ssyncset.s32 $0xFFFFF086  }
0x25: {  	[simem:s6], [sflag:s4] =	dma.local [hbm:s3], $0xF7A  }
0x26: {  	[smem:$0x3F9C] =	sst s1;
	(tag) =	ssettag s2;
	_ =	strace s9  }
0x27: {  	s1 =	sld [smem:$0x3FAC]  }
0x28: {  	s2 =	sld [smem:$0x3FAD]  }
0x29: {  	s4 =	sld [smem:$0x3FAF]  }
0x2a: {  	p0 =	seq.s32 s5, $0x0;
	s5 =	sld [smem:$0x3FB0]  }
0x2b: {  	s6 =	sld [smem:$0x3FB1]  }
0x2c: {  	s7 =	sld [smem:$0x3FB2]  }
0x2d: {  	s3 =	simm.s32 $0x108;
	s8 =	sld [smem:$0x3FB3]  }
0x2e: {  	s3 =	simm.s32 @!p0 $0x1082;
	s9 =	sld [smem:$0x3FB4]  }
0x2f: {  	lr =	sadd.s32 s0, s3;
	s0 =	sld [smem:$0x3FAB]  }
0x30: {  	s3 =	sld [smem:$0x3FAE]  }
0x31: {  	[smem:$0x3FB7] =	sst s10  }
0x32: {  	s10 =	sld [smem:$0x3FB5];
	_ =	sdelay $0x3  }
0x33: {  	p0 =	seq.s32 s10, $0x1;
	s10 =	sld [smem:$0x3FB7];
	_ =	sdelay $0x3  }
0x34: {  	[smem:$0x3FB7] =	sst s10  }
0x35: {  	s10 =	sld [smem:$0x3FB6];
	_ =	sdelay $0x3  }
0x36: {  	p1 =	seq.s32 s10, $0x1;
	s10 =	sld [smem:$0x3FB7];
	_ =	sdelay $0x3  }
0x37: {  	[smem:$0x3FB7] =	sst s10  }
0x38: {  	s10 =	sld [smem:$0x3FB8]  }
0x39: {  	_ = 	snop;
	(pc) =	sbr.ind lr, $3  }
0x3a: {  	_ = 	snop  }
0x3b: {  	_ = 	snop  }
0x3c: {  	p2 =	seq.s32 s10, $0x1;
	s10 =	sld [smem:$0x3FB7]  }
0x3d: {  	_ =	shalt  }
0x3e: {  	_ =	shalt  }
0x3f: {  	_ =	shalt  }
0x40: {  	_ =	shalt  }
0x41: {  	_ =	shalt  }
0x42: {  	_ =	shalt  }
0x43: {  	_ =	shalt  }
0x44: {  	_ =	shalt  }
0x45: {  	_ =	shalt  }
0x46: {  	_ =	shalt  }
0x47: {  	_ =	shalt  }
0x48: {  	_ =	shalt  }
0x49: {  	_ =	shalt  }
0x4a: {  	_ =	shalt  }
0x4b: {  	_ =	shalt  }
0x4c: {  	_ =	shalt  }
0x4d: {  	_ =	shalt  }
0x4e: {  	_ =	shalt  }
0x4f: {  	_ =	shalt  }
0x50: {  	_ =	shalt  }
0x51: {  	_ =	shalt  }
0x52: {  	_ =	shalt  }
0x53: {  	_ =	shalt  }
0x54: {  	_ =	shalt  }
0x55: {  	_ =	shalt  }
0x56: {  	_ =	shalt  }
0x57: {  	_ =	shalt  }
0x58: {  	_ =	shalt  }
0x59: {  	_ =	shalt  }
0x5a: {  	_ =	shalt  }
0x5b: {  	_ =	shalt  }
0x5c: {  	_ =	shalt  }
0x5d: {  	_ =	shalt  }
0x5e: {  	_ =	shalt  }
0x5f: {  	_ =	shalt  }
0x60: {  	_ =	shalt  }
0x61: {  	_ =	shalt  }
0x62: {  	_ =	shalt  }
0x63: {  	_ =	shalt  }
0x64: {  	_ =	shalt  }
0x65: {  	_ =	shalt  }
0x66: {  	_ =	shalt  }
0x67: {  	_ =	shalt  }
0x68: {  	_ =	shalt  }
0x69: {  	_ =	shalt  }
0x6a: {  	_ =	shalt  }
0x6b: {  	_ =	shalt  }
0x6c: {  	_ =	shalt  }
0x6d: {  	_ =	shalt  }
0x6e: {  	_ =	shalt  }
0x6f: {  	_ =	shalt  }
0x70: {  	_ =	shalt  }
0x71: {  	_ =	shalt  }
0x72: {  	_ =	shalt  }
0x73: {  	_ =	shalt  }
0x74: {  	_ =	shalt  }
0x75: {  	_ =	shalt  }
0x76: {  	_ =	shalt  }
0x77: {  	_ =	shalt  }
0x78: {  	_ =	shalt  }
0x79: {  	_ =	shalt  }
0x7a: {  	_ =	shalt  }
0x7b: {  	_ =	shalt  }
0x7c: {  	_ =	shalt  }
0x7d: {  	_ =	shalt  }
0x7e: {  	_ =	shalt  }
0x7f: {  	_ =	shalt  }
0x80: {  	_ =	shalt  }
0x81: {  	_ =	shalt  }
0x82: {  	_ =	shalt  }
0x83: {  	_ =	shalt  }
0x84: {  	_ =	shalt  }
0x85: {  	_ =	shalt  }
0x86: {  	_ =	shalt  }
0x87: {  	_ =	shalt  }
.Lfunc_end0:
.L_simem_size_0:
called_computation_lowered:
.L_overlay_start_0:
0x88: {  	s0 =	sld [smem:$0x3FD9]  }
0x89: {  	s1 =	sld [smem:$0x3FFE];
	_ =	sdelay $0x3  }
0x8a: {  	s0 =	sadd.s32 s1, s0  }
0x8b: {  	[smem:$0x3FC3] =	sst s0  }
0x8c: {  	_ = 	snop  }
0x8d: {  	(tm) =	ssettm $0x1  }
0x8e: {  	s14 =	sld [smem:$0x3FFB];
	_ =	sdelay $0x3  }
0x8f: {  	_ =	strace s14  }
0x90: {  	s0 =	sld [smem:$0x3FFC];
	_ =	sdelay $0x3  }
0x91: {  	_ =	strace s0  }
0x92: {  	s0 =	sld [smem:$0x3FFD];
	_ =	sdelay $0x3  }
0x93: {  	_ =	strace s0  }
0x94: {  	_ =	strace $0x8FFFFFFF  }
0x95: {  	s15 =	sld [smem:$0x3FDB];
	_ =	sdelay $0x1  }
0x96: {  	s16 =	simm.s32 $_scs_section_size  }
0x97: {  	s2 =	simm.s32 $_size__tile_overlayer_lowered;
	s3 =	simm.s32 $_tile_overlayer_lowered  }
0x98: {  	s4 =	simm.s32 $0x1BFF;
	s17 =	sshll.u32 s3, $0x1;
	s1 =	sadd.s32 s16, s15  }
0x99: {  	s18 =	simm.s32 $0x0;
	s2 =	sshll.u32 s2, $0x1;
	s3 =	sadd.s32 s17, s1  }
0x9a: {  	[timem:s18], [sflag:s4] =	dma.local [hbm:s3], s2  }
0x9b: {  	_ =	swait.ge [sflag:s4], s2  }
0x9c: {  	s2 =	ssub.s32 $0x0, s2;
	[sflag:s4] =	ssyncset.done $0x0  }
0x9d: {  	[sflag:s4] =	ssyncadd.s32 s2;
	_ =	sdelay $0x1  }
0x9e: {  	s19 =	simm.s32 $0x1B8B  }
0x9f: {  	_ =	swait.ge [sflag:s19], $0x1  }
0xa0: {  	[sflag:s19] =	ssyncset.done $0x0  }
0xa1: {  	s21 =	simm.s32 $0x1B8E;
	s20 =	sld [smem:$0x3FFE];
	[sflag:s19] =	ssyncadd.s32 $0xFFFFFFFF  }
0xa2: {  	s22 =	simm.s32 $execute0_lowered;
	[smem:$0x3FD2] =	sst s21  }
0xa3: {  	s3 =	sshll.u32 s22, $0x1;
	_ =	strace $0x80000046;
	[dreg:$0x1] =	wrdreg $0xFFFFFFFF  }
0xa4: {  	s23 =	simm.s32 $_size_execute0_lowered;
	s3 =	sadd.s32 s1, s3;
	[dreg:$0x0] =	wrdreg $0x0  }
0xa5: {  	s4 =	sshll.u32 s23, $0x1;
	[dreg:$0x2] =	wrdreg s3  }
0xa6: {  	[dreg:$0x3] =	wrdreg s4  }
0xa7: {  	[dreg:$0x4] =	wrdreg $0xC0  }
0xa8: {  	s24 =	simm.s32 $execute1_lowered;
	_ =	task [dreg:s18], $0x5FFFF  }
0xa9: {  	s3 =	sshll.u32 s24, $0x1;
	[dreg:$0x1] =	wrdreg $0xFFFFFFFF  }
0xaa: {  	s1 =	sadd.s32 s1, s3;
	[dreg:$0x0] =	wrdreg $0x60  }
0xab: {  	[dreg:$0x2] =	wrdreg s1  }
0xac: {  	[dreg:$0x3] =	wrdreg s20  }
0xad: {  	[dreg:$0x4] =	wrdreg $0x9  }
0xae: {  	_ =	task.clear_ibuf [dreg:s18], $0x5FFFF;
	_ =	strace $0x90000046  }
0xaf: {  	s25 =	simm.s32 $0x9;
	_ =	strace $0x80000048  }
0xb0: {  	_ =	swait.ge [sflag:s25], $0x1  }
0xb1: {  	[sflag:s25] =	ssyncadd.s32 $0xFFFFFFFF  }
0xb2: {  	_ =	strace $0x90000048  }
0xb3: {  	_ =	strace $0x80000049;
	[dreg:$0x1] =	wrdreg $0xFFFFFFFF  }
0xb4: {  	[dreg:$0x0] =	wrdreg $0x2030  }
0xb5: {  	[dreg:$0x2] =	wrdreg s20  }
0xb6: {  	[dreg:$0x3] =	wrdreg $0xA  }
0xb7: {  	_ =	task.clear_ibuf [dreg:s18], $0x4FFFF;
	_ =	strace $0x90000049  }
0xb8: {  	s26 =	simm.s32 $0xA;
	_ =	strace $0x8000004B  }
0xb9: {  	_ =	swait.ge [sflag:s26], $0x1  }
0xba: {  	[sflag:s26] =	ssyncadd.s32 $0xFFFFFFFF  }
0xbb: {  	_ =	strace $0x9000004B  }
0xbc: {  	_ =	sfence  }
0xbd: {  	s28 =	sld [smem:$0x0];
	_ =	sdelay $0x1  }
0xbe: {  	s29 =	srdreg.scid  }
0xbf: {  	s30 =	sshll.u32 s29, $0xD;
	s31 =	sshrl.u32 s29, $0x2  }
0xc0: {  	s2 =	sand.u32 $0x1, s29;
	s3 =	sand.u32 $0x4000, s30;
	s1 =	sadd.s32 s31, s28  }
0xc1: {  	s2 =	sor.u32 s3, s2;
	s1 =	sshll.u32 s1, $0x11  }
0xc2: {  	s1 =	sor.u32 s1, s2  }
0xc3: {  	s1 =	sadd.s32 $0x8F2B, s1  }
0xc4: {  	[sflag:s1] =	ssyncadd.remote.s32 $0x1  }
0xc5: {  	_ =	sfence.sel $0xFFFF  }
0xc6: {  	[dreg:$0x0] =	wrdreg $0xFFFFFFFF;
	(pc) =	sbr.abs _section_cstart, $3  }
0xc7: {  	[dreg:$0x1] =	wrdreg $0xFFFFFFFF  }
0xc8: {  	_ =	task.clear_ibuf [dreg:s18], $0x2FFFF;
	_ =	strace $0x9FFFFFFF  }
0xc9: {  	(tm) =	ssettm $0x7FFFFFFF  }
tec
execute0_lowered:
.L_overlay_start_1:
0x0: {  	(tag) =	ssettag $0x1  }
0x1: {  	s2 =	rddreg [dreg:$0x0]  }
0x2: {  	s4 =	rddreg [dreg:$0x1]  }
0x3: {  	s0 =	rddreg [dreg:$0x2];
	s3 =	stileid.u32  }
0x4: {  	[bflag:$0x3] =	sbarrier.arrive $0xFFFF;
	s1 =	simm.s32 $_size_execute1_lowered;
	p0 =	sne.s32 s3, $0x0  }
0x5: {  	s1 =	sshll.u32 s1, $0x1;
	s5 =	simm.s32 @!p0 $0x1C3F;
	s6 =	simm.s32 @!p0 $0x4060  }
0x6: {  	[timem:s6], [sflag:s5] =	dma.local @!p0 [hbm:s2], s1  }
0x7: {  	s2 =	smul.u32 $0x280, s3  }
.Ltmp0:
0x8: {  	s31 =	simm.s32 $0x2;
	s7 =	simm.s32 $0x280;
	(pc) =	sbr.rel .LBB2_1-.Ltmp0, $4  }
0x9: {  	s8 =	simm.s32 $0x780;
	s10 =	simm.s32 $0x0;
	s9 =	simm.s32 $0x0  }
0xa: {  	s3 =	simm.s32 $0x1;
	_ =	strace $0x80000047;
	s30 =	sshrl.u32 s2, $0x3  }
0xb: {  	s6 =	simm.s32 $0x0;
	[sflag:s3] =	ssyncpa.u1 $0x0;
	s5 =	sadd.s32 s30, s4  }
0xc: {  	s4 =	sadd.s32 $0x29800, s4;
	[sflag:s31] =	ssyncpa.u1 $0x0;
	s5 =	sadd.s32 $0x29200, s5  }
.LBB2_8:
0xd: {  	p1 =	seq.s32 s9, $0x2  }
.Ltmp1:
0xe: {  	_ = 	snop;
	(pc) =	sbr.rel @p1 .LBB2_10-.Ltmp1, $1  }
0xf: {  	_ =	sdelay $0x3  }
.LBB2_9:
0x10: {  	s9 =	sadd.s32 $0x1, s9;
	s10 =	smov.u32 s2  }
.LBB2_1:
0x11: {  	p1 =	sne.s32 s9, $0x0  }
.Ltmp2:
0x12: {  	_ = 	snop;
	(pc) =	sbr.rel @!p1 .LBB2_2-.Ltmp2, $1  }
0x13: {  	_ =	sdelay $0x3  }
0x14: {  	s11 =	sand.u32 $0x1, s9  }
0x15: {  	p1 =	seq.s32 s11, $0x0  }
.Ltmp3:
0x16: {  	_ = 	snop;
	(pc) =	sbr.rel @p1 .LBB2_8-.Ltmp3, $1  }
0x17: {  	_ =	sdelay $0x3  }
0x18: {  	_ =	swait.ge [sflag:s3], $0x280  }
0x19: {  	[sflag:s3] =	ssyncset.done $0x0  }
0x1a: {  	s11 =	simm.s32 $0x0;
	p1 =	por $0x1, $0x1;
	[sflag:s3] =	ssyncadd.s32 $0xFFFFFD80  }
.LBB2_5:
0x1b: {  	v0 =	vld [tilespmem:s11+$0x280]  }
0x1c: {  	v1 =	vld [tilespmem:s11+$0x290]  }
0x1d: {  	v2 =	vld [tilespmem:s11+$0x2A0]  }
0x1e: {  	v3 =	vld [tilespmem:s11+$0x2B0]  }
0x1f: {  	v4 =	vld [tilespmem:s11+$0x2C0]  }
0x20: {  	v53 =	vld [tilespmem:s11+$0x2D0];
	[tilespmem:s11+$0x780] =	vst v0  }
0x21: {  	v54 =	vld [tilespmem:s11+$0x2E0];
	[tilespmem:s11+$0x790] =	vst v1  }
0x22: {  	v55 =	vld [tilespmem:s11+$0x2F0];
	[tilespmem:s11+$0x7A0] =	vst v2  }
0x23: {  	v56 =	vld [tilespmem:s11+$0x300];
	[tilespmem:s11+$0x7B0] =	vst v3  }
0x24: {  	v57 =	vld [tilespmem:s11+$0x310];
	[tilespmem:s11+$0x7C0] =	vst v4  }
0x25: {  	v58 =	vld [tilespmem:s11+$0x320];
	[tilespmem:s11+$0x7D0] =	vst v53  }
0x26: {  	v59 =	vld [tilespmem:s11+$0x330];
	[tilespmem:s11+$0x7E0] =	vst v54  }
0x27: {  	v60 =	vld [tilespmem:s11+$0x340];
	[tilespmem:s11+$0x7F0] =	vst v55  }
0x28: {  	v61 =	vld [tilespmem:s11+$0x350];
	[tilespmem:s11+$0x800] =	vst v56  }
0x29: {  	v62 =	vld [tilespmem:s11+$0x360];
	[tilespmem:s11+$0x810] =	vst v57  }
0x2a: {  	v63 =	vld [tilespmem:s11+$0x370];
	p2 =	por p1, p1;
	[tilespmem:s11+$0x820] =	vst v58  }
.Ltmp4:
0x2b: {  	[tilespmem:s11+$0x830] =	vst v59;
	(pc) =	sbr.rel @p2 .LBB2_5-.Ltmp4, $4  }
0x2c: {  	[tilespmem:s11+$0x840] =	vst v60  }
0x2d: {  	[tilespmem:s11+$0x850] =	vst v61  }
0x2e: {  	s12 =	simm.s32 $0x1F0;
	s13 =	simm.s32 $0x980;
	[tilespmem:s11+$0x860] =	vst v62  }
0x2f: {  	s14 =	simm.s32 $0x480;
	p1 =	por $0x0, $0x0;
	[tilespmem:s11+$0x870] =	vst v63;
	s11 =	simm.s32 $0x100  }
.LBB2_6:
0x30: {  	s12 =	sadd.s32 $0x10, s12  }
0x31: {  	v0 =	vld [tilespmem:s14+$0x0];
	p1 =	slt.u32 s12, $0x270  }
.Ltmp5:
0x32: {  	_ = 	snop;
	(pc) =	sbr.rel @p1 .LBB2_6-.Ltmp5, $2  }
0x33: {  	_ =	sdelay $0x2  }
0x34: {  	s14 =	sadd.s32 $0x10, s14;
	[tilespmem:s13+$0x0] =	vst v0;
	s13 =	sadd.s32 $0x10, s13  }
.Ltmp6:
0x35: {  	(pc) =	sbr.rel .LBB2_8-.Ltmp6, $4  }
0x36: {  	_ = 	snop  }
0x37: {  	s10 =	sshrl.u32 s10, $0x3  }
0x38: {  	s10 =	sadd.s32 s4, s10  }
0x39: {  	[hbm4b:s10+s6] =	stream.linear.scatter [tilespmem:s8], [sflag:$0x2], $0x280, $0x38;
	[tilespmem:$0xA00] =	vst v63  }
.LBB2_2:
.Ltmp7:
0x3a: {  	(pc) =	sbr.rel .LBB2_9-.Ltmp7, $2  }
0x3b: {  	_ =	sdelay $0x2  }
0x3c: {  	[tilespmem:s7], [sflag:$0x1] =	stream.linear.gather [hbm4b:s5+s6], $0x280, $0x38;
	[tilespmem:$0xA00] =	vst v63  }
.LBB2_10:
0x3d: {  	s2 =	simm.s32 $0x2  }
0x3e: {  	_ =	swait.ge [sflag:s2], $0x280  }
0x3f: {  	[sflag:s2] =	ssyncset.done $0x0  }
0x40: {  	[sflag:s2] =	ssyncadd.s32 $0xFFFFFD80  }
0x41: {  	_ =	sfence.sel $0x180000  }
0x42: {  	s3 =	simm.s32 $0x1;
	[bflag:$0x0] =	sbarrier.arrive $0xFFFF  }
0x43: {  	[sflag:s3] =	ssyncpa.u1 $0x1  }
0x44: {  	[sflag:s2] =	ssyncpa.u1 $0x1  }
0x45: {  	_ =	strace $0x90000047  }
0x46: {  	s0 =	sadd.s32 @!p0 $0x100000, s0;
	[bflag:$0x2] =	sbarrier.arrive $0xFFFF  }
0x47: {  	[sflag:s0] =	ssyncadd.tile.s32 @!p0 $0x1;
	s0 =	simm.s32 @!p0 $0x3F  }
0x48: {  	_ =	swait.ge @!p0 [sflag:s0], s1  }
0x49: {  	s1 =	ssub.s32 @!p0 $0x0, s1;
	[sflag:s0] =	ssyncset.done @!p0 $0x0  }
0x4a: {  	[sflag:s0] =	ssyncadd.s32 @!p0 s1  }
0x4b: {  	[bflag:$0x3] =	sbarrier.arrive $0xFFFF  }
0x4c: {  	_ =	shalt  }
.Lfunc_end2:
execute1_lowered:
.L_overlay_start_2:
0x4d: {  	(tag) =	ssettag $0x2  }
0x4e: {  	s0 =	rddreg [dreg:$0x0];
	_ =	strace $0x8000004A;
	s15 =	stileid.u32  }
0x4f: {  	s2 =	simm.s32 $0x1;
	s1 =	smin.u32 s15, $0x8;
	s3 =	sshll.u32 s15, $0x1  }
0x50: {  	v1 =	vimm.s32 $0xFFFFFFFF;
	[sflag:s2] =	ssyncpa.u1 $0x0;
	s1 =	sadd.s32 s1, s3  }
0x51: {  	p0 =	slt.u32 s15, $0x8;
	[tilespmem:$0x10] =	vst v1;
	s4 =	smul.u32 $0x1F40, s1;
	s1 =	simm.s32 $0x5DC0  }
0x52: {  	v0 =	vimm.f32 $0.0e+00;
	[tilespmem:$0x20] =	vst v1;
	s1 =	simm.s32 @!p0 $0x3E80  }
0x53: {  	[tilespmem:$0x30] =	vst v0;
	s1 =	sadd.s32 s1, s4  }
0x54: {  	[tilespmem:$0x40] =	vst v0;
	s5 =	smin.u32 s1, $0x4E200  }
0x55: {  	s7 =	simm.s32 $0x2;
	s8 =	simm.s32 $0x8;
	[tilespmem:$0x50] =	vst v0;
	s9 =	ssub.s32 s5, s4  }
0x56: {  	s31 =	simm.s32 $0x9;
	s16 =	simm.s32 $0x0;
	[tilespmem:$0x60] =	vst v1;
	p0 =	sgt.s32 s9, $0x0  }
0x57: {  	s17 =	simm.s32 $0xF0;
	s18 =	simm.s32 $0xFFFFFFFF;
	[tilespmem:$0x70] =	vst v1;
	s9 =	simm.s32 @!p0 $0x0  }
0x58: {  	s19 =	simm.s32 $0xFFFFC280;
	s20 =	simm.s32 $0xFFFFFFFE;
	[tilespmem:$0x80] =	vst v1;
	s30 =	smulhi.u32 $0x10624DD3, s9  }
0x59: {  	s21 =	simm.s32 $0xF;
	s25 =	simm.s32 $0x0;
	s24 =	simm.s32 $0x0;
	v1 =	vimm.s32 $0x0;
	[tilespmem:$0xB0] =	vst v0  }
0x5a: {  	s6 =	sadd.s32 $0x15600, s0;
	s15 =	sshllo.u32 s15, $0x1;
	[tilespmem:$0x90] =	vst v1;
	s10 =	sshrl.u32 s30, $0x9  }
0x5b: {  	[tilespmem:$0xA0] =	vst v1;
	[sflag:s7] =	ssyncpa.u1 $0x0;
	s7 =	simm.s32 $0x7;
	s11 =	smul.u32 $0x1F40, s10  }
.Ltmp8:
0x5c: {  	s13 =	sor.u32 $0x80, s3;
	[sflag:s7] =	ssyncpa.u1 $0x0;
	(pc) =	sbr.rel .LBB3_1-.Ltmp8, $4  }
0x5d: {  	s14 =	sor.u32 $0x81, s3;
	[sflag:s8] =	ssyncpa.u1 $0x0;
	p0 =	sne.s32 s9, s11  }
0x5e: {  	s23 =	smov.u32 s4;
	s1 =	sadd.s32 $0x29800, s0;
	s2 =	simm.s32 @!p0 $0x0  }
0x5f: {  	vm0 =	vmmov $0xffff;
	v2 =	vlaneseq.u32;
	[sflag:s31] =	ssyncpa.u1 $0x0;
	s9 =	sadd.s32 $0x1F400, s0;
	s10 =	sadd.s32 s2, s10  }
0x60: {  	vm1 =	vmxor vm1, vm1;
	vm2 =	vmmov $0x1;
	vm3 =	vcmask $0x3F3C;
	p0 =	por $0x0, $0x0;
	s11 =	sadd.s32 $0x1, s10;
	s12 =	sadd.s32 $0x2, s10  }
.LBB3_9:
0x61: {  	p1 =	slt.u32 s24, $0x3  }
0x62: {  	s0 =	simm.s32 @!p1 $0x2  }
0x63: {  	_ =	swait.ge @!p1 [sflag:s0], $0x1F40  }
0x64: {  	[sflag:s0] =	ssyncset.done @!p1 $0x0  }
0x65: {  	[sflag:s0] =	ssyncadd.s32 @!p1 $0xFFFFE0C0;
	s0 =	simm.s32 @!p1 $0x9  }
0x66: {  	_ =	swait.ge @!p1 [sflag:s0], $0x10  }
0x67: {  	[sflag:s0] =	ssyncset.done @!p1 $0x0  }
0x68: {  	[sflag:s0] =	ssyncadd.s32 @!p1 $0xFFFFFFF0;
	p1 =	sne.s32 s24, s12  }
.Ltmp9:
0x69: {  	s2 =	sadd.s32 $0x1F40, s23;
	(pc) =	sbr.rel @!p1 .LBB3_10-.Ltmp9, $4  }
0x6a: {  	s22 =	smov.u32 s4;
	s31 =	sadd.s32 $0x1, s24;
	s17 =	sadd.s32 $0x1F40, s17  }
0x6b: {  	s18 =	sadd.s32 $0x1, s18;
	s25 =	smov.u32 s23;
	p2 =	slt.s32 s2, s5  }
0x6c: {  	p0 =	por !p0, !p0;
	s19 =	sadd.s32 $0x1F40, s19;
	s22 =	smov.u32 @p2 s2  }
0x6d: {  	s20 =	sadd.s32 $0x1, s20;
	s23 =	smov.u32 s22;
	s24 =	smov.u32 s31  }
.LBB3_1:
0x6e: {  	p1 =	sge.u32 s24, s10  }
0x6f: {  	s0 =	smulhi.u32 @!p1 $0xAAAAAAAB, s24;
	_ =	sdelay $0x1  }
0x70: {  	s0 =	sshrl.u32 @!p1 s0, $0x1  }
0x71: {  	s0 =	smul.u32 @!p1 $0x3, s0;
	_ =	sdelay $0x1  }
0x72: {  	s0 =	ssub.s32 @!p1 s24, s0  }
0x73: {  	s0 =	smul.u32 @!p1 $0x7D00, s0;
	_ =	sdelay $0x1  }
0x74: {  	s2 =	sshrl.u32 @!p1 s23, $0x3;
	s0 =	sshrl.u32 @!p1 s0, $0x2  }
0x75: {  	s22 =	sand.u32 @!p1 $0x7, s23;
	s2 =	sadd.s32 @!p1 s6, s2;
	s0 =	sadd.s32 @!p1 $0x100, s0  }
0x76: {  	[tilespmem:s0], [sflag:$0x7] =	stream.linear.gather @!p1 [hbm4b:s2+s22], $0x1F40, $0x38;
	[tilespmem:$0x11A60] =	vst v63  }
0x77: {  	s0 =	sadd.s32 $0xFFFFFFFF, s24  }
0x78: {  	p1 =	sge.u32 s0, s10  }
.Ltmp10:
0x79: {  	_ = 	snop;
	(pc) =	sbr.rel @p1 .LBB3_5-.Ltmp10, $1  }
0x7a: {  	_ =	sdelay $0x3  }
0x7b: {  	s2 =	smulhi.u32 $0xAAAAAAAB, s0;
	_ =	sdelay $0x1  }
0x7c: {  	s2 =	sshrl.u32 s2, $0x1  }
0x7d: {  	s2 =	smul.u32 $0x3, s2;
	_ =	sdelay $0x1  }
0x7e: {  	s2 =	ssub.s32 s0, s2  }
0x7f: {  	s2 =	smul.u32 $0x7D00, s2  }
0x80: {  	_ =	swait.ge [sflag:s7], $0x1F40  }
0x81: {  	[sflag:s7] =	ssyncset.done $0x0;
	s2 =	sshrl.u32 s2, $0x2  }
0x82: {  	[sflag:s7] =	ssyncadd.s32 $0xFFFFE0C0;
	(ifvalue) =	ssetifvalue $0xFFFFFFFF;
	v3 =	vld.msk [tilespmem:s2+$0x100 ss:$0x1], $0xffff;
	_ =	sdelay $0x2  }
0x83: {  	s30 =	smulhi.u32 $0xAAAAAAAB, s18;
	p1 =	sne.s32 s24, $0x1  }
0x84: {  	v4 =	vimm.s32 @!p1 $0x0  }
0x85: {  	s2 =	sshrl.u32 s30, $0x1;
	v4 =	vperm.xlane @!p1 v3, v4  }
0x86: {  	s22 =	sshll.u32 s24, $0x4;
	s2 =	smul.u32 $0xFFFE8900, s2;
	vm4 =	vlt.u32 v3, $0x2800  }
0x87: {  	s22 =	sand.u32 $0x10, s22;
	v3 =	vnsel vm4, $0xFFFFFFFE, v3;
	vm4 =	vlt.u32 @!p1 v4, $0x2800  }
0x88: {  	s2 =	sshra.s32 s2, $0x2;
	[tilespmem:s22+$0x60] =	vst v3;
	v3 =	vnsel @!p1 vm4, $0xFFFFFFFE, v4  }
0x89: {  	s28 =	sadd.s32 s2, s17;
	[tilespmem:$0x80] =	vst @!p1 v3  }
0x8a: {  	v3 =	vld.msk [tilespmem:s28+$0x0 ss:$0x1], $0xffff;
	_ =	sdelay $0x4  }
0x8b: {  	(xrf1) =	vunique.msk.u32 $0xffff, v3;
	_ =	sdelay $0xd  }
0x8c: {  	v4 =	vimm.s32 $0xFFFFFFFF;
	v5, _, _ =	vpop (xrf1)  }
0x8d: {  	vm5 =	vne.s32 v3, v4;
	vm4 =	veq.s32 v5, v2  }
0x8e: {  	vm6 =	vlt.u32 v3, $0x2800;
	vm4 =	vmand vm5, vm4  }
0x8f: {  	vm4 =	vmand vm6, vm4  }
0x90: {  	v4 =	vnsel vm4, $0xFFFFFFFF, v3  }
0x91: {  	s31 =	sand.u32 $0x1, s0  }
0x92: {  	s0 =	simm.s32 $0x1F40;
	p1 =	seq.s32 s31, $0x1  }
0x93: {  	s0 =	simm.s32 @!p1 $0x0  }
0x94: {  	s26 =	sadd.s32 $0x7DF0, s0;
	(ifvalue) =	ssetifvalue $0xFFFFFFFF  }
0x95: {  	v3 =	vperm.xlane v3, v1;
	[tilespmem:s26], [sflag:$0x8] =	stream.indirect_vreg.gather [hbm4b:s1+s16], $0x1, v4, vm0, $0x4038;
	v4 =	vnsel vm6, $0xFFFFFFFE, v4;
	[tilespmem:$0x11A60] =	vst v63  }
0x96: {  	s2 =	simm.s32 $0x0;
	s22 =	sadd.s32 $0xFFFFFFF0, s28;
	[tilespmem:s28+$0x0] =	vst v4  }
.LBB3_3:
0x97: {  	v4 =	vld.msk [tilespmem:s22+$0x0 ss:$0x1], $0xffff;
	s2 =	sadd.s32 $0x10, s2;
	v5 =	vmov v3;
	s28 =	smov.u32 s22  }
0x98: {  	p1 =	slt.u32 s2, $0x1F30;
	_ =	sdelay $0x4  }
0x99: {  	v3 =	vperm.xlane v4, v1;
	(xrf1) =	vunique.msk.u32 $0xffff, v4;
	_ =	sdelay $0xd  }
0x9a: {  	v6, _, _ =	vpop (xrf1)  }
0x9b: {  	vm5 =	vne.s32 v4, v5;
	vm4 =	veq.s32 v6, v2  }
0x9c: {  	vm6 =	vlt.u32 v4, $0x2800;
	vm4 =	vmand vm5, vm4  }
0x9d: {  	vm4 =	vmand vm6, vm4  }
0x9e: {  	v4 =	vnsel vm4, $0xFFFFFFFF, v4  }
.Ltmp11:
0x9f: {  	v5 =	vnsel vm6, $0xFFFFFFFE, v4;
	(pc) =	sbr.rel @p1 .LBB3_3-.Ltmp11, $3  }
0xa0: {  	_ =	sdelay $0x1  }
0xa1: {  	s22 =	sadd.s32 $0xFFFFFFF0, s22;
	s26 =	sadd.s32 $0xFFFFFFF0, s26;
	(ifvalue) =	ssetifvalue $0xFFFFFFFF  }
0xa2: {  	[tilespmem:s26], [sflag:$0x8] =	stream.indirect_vreg.gather [hbm4b:s1+s16], $0x1, v4, vm0, $0x4038;
	[tilespmem:s28+$0x0] =	vst v5  }
0xa3: {  	s2 =	sshrl.u32 s25, $0x3  }
0xa4: {  	s0 =	sadd.s32 $0x9D40, s0;
	s2 =	sadd.s32 s9, s2  }
0xa5: {  	[tilespmem:s0], [sflag:$0x8] =	stream.linear.gather [hbm:s2], $0x1F40, $0x38;
	[tilespmem:$0x11A60] =	vst v63  }
.LBB3_5:
0xa6: {  	p1 =	slt.u32 s24, $0x2  }
0xa7: {  	p2 =	sge.u32 @!p1 s24, s12  }
0xa8: {  	p1 =	por p1, p2  }
.Ltmp12:
0xa9: {  	_ = 	snop;
	(pc) =	sbr.rel @p1 .LBB3_9-.Ltmp12, $1  }
0xaa: {  	_ =	sdelay $0x3  }
0xab: {  	s0 =	sadd.s32 $0xFFFFFFFE, s24  }
0xac: {  	s2 =	smulhi.u32 $0xAAAAAAAB, s0;
	_ =	sdelay $0x1  }
0xad: {  	s2 =	sshrl.u32 s2, $0x1  }
0xae: {  	s2 =	smul.u32 $0x3, s2;
	_ =	sdelay $0x1  }
0xaf: {  	s0 =	ssub.s32 s0, s2  }
0xb0: {  	_ =	swait.ge [sflag:s8], $0x3E80;
	s0 =	smul.u32 $0x1F40, s0  }
0xb1: {  	p1 =	sne.s32 s24, s11;
	[sflag:s8] =	ssyncset.done $0x0  }
0xb2: {  	[sflag:s8] =	ssyncadd.s32 $0xFFFFC180;
	s2 =	sadd.s32 @!p1 $0x203F, s0  }
0xb3: {  	[spmem:s14] =	stream.linear.scatter @!p1 [tilespmem:s2], [sflag:$0x1], $0x1, $0x38;
	[tilespmem:$0x11A60] =	vst v63  }
0xb4: {  	s2 =	simm.s32 @!p1 $0x1  }
0xb5: {  	_ =	swait.ge @!p1 [sflag:s2], $0x1  }
0xb6: {  	s22 =	sshll.u32 s24, $0x4;
	[sflag:s2] =	ssyncset.done @!p1 $0x0  }
0xb7: {  	s25 =	sand.u32 $0x10, s22;
	[sflag:s2] =	ssyncadd.s32 @!p1 $0xFFFFFFFF  }
0xb8: {  	s2 =	sxor.u32 $0x10, s25;
	v4 =	vld [tilespmem:s25+$0x10]  }
0xb9: {  	v5 =	vld [tilespmem:s2+$0x60]  }
0xba: {  	v3 =	vld [tilespmem:$0x80];
	_ =	sdelay $0x2  }
0xbb: {  	(v2sf) =	vpush v4, $0x0  }
0xbc: {  	(v2sf) =	vpush v5, $0x0  }
0xbd: {  	(v2sf) =	vpush v3, $0x0;
	_ =	sdelay $0xc  }
0xbe: {  	s22 =	spop (v2sf)  }
0xbf: {  	s26 =	spop (v2sf)  }
0xc0: {  	s28 =	spop (v2sf)  }
0xc1: {  	p2 =	seq.s32 s22, s26;
	p3 =	seq.s32 s28, s22  }
0xc2: {  	p3 =	por p2, p3  }
0xc3: {  	s26 =	sand.u32 $0x1, s24;
	v4 =	vpsel p3, $0xFFFFFFFF, v4  }
0xc4: {  	s29 =	smul.u32 $0x1F40, s26;
	[tilespmem:s25+$0x10] =	vst.msk $0x1, v4  }
0xc5: {  	v4 =	vld [tilespmem:$0x30]  }
0xc6: {  	v5 =	vld [tilespmem:s29+$0x9D40]  }
0xc7: {  	v6 =	vld [tilespmem:s25+$0x40];
	_ =	sdelay $0x3  }
0xc8: {  	vm4 =	vmmov vm1;
	v5 =	vadd.f32 v5, v4  }
0xc9: {  	vm5 =	vmmov vm2;
	vm4 =	vmmov @p2 vm2;
	s22 =	sshll.u32 s26, $0x4;
	v4 =	vadd.f32 v6, v4  }
0xca: {  	s26 =	sor.u32 $0x11A40, s22;
	vm5 =	vmmov @p3 vm1;
	[tilespmem:s29+$0x9D40] =	vst.msk vm4, v5  }
0xcb: {  	[tilespmem:s26+$0x0] =	vst.msk vm5, v4  }
0xcc: {  	v4 =	vld [tilespmem:s29+$0x7DF0];
	_ =	sdelay $0x3  }
0xcd: {  	v5 =	vimm.f32 $0.0e+00  }
0xce: {  	v4 =	vshift.insert v4, v5, s21  }
0xcf: {  	s22 =	sor.u32 $0x40, s2  }
0xd0: {  	[tilespmem:s22+$0x0] =	vst.msk $0x1, v4  }
0xd1: {  	[tilespmem:s29+$0x7DFF] =	vst.msk $0x1, v5  }
0xd2: {  	v4 =	vld [tilespmem:s0+$0x2030];
	_ =	sdelay $0x1  }
0xd3: {  	s22 =	smulhi.u32 $0xAAAAAAAB, s20;
	s0 =	simm.s32 $0x1  }
0xd4: {  	s0 =	simm.s32 @!p0 $0x0  }
0xd5: {  	s22 =	sshrl.u32 s22, $0x1;
	s0 =	smul.u32 $0x7D00, s0  }
0xd6: {  	s22 =	smul.u32 $0xFFFE8900, s22;
	v4 =	vshift.insert v4, v1, s21  }
0xd7: {  	s0 =	sshrl.u32 s0, $0x2  }
0xd8: {  	s22 =	sshra.s32 s22, $0x2;
	s30 =	sadd.s32 $0x9D40, s0;
	[tilespmem:s2+$0x10] =	vst.msk $0x1, v4  }
0xd9: {  	s22 =	sadd.s32 s22, s19;
	v6 =	vld [tilespmem:s30+$0x0]  }
0xda: {  	v7 =	vld [tilespmem:s22+$0x0];
	_ =	sdelay $0x3  }
0xdb: {  	v5 =	vadd.f32 v6, v5  }
0xdc: {  	vm4 =	vne.s32 v7, $0xFFFFFFFF  }
0xdd: {  	(xrf2) =	vadd.seg.scan.f32 vm4, v5;
	_ =	sdelay $0x3  }
0xde: {  	s31 =	sadd.s32 $0x5EC0, s0;
	v5 =	vperm.xlane v4, v1  }
0xdf: {  	v6 =	vld [tilespmem:s31+$0x0]  }
0xe0: {  	vm5 =	veq.s32 v7, v3;
	vm6 =	veq.s32 v7, v5  }
0xe1: {  	vm7 =	vgt.u32 v7, $0xFFFFFFFD;
	vm6 =	vmor vm6, vm5  }
0xe2: {  	vm6 =	vmor vm6, vm7  }
0xe3: {  	v9 =	vld [tilespmem:$0xA0];
	v7 =	vsel vm6, $0xFFFFFFFF, v7  }
0xe4: {  	v10 =	vld [tilespmem:$0x90];
	v6 =	vsel vm5, $0x0, v6;
	v8, _, _ =	vpop (xrf2)  }
0xe5: {  	v6 =	vadd.f32 v8, v6  }
0xe6: {  	s0 =	sadd.s32 $0xDBC0, s0  }
0xe7: {  	vm4 =	vmand vm4, vm3;
	[tilespmem:s0+$0x0] =	vst v6;
	(ifvalue) =	ssetifvalue $0xFFFFFFFF  }
0xe8: {  	vm6 =	veq.s32 v9, $0x1;
	[hbm4b:s1+s16] =	stream.indirect_vreg.scatter [tilespmem:s0], [sflag:$0x2], $0x1, v7, vm0, $0x4038;
	v7 =	vsel vm4, $0x0, v8;
	[tilespmem:$0x11A60] =	vst v63  }
0xe9: {  	s2 =	simm.s32 $0x0;
	s22 =	sadd.s32 $0x10, s22;
	vm4 =	vmor vm6, vm5;
	v6 =	vsel vm5, v8, v10;
	v7 =	vshift.insert v7, v0, s21  }
.LBB3_7:
0xea: {  	v8 =	vld [tilespmem:s22+$0x0];
	s30 =	sadd.s32 $0x10, s30  }
0xeb: {  	s31 =	sadd.s32 $0x10, s31;
	v9 =	vld [tilespmem:s30+$0x0]  }
0xec: {  	s2 =	sadd.s32 $0x10, s2;
	v10 =	vld [tilespmem:s31+$0x0]  }
0xed: {  	p2 =	slt.u32 s2, $0x1F30;
	_ =	sdelay $0x2  }
0xee: {  	v7 =	vadd.f32 v9, v7  }
0xef: {  	vm5 =	vne.s32 v8, $0xFFFFFFFF  }
0xf0: {  	vm6 =	vmand vm5, vm3;
	(xrf2) =	vadd.seg.scan.f32 vm5, v7;
	_ =	sdelay $0x5  }
0xf1: {  	vm7 =	veq.s32 v8, v5;
	vm5 =	veq.s32 v8, v3  }
0xf2: {  	vm8 =	vgt.u32 v8, $0xFFFFFFFD;
	vm4 =	vmor vm4, vm5;
	vm7 =	vmor vm7, vm5  }
0xf3: {  	vm7 =	vmor vm7, vm8  }
0xf4: {  	v8 =	vsel vm7, $0xFFFFFFFF, v8  }
.Ltmp13:
0xf5: {  	v7 =	vsel vm5, $0x0, v10;
	v9, _, _ =	vpop (xrf2);
	(pc) =	sbr.rel @p2 .LBB3_7-.Ltmp13, $4  }
0xf6: {  	v6 =	vsel vm5, v9, v6;
	v10 =	vadd.f32 v9, v7;
	v7 =	vsel vm6, $0x0, v9  }
0xf7: {  	s0 =	sadd.s32 $0x10, s0;
	v7 =	vshift.insert v7, v0, s21  }
0xf8: {  	s22 =	sadd.s32 $0x10, s22;
	[tilespmem:s0+$0x0] =	vst v10;
	(ifvalue) =	ssetifvalue $0xFFFFFFFF  }
0xf9: {  	[hbm4b:s1+s16] =	stream.indirect_vreg.scatter [tilespmem:s0], [sflag:$0x2], $0x1, v8, vm0, $0x4038;
	[tilespmem:$0x11A60] =	vst v63  }
0xfa: {  	v3 =	vld [tilespmem:s29+$0xFAF0];
	_ =	sdelay $0x4  }
0xfb: {  	v3 =	vshift.insert v3, v0, s21  }
0xfc: {  	s0 =	simm.s32 $0x30  }
0xfd: {  	[tilespmem:s0+$0x0] =	vst.msk $0x1, v3  }
0xfe: {  	v3 =	vsel vm4, $0x1, v1;
	[tilespmem:$0x90] =	vst v6  }
0xff: {  	s0 =	sadd.s32 @!p1 $0xFAFF, s29;
	[tilespmem:$0xA0] =	vst v3  }
0x100: {  	[spmem:s15] =	stream.linear.scatter @!p1 [tilespmem:s0], [sflag:$0x1], $0x1, $0x38;
	[tilespmem:$0x11A60] =	vst v63  }
0x101: {  	s0 =	simm.s32 @!p1 $0x1  }
0x102: {  	v3 =	vmctz.xlane @!p1 vm4;
	_ =	swait.ge @!p1 [sflag:s0], $0x1  }
0x103: {  	(v2sf) =	vpush @!p1 v4, $0x0  }
0x104: {  	(v2sf) =	vpush @!p1 v3, $0x0;
	_ =	sdelay $0xd  }
0x105: {  	s2 =	spop @!p1 (v2sf)  }
0x106: {  	s22 =	spop @!p1 (v2sf)  }
0x107: {  	p2 =	sne.s32 @!p1 s28, s2;
	p3 =	slt.s32 @!p1 s22, $0xF  }
0x108: {  	[sflag:s0] =	ssyncset.done @!p1 $0x0;
	p2 =	por p2, p1;
	p3 =	por !p3, p1  }
0x109: {  	[sflag:s0] =	ssyncadd.s32 @!p1 $0xFFFFFFFF;
	v3 =	vimm.s32 @!p2 $0xFFFFFFFF;
	s22 =	simm.s32 @p3 $0xF  }
0x10a: {  	[tilespmem:$0x80] =	vst @!p2 v3;
	s2 =	sadd.s32 @!p1 $0x90, s22  }
0x10b: {  	[spmem:s3] =	stream.linear.scatter @!p1 [tilespmem:s2], [sflag:$0x1], $0x1, $0x38;
	[tilespmem:$0x11A60] =	vst v63  }
0x10c: {  	_ =	swait.ge @!p1 [sflag:s0], $0x1  }
0x10d: {  	[sflag:s0] =	ssyncset.done @!p1 $0x0  }
0x10e: {  	s2 =	simm.s32 @!p1 $0x80;
	[sflag:s0] =	ssyncadd.s32 @!p1 $0xFFFFFFFF  }
0x10f: {  	[spmem:s13] =	stream.linear.scatter @!p1 [tilespmem:s2], [sflag:$0x1], $0x1, $0x38;
	[tilespmem:$0x11A60] =	vst v63  }
0x110: {  	_ =	swait.ge @!p1 [sflag:s0], $0x1  }
0x111: {  	[sflag:s0] =	ssyncset.done @!p1 $0x0  }
0x112: {  	[sflag:s0] =	ssyncadd.s32 @!p1 $0xFFFFFFFF;
	(ifvalue) =	ssetifvalue $0xFFFFFFFF;
	v3 =	vld [tilespmem:s25+$0x10];
	_ =	sdelay $0x3  }
.Ltmp14:
0x113: {  	_ = 	snop;
	(pc) =	sbr.rel .LBB3_9-.Ltmp14, $3  }
0x114: {  	_ =	sdelay $0x1  }
0x115: {  	(ifvalue) =	ssetifvalue $0xFFFFFFFF  }
0x116: {  	[hbm4b:s1+s16] =	stream.indirect_vreg.scatter [tilespmem:s26], [sflag:$0x9], $0x1, v3, vm0, $0x4038;
	[tilespmem:$0x11A60] =	vst v63  }
.LBB3_10:
0x117: {  	_ =	sfence.sel $0x180000  }
0x118: {  	s0 =	simm.s32 $0x7;
	[bflag:$0x0] =	sbarrier.arrive $0xFFFF  }
0x119: {  	s26 =	simm.s32 $0x8;
	[sflag:s0] =	ssyncpa.u1 $0x1  }
0x11a: {  	s28 =	simm.s32 $0x9;
	[sflag:s26] =	ssyncpa.u1 $0x1  }
0x11b: {  	[sflag:s28] =	ssyncpa.u1 $0x1  }
0x11c: {  	_ =	sfence.stream.spmem  }
0x11d: {  	s29 =	simm.s32 $0x3;
	[bflag:$0x0] =	sbarrier.arrive $0xFFFF  }
0x11e: {  	s30 =	simm.s32 $0x4;
	[sflag:s29] =	ssyncpa.u1 $0x1  }
0x11f: {  	s31 =	simm.s32 $0x3C;
	s2 =	stileid.u32;
	[sflag:s30] =	ssyncpa.u1 $0x1  }
0x120: {  	p0 =	sne.s32 s2, $0x0;
	[sflag:s31] =	ssyncpa.u1 $0x1  }
0x121: {  	s0 =	simm.s32 @p0 $0x1;
	_ =	sfence @p0  }
0x122: {  	[sflag:s0] =	ssyncpa.u1 @p0 $0x1;
	s0 =	simm.s32 @p0 $0x2  }
0x123: {  	[sflag:s0] =	ssyncpa.u1 @p0 $0x1  }
0x124: {  	_ =	strace @p0 $0x9000004A  }
0x125: {  	[bflag:$0x2] =	sbarrier.arrive @p0 $0xFFFF  }
0x126: {  	_ =	shalt @p0  }
.LBB3_11:
0x127: {  	_ =	sfence.stream.spmem;
	s0 =	simm.s32 $0x5  }
0x128: {  	s2 =	simm.s32 $0x80;
	s3 =	simm.s32 $0xC0;
	[sflag:s0] =	ssyncpa.u1 $0x0  }
0x129: {  	[tilespmem:s3], [sflag:$0x5] =	stream.linear.gather [spmem:s2], $0x20, $0x38;
	[tilespmem:$0x11A60] =	vst v63  }
0x12a: {  	s2 =	simm.s32 $0x0;
	s3 =	simm.s32 $0xE0  }
0x12b: {  	[tilespmem:s3], [sflag:$0x5] =	stream.linear.gather [spmem:s2], $0x20, $0x38;
	[tilespmem:$0x11A60] =	vst v63  }
.Ltmp15:
0x12c: {  	_ = 	snop;
	(pc) =	sbr.rel .LBB3_12-.Ltmp15, $4  }
0x12d: {  	_ =	swait.ge [sflag:s0], $0x40  }
0x12e: {  	[sflag:s0] =	ssyncset.done $0x0  }
0x12f: {  	s31 =	simm.s32 $0x6;
	[sflag:s0] =	ssyncadd.s32 $0xFFFFFFC0  }
0x130: {  	s4 =	simm.s32 $0x0;
	[sflag:s31] =	ssyncpa.u1 $0x0  }
.LBB3_17:
0x131: {  	p0 =	sgt.u32 s5, $0x27FF  }
0x132: {  	s0 =	sshrl.u32 @!p0 s5, $0x3  }
0x133: {  	s5 =	sand.u32 @!p0 $0x7, s5;
	s6 =	simm.s32 @!p0 $0xB0;
	s0 =	sadd.s32 @!p0 s1, s0  }
0x134: {  	[tilespmem:s6], [sflag:$0x6] =	stream.linear.gather @!p0 [hbm4b:s0+s5], $0x1, $0x38;
	[tilespmem:$0x11A60] =	vst v63  }
0x135: {  	s0 =	simm.s32 @!p0 $0x6  }
0x136: {  	_ =	swait.ge @!p0 [sflag:s0], $0x1  }
0x137: {  	[sflag:s0] =	ssyncset.done @!p0 $0x0  }
0x138: {  	[sflag:s0] =	ssyncadd.s32 @!p0 $0xFFFFFFFF  }
0x139: {  	v2 =	vmov @!p0 s4;
	v1 =	vld.msk @!p0 [tilespmem:$0xB0], $0x1;
	_ =	sdelay $0x3  }
0x13a: {  	s0 =	simm.s32 @!p0 $0xE0  }
0x13b: {  	[tilespmem:v2+s0+$0x0], v1 =	vst.idx.ret.add.f32.msk @!p0 $0x1, v1  }
0x13c: {  	[tilespmem:s2+$0xC0] =	vst.msk $0x1, v0  }
0x13d: {  	v0 =	vld.msk [tilespmem:s4+$0xE0], $0x1;
	_ =	sdelay $0x4  }
0x13e: {  	[tilespmem:s2+$0xE0] =	vst.msk $0x1, v0;
	s2 =	sadd.s32 $0x1, s2  }
.LBB3_19:
0x13f: {  	s4 =	sadd.s32 $0x1, s4  }
0x140: {  	p0 =	sne.s32 s4, $0x20  }
.Ltmp16:
0x141: {  	_ = 	snop;
	(pc) =	sbr.rel @!p0 .LBB3_20-.Ltmp16, $1  }
0x142: {  	_ =	sdelay $0x3  }
.LBB3_12:
0x143: {  	v0 =	vld.msk [tilespmem:s4+$0xC0], $0x1;
	_ =	sdelay $0x4  }
0x144: {  	(v2sf) =	vpush v0, $0x0;
	_ =	sdelay $0xe  }
0x145: {  	s5 =	spop (v2sf)  }
0x146: {  	p0 =	seq.s32 s5, $0xFFFFFFFF  }
.Ltmp17:
0x147: {  	_ = 	snop;
	(pc) =	sbr.rel @p0 .LBB3_19-.Ltmp17, $1  }
0x148: {  	_ =	sdelay $0x3  }
0x149: {  	p0 =	slt.s32 s2, $0x1  }
.Ltmp18:
0x14a: {  	_ = 	snop;
	(pc) =	sbr.rel @p0 .LBB3_17-.Ltmp18, $1  }
0x14b: {  	_ =	sdelay $0x3  }
0x14c: {  	s0 =	simm.s32 $0xC0;
	p0 =	por $0x0, $0x0  }
0x14d: {  	v1 =	vld.msk @!p0 [tilespmem:s0+$0x0], $0x1;
	_ =	sdelay $0x4  }
0x14e: {  	(v2sf) =	vpush @!p0 v1, $0x0;
	_ =	sdelay $0xd  }
0x14f: {  	p2 =	sne.s32 s2, $0x1  }
.Ltmp19:
0x150: {  	s6 =	spop @!p0 (v2sf);
	(pc) =	sbr.rel @!p2 .LBB3_16-.Ltmp19, $4  }
0x151: {  	p1 =	seq.s32 @!p0 s5, s6  }
0x152: {  	s6 =	simm.s32 $0x0;
	p1 =	por !p1, p0  }
0x153: {  	s8 =	simm.s32 $0xFFFFFFFF;
	s6 =	simm.s32 @p1 $0xFFFFFFFF  }
0x154: {  	s7 =	simm.s32 $0x1;
	s6 =	smov.u32 @p0 s8  }
.LBB3_15:
0x155: {  	s8 =	smov.u32 s6;
	p0 =	sne.s32 s6, $0xFFFFFFFF  }
0x156: {  	s0 =	sadd.s32 $0x1, s0;
	s6 =	smov.u32 s7;
	s7 =	sadd.s32 $0x1, s7  }
0x157: {  	p1 =	sne.s32 s2, s7;
	v1 =	vld.msk @!p0 [tilespmem:s0+$0x0], $0x1;
	_ =	sdelay $0x4  }
0x158: {  	(v2sf) =	vpush @!p0 v1, $0x0;
	_ =	sdelay $0xe  }
.Ltmp20:
0x159: {  	s9 =	spop @!p0 (v2sf);
	(pc) =	sbr.rel @p1 .LBB3_15-.Ltmp20, $4  }
0x15a: {  	p2 =	seq.s32 @!p0 s5, s9  }
0x15b: {  	p2 =	por !p2, p0  }
0x15c: {  	s6 =	simm.s32 @p2 $0xFFFFFFFF  }
0x15d: {  	s6 =	smov.u32 @p0 s8  }
.LBB3_16:
0x15e: {  	p0 =	sne.s32 s6, $0xFFFFFFFF  }
.Ltmp21:
0x15f: {  	_ = 	snop;
	(pc) =	sbr.rel @!p0 .LBB3_17-.Ltmp21, $1  }
0x160: {  	_ =	sdelay $0x3  }
0x161: {  	v0 =	vld.msk [tilespmem:s4+$0xE0], $0x1;
	v1 =	vmov s6  }
.Ltmp22:
0x162: {  	_ = 	snop;
	(pc) =	sbr.rel .LBB3_19-.Ltmp22, $2  }
0x163: {  	_ =	sdelay $0x2  }
0x164: {  	[tilespmem:v1+s3+$0x0], v0 =	vst.idx.ret.add.f32.msk $0x1, v0  }
.LBB3_20:
0x165: {  	p0 =	slt.s32 s2, $0x1  }
.Ltmp23:
0x166: {  	_ = 	snop;
	(pc) =	sbr.rel @p0 .LBB3_24-.Ltmp23, $3  }
0x167: {  	_ =	sdelay $0x1  }
0x168: {  	s0 =	simm.s32 $0x6  }
0x169: {  	s3 =	simm.s32 $0x0;
	[sflag:s0] =	ssyncpa.u1 $0x1  }
0x16a: {  	s0 =	simm.s32 $0xC0  }
0x16b: {  	v0 =	vld.msk [tilespmem:s0+$0x0], $0x1;
	_ =	sdelay $0x4  }
0x16c: {  	(v2sf) =	vpush v0, $0x0;
	_ =	sdelay $0xe  }
0x16d: {  	s2 =	sadd.s32 $0xFFFFFFFF, s2;
	s4 =	spop (v2sf)  }
0x16e: {  	p1 =	sne.s32 s2, $0x0;
	p0 =	sgt.u32 s4, $0x27FF  }
.Ltmp24:
0x16f: {  	s5 =	sshrl.u32 @!p0 s4, $0x3;
	(pc) =	sbr.rel @!p1 .LBB3_23-.Ltmp24, $4  }
0x170: {  	s0 =	simm.s32 $0xE0;
	s4 =	sand.u32 @!p0 $0x7, s4;
	s5 =	sadd.s32 @!p0 s1, s5  }
0x171: {  	[hbm4b:s5+s4] =	stream.linear.scatter @!p0 [tilespmem:s0], [sflag:$0x5], $0x1, $0x38;
	[tilespmem:$0x11A60] =	vst v63  }
0x172: {  	s5 =	simm.s32 $0x0  }
0x173: {  	s4 =	simm.s32 $0xC1;
	s5 =	simm.s32 @!p0 $0x4  }
.LBB3_22:
0x174: {  	v0 =	vld.msk [tilespmem:s4+$0x0], $0x1;
	s2 =	sadd.s32 $0xFFFFFFFF, s2;
	s3 =	sadd.s32 s3, s5  }
0x175: {  	p0 =	sne.s32 s2, $0x0;
	_ =	sdelay $0x3  }
0x176: {  	(v2sf) =	vpush v0, $0x0;
	_ =	sdelay $0xe  }
.Ltmp25:
0x177: {  	s6 =	spop (v2sf);
	(pc) =	sbr.rel @p0 .LBB3_22-.Ltmp25, $4  }
0x178: {  	s5 =	simm.s32 $0x0;
	p1 =	sgt.u32 s6, $0x27FF  }
0x179: {  	s0 =	sadd.s32 $0x1, s0;
	s5 =	simm.s32 @!p1 $0x4;
	s7 =	sshrl.u32 @!p1 s6, $0x3  }
0x17a: {  	s4 =	sadd.s32 $0x1, s4;
	s6 =	sand.u32 @!p1 $0x7, s6;
	s7 =	sadd.s32 @!p1 s1, s7  }
0x17b: {  	[hbm4b:s7+s6] =	stream.linear.scatter @!p1 [tilespmem:s0], [sflag:$0x5], $0x1, $0x38;
	[tilespmem:$0x11A60] =	vst v63  }
.LBB3_23:
0x17c: {  	s0 =	sadd.s32 s3, s5  }
0x17d: {  	s3 =	sshrl.u32 s0, $0x2  }
.LBB3_24:
0x17e: {  	s0 =	simm.s32 $0x5  }
0x17f: {  	_ =	swait.ge [sflag:s0], s3  }
0x180: {  	s1 =	ssub.s32 $0x0, s3;
	[sflag:s0] =	ssyncset.done $0x0  }
0x181: {  	[sflag:s0] =	ssyncadd.s32 s1  }
0x182: {  	[sflag:s0] =	ssyncpa.u1 $0x1  }
0x183: {  	s29 =	simm.s32 $0x1;
	_ =	sfence  }
0x184: {  	s30 =	simm.s32 $0x2;
	[sflag:s29] =	ssyncpa.u1 $0x1  }
0x185: {  	[sflag:s30] =	ssyncpa.u1 $0x1  }
0x186: {  	_ =	strace $0x9000004A  }
0x187: {  	[bflag:$0x2] =	sbarrier.arrive $0xFFFF  }
0x188: {  	s31 =	rddreg [dreg:$0x1]  }
0x189: {  	s0 =	sadd.s32 $0x100000, s31  }
0x18a: {  	[sflag:s0] =	ssyncadd.tile.s32 $0x1;
	_ =	shalt  }
.Lfunc_end3:
_tile_overlayer_lowered:
.L_overlay_start_3:
0x18b: {  	(tag) =	ssettag $0x3  }
0x18c: {  	s0 =	rddreg [dreg:$0x0];
	s2 =	stileid.u32  }
0x18d: {  	s1 =	rddreg [dreg:$0x1];
	p0 =	sne.s32 s2, $0x0  }
0x18e: {  	s3 =	rddreg [dreg:$0x2];
	[bflag:$0x3] =	sbarrier.arrive $0xFFFF;
	s2 =	simm.s32 @!p0 $0x1C01  }
0x18f: {  	[timem:s3], [sflag:s2] =	dma.local @!p0 [hbm:s0], s1  }
0x190: {  	s0 =	simm.s32 @!p0 $0x1  }
0x191: {  	_ =	swait.ge @!p0 [sflag:s0], s1  }
0x192: {  	s1 =	ssub.s32 @!p0 $0x0, s1;
	[sflag:s0] =	ssyncset.done @!p0 $0x0  }
0x193: {  	[sflag:s0] =	ssyncadd.s32 @!p0 s1  }
0x194: {  	[bflag:$0x3] =	sbarrier.arrive $0xFFFF  }
0x195: {  	_ =	shalt  }

</sc_bundles>
